<compile_context>
chip_gen: v7x
topology: tpu7x:2x2x1
jax: 0.10.2.dev20260603
libtpu: 0.0.44.dev20260713+nightly
codegen_flags: <defaults>
</compile_context>

<pallas_src>
import functools

import jax
import jax.numpy as jnp
from jax import lax
from jax.experimental import pallas as pl
from jax.experimental.pallas import tpu as pltpu
from jax.experimental.pallas import tpu_sc as plsc

N = 10000
E = 160000
D_IN = 256
D_HID = 512
D_OUT = 256

C = 128
B = 128
NTILES = 16
NCORES = 2
NACC = 10240
PAD_DST = N + 8

NB_MAIN = 80
E_MAIN = NTILES * NB_MAIN * B

NB_DEG = 40
E_DEG = NCORES * NTILES * NB_DEG * B

NPAD = NACC
ROWS_PER_TILE = NPAD // NTILES


def _sc_mesh():
    return plsc.VectorSubcoreMesh(core_axis_name="c", subcore_axis_name="s")


def _deg_body(dst_hbm, ones_hbm, zeros_hbm, out_hbm, idx_v, ones_v, sem, acc):
    c = lax.axis_index("c")
    s = lax.axis_index("s")
    pltpu.sync_copy(dst_hbm.at[c].at[s], idx_v)
    pltpu.sync_copy(ones_hbm, ones_v)
    z0 = s * (NACC // NTILES)
    pltpu.sync_copy(zeros_hbm, acc.at[pl.ds(z0, NACC // NTILES)])
    plsc.subcore_barrier()

    def step(j, carry):
        pltpu.sync_copy(ones_v, acc.at[idx_v.at[j]], add=True)
        return carry

    lax.fori_loop(0, NB_DEG, step, 0)
    plsc.subcore_barrier()
    r0 = s * (NACC // NTILES)
    pltpu.sync_copy(acc.at[pl.ds(r0, NACC // NTILES)],
                    out_hbm.at[c].at[pl.ds(r0, NACC // NTILES)])


def _make_deg_kernel():
    return functools.partial(
        pl.kernel,
        out_type=jax.ShapeDtypeStruct((NCORES, NACC, C), jnp.float32),
        mesh=_sc_mesh(),
        scratch_types=[
            pltpu.VMEM((NB_DEG, B), jnp.int32),
            pltpu.VMEM((B, C), jnp.float32),
            pltpu.SemaphoreType.DMA,
            pltpu.VMEM_SHARED((NACC, C), jnp.float32),
        ],
    )(_deg_body)


def _make_scatter_body(chunks_per_core):
    def body(y_hbm, src_hbm, dst_hbm, out_hbm, src_v, dst_v,
             buf0, buf1, sg0, sg1, acc):
        c = lax.axis_index("c")
        s = lax.axis_index("s")
        r0 = s * ROWS_PER_TILE
        HNB = NB_MAIN // 2
        H = HNB // 2
        for cc_local in range(chunks_per_core):
            cc = c * chunks_per_core + cc_local
            yc = y_hbm.at[cc]
            pltpu.sync_copy(yc.at[pl.ds(r0, ROWS_PER_TILE)],
                            acc.at[pl.ds(r0, ROWS_PER_TILE)])
            plsc.subcore_barrier()

            for half in range(2):
                pltpu.sync_copy(src_hbm.at[s].at[pl.ds(half * HNB, HNB)], src_v)
                pltpu.sync_copy(dst_hbm.at[s].at[pl.ds(half * HNB, HNB)], dst_v)
                pltpu.async_copy(yc.at[src_v.at[0]], buf0, sg0)

                def step(p, carry):
                    j0 = 2 * p
                    pltpu.async_copy(yc.at[src_v.at[j0 + 1]], buf1, sg1)
                    pltpu.make_async_copy(yc.at[src_v.at[j0]], buf0, sg0).wait()
                    pltpu.sync_copy(buf0, acc.at[dst_v.at[j0]], add=True)

                    @pl.when(p < H - 1)
                    def _():
                        pltpu.async_copy(yc.at[src_v.at[j0 + 2]], buf0, sg0)

                    pltpu.make_async_copy(yc.at[src_v.at[j0 + 1]],
                                          buf1, sg1).wait()
                    pltpu.sync_copy(buf1, acc.at[dst_v.at[j0 + 1]], add=True)
                    return carry

                lax.fori_loop(0, H, step, 0)
            plsc.subcore_barrier()
            pltpu.sync_copy(acc.at[pl.ds(r0, ROWS_PER_TILE)],
                            out_hbm.at[cc].at[pl.ds(r0, ROWS_PER_TILE)])
            plsc.subcore_barrier()

    return body


def _make_scatter_kernel(n_chunks):
    chunks_per_core = n_chunks // NCORES
    return functools.partial(
        pl.kernel,
        out_type=jax.ShapeDtypeStruct((n_chunks, NPAD, C), jnp.float32),
        mesh=_sc_mesh(),
        scratch_types=[
            pltpu.VMEM((NB_MAIN // 2, B), jnp.int32),
            pltpu.VMEM((NB_MAIN // 2, B), jnp.int32),
            pltpu.VMEM((B, C), jnp.float32),
            pltpu.VMEM((B, C), jnp.float32),
            pltpu.SemaphoreType.DMA,
            pltpu.SemaphoreType.DMA,
            pltpu.VMEM_SHARED((NACC, C), jnp.float32),
        ],
    )(_make_scatter_body(chunks_per_core))


RB = 5120
NRB = NPAD // RB
DRB = RB // 128


def _dinv_body(deg_ref, o_ref):
    deg = deg_ref[0, :, :] + deg_ref[1, :, :] + 1.0
    o_ref[...] = lax.rsqrt(deg)


def _tc_dinv(deg2):
    return pl.pallas_call(
        _dinv_body,
        grid=(NPAD // RB,),
        in_specs=[pl.BlockSpec((NCORES, RB, C), lambda i: (0, i, 0))],
        out_specs=pl.BlockSpec((RB, 128), lambda i: (i, 0)),
        out_shape=jax.ShapeDtypeStruct((NPAD, 128), jnp.float32),
    )(deg2)


def _mm1_body(dinv_ref, x_ref, w_ref, o_ref):
    dinv = dinv_ref[:, 0:1]
    xw = jnp.dot(x_ref[...], w_ref[...], preferred_element_type=jnp.float32)
    y = dinv * xw
    for k in range(D_HID // C):
        o_ref[k] = y[:, k * C:(k + 1) * C]


def _tc_mm1(dinv_c, x, w1):
    n_chunks = w1.shape[1] // C
    return pl.pallas_call(
        _mm1_body,
        grid=(NPAD // RB,),
        in_specs=[
            pl.BlockSpec((RB, 128), lambda i: (i, 0)),
            pl.BlockSpec((RB, D_IN), lambda i: (i, 0)),
            pl.BlockSpec((D_IN, D_HID), lambda i: (0, 0)),
        ],
        out_specs=pl.BlockSpec((n_chunks, RB, C), lambda i: (0, i, 0)),
        out_shape=jax.ShapeDtypeStruct((n_chunks, NPAD, C), jnp.float32),
    )(dinv_c, x, w1)


def _mm2_body(dinv_ref, s1_ref, b1_ref, w_ref, o_ref):
    dinv = dinv_ref[:, 0:1]
    s1 = jnp.concatenate([s1_ref[k] for k in range(4)], axis=1)
    h = jax.nn.relu(dinv * s1 + b1_ref[0][None, :])
    y = dinv * jnp.dot(h, w_ref[...], preferred_element_type=jnp.float32)
    for k in range(D_OUT // C):
        o_ref[k] = y[:, k * C:(k + 1) * C]


def _tc_mm2(dinv_c, s1, b1, w2):
    n1 = s1.shape[0]
    n_chunks = w2.shape[1] // C
    return pl.pallas_call(
        _mm2_body,
        grid=(NPAD // RB,),
        in_specs=[
            pl.BlockSpec((RB, 128), lambda i: (i, 0)),
            pl.BlockSpec((n1, RB, C), lambda i: (0, i, 0)),
            pl.BlockSpec((1, D_HID), lambda i: (0, 0)),
            pl.BlockSpec((D_HID, D_OUT), lambda i: (0, 0)),
        ],
        out_specs=pl.BlockSpec((n_chunks, RB, C), lambda i: (0, i, 0)),
        out_shape=jax.ShapeDtypeStruct((n_chunks, NPAD, C), jnp.float32),
    )(dinv_c, s1, b1, w2)


def _fin_body(dinv_ref, s2_ref, b2_ref, o_ref):
    dinv = dinv_ref[:, 0:1]
    s2 = jnp.concatenate([s2_ref[k] for k in range(2)], axis=1)
    o_ref[...] = dinv * s2 + b2_ref[0][None, :]


def _tc_final(dinv_c, s2, b2):
    n2 = s2.shape[0]
    return pl.pallas_call(
        _fin_body,
        grid=(NPAD // RB,),
        in_specs=[
            pl.BlockSpec((RB, 128), lambda i: (i, 0)),
            pl.BlockSpec((n2, RB, C), lambda i: (0, i, 0)),
            pl.BlockSpec((1, D_OUT), lambda i: (0, 0)),
        ],
        out_specs=pl.BlockSpec((RB, D_OUT), lambda i: (i, 0)),
        out_shape=jax.ShapeDtypeStruct((NPAD, D_OUT), jnp.float32),
    )(dinv_c, s2, b2)


def _pad_scatter_rows(n):
    return N + (jnp.arange(n, dtype=jnp.int32) % (NACC - N))


def _pad_indices(src, dst):
    pad = E_MAIN - E
    src_p = jnp.concatenate([src, jnp.arange(pad, dtype=jnp.int32) % N])
    dst_p = jnp.concatenate([dst, _pad_scatter_rows(pad)])
    return (src_p.reshape(NTILES, NB_MAIN, B),
            dst_p.reshape(NTILES, NB_MAIN, B))


def _pad_deg_indices(dst):
    pad = E_DEG - E
    dst_p = jnp.concatenate([dst, _pad_scatter_rows(pad)])
    return dst_p.reshape(NCORES, NTILES, NB_DEG, B)


@jax.jit
def kernel(x, edge_index, W1, b1, W2, b2):
    src = edge_index[0].astype(jnp.int32)
    dst = edge_index[1].astype(jnp.int32)
    src_m, dst_m = _pad_indices(src, dst)
    dst_d = _pad_deg_indices(dst)

    ones = jnp.ones((B, C), jnp.float32)
    zeros = jnp.zeros((NACC // NTILES, C), jnp.float32)

    deg2 = _make_deg_kernel()(dst_d, ones, zeros)
    dinv_c = _tc_dinv(deg2)

    x_p = jnp.zeros((NPAD, D_IN), jnp.float32).at[:N].set(x)
    y1 = _tc_mm1(dinv_c, x_p, W1)
    s1 = _make_scatter_kernel(D_HID // C)(y1, src_m, dst_m)
    y2 = _tc_mm2(dinv_c, s1, b1.reshape(1, D_HID), W2)
    s2 = _make_scatter_kernel(D_OUT // C)(y2, src_m, dst_m)
    out = _tc_final(dinv_c, s2, b2.reshape(1, D_OUT))
    return out[:N]

# --- scband reference (transcript-rebuilt; emitter-appended) ---
"""Pipeline reference for scband-gnn-84404697301805 (READ-ONLY COPY).

The authoritative reference and input builder live on the scoring server;
editing this copy changes nothing except your own understanding.
"""

import jax, jax.numpy as jnp
import numpy as np

N = 10000
E = 160000
D_IN = 256
D_HID = 512
D_OUT = 256


def setup_inputs(seed: int = 0) -> dict:
    key = jax.random.key(seed)
    k1, k2, k3, k4 = jax.random.split(key, 4)
    x = jax.random.normal(k1, (N, D_IN), dtype=jnp.float32)
    edge_index = jax.random.randint(k2, (2, E), 0, N)
    W1 = jax.random.normal(k3, (D_IN, D_HID), dtype=jnp.float32) * (1.0 / np.sqrt(D_IN))
    b1 = jnp.zeros((D_HID,), dtype=jnp.float32)
    W2 = jax.random.normal(k4, (D_HID, D_OUT), dtype=jnp.float32) * (1.0 / np.sqrt(D_HID))
    b2 = jnp.zeros((D_OUT,), dtype=jnp.float32)
    return {"x": x, "edge_index": edge_index, "W1": W1, "b1": b1, "W2": W2, "b2": b2}


def gcn_conv(x, edge_index, W, b):
    # GCNConv: add self-loops, symmetric normalization D^-1/2 (A+I) D^-1/2, then linear
    src = edge_index[0]
    dst = edge_index[1]
    loop = jnp.arange(N, dtype=src.dtype)
    src = jnp.concatenate([src, loop])
    dst = jnp.concatenate([dst, loop])
    ew = jnp.ones(src.shape[0], dtype=x.dtype)
    deg = jax.ops.segment_sum(ew, dst, num_segments=N)
    deg_inv_sqrt = jnp.where(deg > 0, jax.lax.rsqrt(jnp.maximum(deg, 1e-12)), 0.0)
    norm = deg_inv_sqrt[src] * ew * deg_inv_sqrt[dst]
    xw = x @ W
    msg = xw[src] * norm[:, None]
    out = jax.ops.segment_sum(msg, dst, num_segments=N)
    return out + b


def reference(x, edge_index, W1, b1, W2, b2):
    # dropout(p=0.5) is identity in eval mode
    h = gcn_conv(x, edge_index, W1, b1)
    h = jax.nn.relu(h)
    out = gcn_conv(h, edge_index, W2, b2)
    return out

if __name__ == "__main__":
    import jax
    _d = setup_inputs()
    print(jax.jit(kernel)(*tuple(_d.values())))

</pallas_src>

<mosaic_0001>
#map = affine_map<(d0, d1) -> (0, 0, 0)>
module attributes {stable_mosaic.version = 14 : i64} {
  func.func @body(%arg0: i32, %arg1: i32, %arg2: memref<4x10240x128xf32, #tpu.memory_space<hbm>>, %arg3: memref<16x80x128xi32, #tpu.memory_space<hbm>>, %arg4: memref<16x80x128xi32, #tpu.memory_space<hbm>>, %arg5: memref<4x10240x128xf32, #tpu.memory_space<hbm>>, %arg6: memref<40x128xi32, #tpu.memory_space<vmem>>, %arg7: memref<40x128xi32, #tpu.memory_space<vmem>>, %arg8: memref<128x128xf32, #tpu.memory_space<vmem>>, %arg9: memref<128x128xf32, #tpu.memory_space<vmem>>, %arg10: memref<!tpu.dma_semaphore, #tpu.memory_space<semaphore_mem>>, %arg11: memref<!tpu.dma_semaphore, #tpu.memory_space<semaphore_mem>>, %arg12: memref<10240x128xf32, #tpu.memory_space<vmem_shared>>) attributes {dimension_semantics = [#tpu.dimension_semantics<core_parallel>, #tpu.dimension_semantics<subcore_parallel>], iteration_bounds = array<i64: 2, 16>, scalar_prefetch = 0 : i64, scratch_operands = 7 : i64, tpu.core_type = #tpu.core_type<sc_vector_subcore>, window_params = [{transform_indices = #map}, {transform_indices = #map}, {transform_indices = #map}, {transform_indices = #map}]} {
    %mul3A = arith.constant 640 : i32
    %mul3A_0 = arith.muli %arg1, %mul3A : i32
    %mul3A_1 = arith.constant 2 : i32
    %mul3A_2 = arith.muli %arg0, %mul3A_1 : i32
    %add3A = arith.constant 0 : i32
    %add3A_3 = arith.addi %mul3A_2, %add3A : i32
    "tpu.region"() ({
      %run_scoped3A = tpu.sem_alloc : memref<!tpu.dma_semaphore, #tpu.memory_space<semaphore_mem>>
      %dma_start3A_79 = arith.constant 0 : i32
      %dma_start3A_80 = tpu.memref_slice %arg12[%mul3A_0, %dma_start3A_79] : memref<10240x128xf32, #tpu.memory_space<vmem_shared>> -> memref<640x128xf32, #tpu.memory_space<vmem_shared>>
      %dma_start3A_81 = arith.constant 0 : i32
      %dma_start3A_82 = arith.constant 0 : i32
      %dma_start3A_83 = tpu.memref_slice %arg2[%add3A_3, %dma_start3A_81, %dma_start3A_82] : memref<4x10240x128xf32, #tpu.memory_space<hbm>> -> memref<1x10240x128xf32, #tpu.memory_space<hbm>>
      %dma_start3A_84 = tpu.memref_squeeze %dma_start3A_83 : memref<1x10240x128xf32, #tpu.memory_space<hbm>> -> memref<10240x128xf32, #tpu.memory_space<hbm>>
      %dma_start3A_85 = arith.constant 0 : i32
      %dma_start3A_86 = tpu.memref_slice %dma_start3A_84[%mul3A_0, %dma_start3A_85] : memref<10240x128xf32, #tpu.memory_space<hbm>> -> memref<640x128xf32, #tpu.memory_space<hbm>>
      tpu.enqueue_dma source(%dma_start3A_86 : memref<640x128xf32, #tpu.memory_space<hbm>>) target(%dma_start3A_80 : memref<640x128xf32, #tpu.memory_space<vmem_shared>>) target_semaphore(%run_scoped3A : memref<!tpu.dma_semaphore, #tpu.memory_space<semaphore_mem>>)
      %dma_wait3A = arith.constant 0 : i32
      %dma_wait3A_87 = tpu.memref_slice %arg12[%mul3A_0, %dma_wait3A] : memref<10240x128xf32, #tpu.memory_space<vmem_shared>> -> memref<640x128xf32, #tpu.memory_space<vmem_shared>>
      %dma_wait3A_88 = arith.constant 0 : i32
      %dma_wait3A_89 = arith.constant 0 : i32
      %dma_wait3A_90 = tpu.memref_slice %arg2[%add3A_3, %dma_wait3A_88, %dma_wait3A_89] : memref<4x10240x128xf32, #tpu.memory_space<hbm>> -> memref<1x10240x128xf32, #tpu.memory_space<hbm>>
      %dma_wait3A_91 = tpu.memref_squeeze %dma_wait3A_90 : memref<1x10240x128xf32, #tpu.memory_space<hbm>> -> memref<10240x128xf32, #tpu.memory_space<hbm>>
      %dma_wait3A_92 = arith.constant 0 : i32
      %dma_wait3A_93 = tpu.memref_slice %dma_wait3A_91[%mul3A_0, %dma_wait3A_92] : memref<10240x128xf32, #tpu.memory_space<hbm>> -> memref<640x128xf32, #tpu.memory_space<hbm>>
      tpu.wait_dma2 semaphore(%run_scoped3A : memref<!tpu.dma_semaphore, #tpu.memory_space<semaphore_mem>>) src(%dma_wait3A_93 : memref<640x128xf32, #tpu.memory_space<hbm>>) dst(%dma_wait3A_87 : memref<640x128xf32, #tpu.memory_space<vmem_shared>>)
      tpu.yield
    }) : () -> ()
    %barrier3A = arith.constant 0 : index
    tpu.barrier barrier_id(%barrier3A)
    "tpu.region"() ({
      %run_scoped3A = tpu.sem_alloc : memref<!tpu.dma_semaphore, #tpu.memory_space<semaphore_mem>>
      %dma_start3A_79 = arith.constant 0 : i32
      %dma_start3A_80 = arith.constant 0 : i32
      %dma_start3A_81 = tpu.memref_slice %arg3[%arg1, %dma_start3A_79, %dma_start3A_80] : memref<16x80x128xi32, #tpu.memory_space<hbm>> -> memref<1x80x128xi32, #tpu.memory_space<hbm>>
      %dma_start3A_82 = tpu.memref_squeeze %dma_start3A_81 : memref<1x80x128xi32, #tpu.memory_space<hbm>> -> memref<80x128xi32, #tpu.memory_space<hbm>>
      %dma_start3A_83 = arith.constant 0 : i32
      %dma_start3A_84 = arith.constant 0 : i32
      %dma_start3A_85 = tpu.memref_slice %dma_start3A_82[%dma_start3A_83, %dma_start3A_84] : memref<80x128xi32, #tpu.memory_space<hbm>> -> memref<40x128xi32, #tpu.memory_space<hbm>>
      %dma_start3A_86 = arith.constant 0 : i32
      %dma_start3A_87 = arith.constant 0 : i32
      %dma_start3A_88 = tpu.memref_slice %arg3[%arg1, %dma_start3A_86, %dma_start3A_87] : memref<16x80x128xi32, #tpu.memory_space<hbm>> -> memref<1x80x128xi32, #tpu.memory_space<hbm>>
      %dma_start3A_89 = tpu.memref_squeeze %dma_start3A_88 : memref<1x80x128xi32, #tpu.memory_space<hbm>> -> memref<80x128xi32, #tpu.memory_space<hbm>>
      %dma_start3A_90 = arith.constant 0 : i32
      %dma_start3A_91 = arith.constant 0 : i32
      %dma_start3A_92 = tpu.memref_slice %dma_start3A_89[%dma_start3A_90, %dma_start3A_91] : memref<80x128xi32, #tpu.memory_space<hbm>> -> memref<40x128xi32, #tpu.memory_space<hbm>>
      tpu.enqueue_dma source(%dma_start3A_92 : memref<40x128xi32, #tpu.memory_space<hbm>>) target(%arg6 : memref<40x128xi32, #tpu.memory_space<vmem>>) target_semaphore(%run_scoped3A : memref<!tpu.dma_semaphore, #tpu.memory_space<semaphore_mem>>)
      %dma_wait3A = arith.constant 0 : i32
      %dma_wait3A_93 = arith.constant 0 : i32
      %dma_wait3A_94 = tpu.memref_slice %arg3[%arg1, %dma_wait3A, %dma_wait3A_93] : memref<16x80x128xi32, #tpu.memory_space<hbm>> -> memref<1x80x128xi32, #tpu.memory_space<hbm>>
      %dma_wait3A_95 = tpu.memref_squeeze %dma_wait3A_94 : memref<1x80x128xi32, #tpu.memory_space<hbm>> -> memref<80x128xi32, #tpu.memory_space<hbm>>
      %dma_wait3A_96 = arith.constant 0 : i32
      %dma_wait3A_97 = arith.constant 0 : i32
      %dma_wait3A_98 = tpu.memref_slice %dma_wait3A_95[%dma_wait3A_96, %dma_wait3A_97] : memref<80x128xi32, #tpu.memory_space<hbm>> -> memref<40x128xi32, #tpu.memory_space<hbm>>
      %dma_wait3A_99 = arith.constant 0 : i32
      %dma_wait3A_100 = arith.constant 0 : i32
      %dma_wait3A_101 = tpu.memref_slice %arg3[%arg1, %dma_wait3A_99, %dma_wait3A_100] : memref<16x80x128xi32, #tpu.memory_space<hbm>> -> memref<1x80x128xi32, #tpu.memory_space<hbm>>
      %dma_wait3A_102 = tpu.memref_squeeze %dma_wait3A_101 : memref<1x80x128xi32, #tpu.memory_space<hbm>> -> memref<80x128xi32, #tpu.memory_space<hbm>>
      %dma_wait3A_103 = arith.constant 0 : i32
      %dma_wait3A_104 = arith.constant 0 : i32
      %dma_wait3A_105 = tpu.memref_slice %dma_wait3A_102[%dma_wait3A_103, %dma_wait3A_104] : memref<80x128xi32, #tpu.memory_space<hbm>> -> memref<40x128xi32, #tpu.memory_space<hbm>>
      tpu.wait_dma2 semaphore(%run_scoped3A : memref<!tpu.dma_semaphore, #tpu.memory_space<semaphore_mem>>) src(%dma_wait3A_105 : memref<40x128xi32, #tpu.memory_space<hbm>>) dst(%arg6 : memref<40x128xi32, #tpu.memory_space<vmem>>)
      tpu.yield
    }) : () -> ()
    "tpu.region"() ({
      %run_scoped3A = tpu.sem_alloc : memref<!tpu.dma_semaphore, #tpu.memory_space<semaphore_mem>>
      %dma_start3A_79 = arith.constant 0 : i32
      %dma_start3A_80 = arith.constant 0 : i32
      %dma_start3A_81 = tpu.memref_slice %arg4[%arg1, %dma_start3A_79, %dma_start3A_80] : memref<16x80x128xi32, #tpu.memory_space<hbm>> -> memref<1x80x128xi32, #tpu.memory_space<hbm>>
      %dma_start3A_82 = tpu.memref_squeeze %dma_start3A_81 : memref<1x80x128xi32, #tpu.memory_space<hbm>> -> memref<80x128xi32, #tpu.memory_space<hbm>>
      %dma_start3A_83 = arith.constant 0 : i32
      %dma_start3A_84 = arith.constant 0 : i32
      %dma_start3A_85 = tpu.memref_slice %dma_start3A_82[%dma_start3A_83, %dma_start3A_84] : memref<80x128xi32, #tpu.memory_space<hbm>> -> memref<40x128xi32, #tpu.memory_space<hbm>>
      %dma_start3A_86 = arith.constant 0 : i32
      %dma_start3A_87 = arith.constant 0 : i32
      %dma_start3A_88 = tpu.memref_slice %arg4[%arg1, %dma_start3A_86, %dma_start3A_87] : memref<16x80x128xi32, #tpu.memory_space<hbm>> -> memref<1x80x128xi32, #tpu.memory_space<hbm>>
      %dma_start3A_89 = tpu.memref_squeeze %dma_start3A_88 : memref<1x80x128xi32, #tpu.memory_space<hbm>> -> memref<80x128xi32, #tpu.memory_space<hbm>>
      %dma_start3A_90 = arith.constant 0 : i32
      %dma_start3A_91 = arith.constant 0 : i32
      %dma_start3A_92 = tpu.memref_slice %dma_start3A_89[%dma_start3A_90, %dma_start3A_91] : memref<80x128xi32, #tpu.memory_space<hbm>> -> memref<40x128xi32, #tpu.memory_space<hbm>>
      tpu.enqueue_dma source(%dma_start3A_92 : memref<40x128xi32, #tpu.memory_space<hbm>>) target(%arg7 : memref<40x128xi32, #tpu.memory_space<vmem>>) target_semaphore(%run_scoped3A : memref<!tpu.dma_semaphore, #tpu.memory_space<semaphore_mem>>)
      %dma_wait3A = arith.constant 0 : i32
      %dma_wait3A_93 = arith.constant 0 : i32
      %dma_wait3A_94 = tpu.memref_slice %arg4[%arg1, %dma_wait3A, %dma_wait3A_93] : memref<16x80x128xi32, #tpu.memory_space<hbm>> -> memref<1x80x128xi32, #tpu.memory_space<hbm>>
      %dma_wait3A_95 = tpu.memref_squeeze %dma_wait3A_94 : memref<1x80x128xi32, #tpu.memory_space<hbm>> -> memref<80x128xi32, #tpu.memory_space<hbm>>
      %dma_wait3A_96 = arith.constant 0 : i32
      %dma_wait3A_97 = arith.constant 0 : i32
      %dma_wait3A_98 = tpu.memref_slice %dma_wait3A_95[%dma_wait3A_96, %dma_wait3A_97] : memref<80x128xi32, #tpu.memory_space<hbm>> -> memref<40x128xi32, #tpu.memory_space<hbm>>
      %dma_wait3A_99 = arith.constant 0 : i32
      %dma_wait3A_100 = arith.constant 0 : i32
      %dma_wait3A_101 = tpu.memref_slice %arg4[%arg1, %dma_wait3A_99, %dma_wait3A_100] : memref<16x80x128xi32, #tpu.memory_space<hbm>> -> memref<1x80x128xi32, #tpu.memory_space<hbm>>
      %dma_wait3A_102 = tpu.memref_squeeze %dma_wait3A_101 : memref<1x80x128xi32, #tpu.memory_space<hbm>> -> memref<80x128xi32, #tpu.memory_space<hbm>>
      %dma_wait3A_103 = arith.constant 0 : i32
      %dma_wait3A_104 = arith.constant 0 : i32
      %dma_wait3A_105 = tpu.memref_slice %dma_wait3A_102[%dma_wait3A_103, %dma_wait3A_104] : memref<80x128xi32, #tpu.memory_space<hbm>> -> memref<40x128xi32, #tpu.memory_space<hbm>>
      tpu.wait_dma2 semaphore(%run_scoped3A : memref<!tpu.dma_semaphore, #tpu.memory_space<semaphore_mem>>) src(%dma_wait3A_105 : memref<40x128xi32, #tpu.memory_space<hbm>>) dst(%arg7 : memref<40x128xi32, #tpu.memory_space<vmem>>)
      tpu.yield
    }) : () -> ()
    %dma_start3A = arith.constant 0 : i32
    %dma_start3A_4 = arith.constant 0 : i32
    %dma_start3A_5 = tpu.memref_slice %arg6[%dma_start3A, %dma_start3A_4] : memref<40x128xi32, #tpu.memory_space<vmem>> -> memref<1x128xi32, #tpu.memory_space<vmem>>
    %dma_start3A_6 = tpu.memref_squeeze %dma_start3A_5 : memref<1x128xi32, #tpu.memory_space<vmem>> -> memref<128xi32, #tpu.memory_space<vmem>>
    %dma_start3A_7 = arith.constant 0 : i32
    %dma_start3A_8 = arith.constant 0 : i32
    %dma_start3A_9 = tpu.memref_slice %arg2[%add3A_3, %dma_start3A_7, %dma_start3A_8] : memref<4x10240x128xf32, #tpu.memory_space<hbm>> -> memref<1x10240x128xf32, #tpu.memory_space<hbm>>
    %dma_start3A_10 = tpu.memref_squeeze %dma_start3A_9 : memref<1x10240x128xf32, #tpu.memory_space<hbm>> -> memref<10240x128xf32, #tpu.memory_space<hbm>>
    %dma_start3A_11 = arith.constant 0 : i32
    %dma_start3A_12 = arith.constant 0 : i32
    %dma_start3A_13 = tpu.memref_slice %dma_start3A_10[%dma_start3A_11, %dma_start3A_12] : memref<10240x128xf32, #tpu.memory_space<hbm>> -> memref<10240x128xf32, #tpu.memory_space<hbm>>
    tpu.enqueue_indirect_dma source(%dma_start3A_13 : memref<10240x128xf32, #tpu.memory_space<hbm>>) target(%arg8 : memref<128x128xf32, #tpu.memory_space<vmem>>) offsets(%dma_start3A_6 : memref<128xi32, #tpu.memory_space<vmem>>) semaphore(%arg10 : memref<!tpu.dma_semaphore, #tpu.memory_space<semaphore_mem>>)
    %scan3A = arith.constant 0 : i32
    %scan3A_14 = arith.constant 0 : i32
    %scan3A_15 = arith.constant 20 : i32
    %scan3A_16 = arith.addi %scan3A_14, %scan3A_15 : i32
    %scan3A_17 = arith.constant 1 : i32
    scf.for %scan3A_79 = %scan3A_14 to %scan3A_16 step %scan3A_17  : i32 {
      %mul3A_80 = arith.constant 2 : i32
      %mul3A_81 = arith.muli %mul3A_80, %scan3A_79 : i32
      %add3A_82 = arith.constant 1 : i32
      %add3A_83 = arith.addi %mul3A_81, %add3A_82 : i32
      %dma_start3A_84 = arith.constant 0 : i32
      %dma_start3A_85 = tpu.memref_slice %arg6[%add3A_83, %dma_start3A_84] : memref<40x128xi32, #tpu.memory_space<vmem>> -> memref<1x128xi32, #tpu.memory_space<vmem>>
      %dma_start3A_86 = tpu.memref_squeeze %dma_start3A_85 : memref<1x128xi32, #tpu.memory_space<vmem>> -> memref<128xi32, #tpu.memory_space<vmem>>
      %dma_start3A_87 = arith.constant 0 : i32
      %dma_start3A_88 = arith.constant 0 : i32
      %dma_start3A_89 = tpu.memref_slice %arg2[%add3A_3, %dma_start3A_87, %dma_start3A_88] : memref<4x10240x128xf32, #tpu.memory_space<hbm>> -> memref<1x10240x128xf32, #tpu.memory_space<hbm>>
      %dma_start3A_90 = tpu.memref_squeeze %dma_start3A_89 : memref<1x10240x128xf32, #tpu.memory_space<hbm>> -> memref<10240x128xf32, #tpu.memory_space<hbm>>
      %dma_start3A_91 = arith.constant 0 : i32
      %dma_start3A_92 = arith.constant 0 : i32
      %dma_start3A_93 = tpu.memref_slice %dma_start3A_90[%dma_start3A_91, %dma_start3A_92] : memref<10240x128xf32, #tpu.memory_space<hbm>> -> memref<10240x128xf32, #tpu.memory_space<hbm>>
      tpu.enqueue_indirect_dma source(%dma_start3A_93 : memref<10240x128xf32, #tpu.memory_space<hbm>>) target(%arg9 : memref<128x128xf32, #tpu.memory_space<vmem>>) offsets(%dma_start3A_86 : memref<128xi32, #tpu.memory_space<vmem>>) semaphore(%arg11 : memref<!tpu.dma_semaphore, #tpu.memory_space<semaphore_mem>>)
      %dma_wait3A = arith.constant 0 : i32
      %dma_wait3A_94 = tpu.memref_slice %arg6[%mul3A_81, %dma_wait3A] : memref<40x128xi32, #tpu.memory_space<vmem>> -> memref<1x128xi32, #tpu.memory_space<vmem>>
      %dma_wait3A_95 = tpu.memref_squeeze %dma_wait3A_94 : memref<1x128xi32, #tpu.memory_space<vmem>> -> memref<128xi32, #tpu.memory_space<vmem>>
      %dma_wait3A_96 = arith.constant 0 : i32
      %dma_wait3A_97 = arith.constant 0 : i32
      %dma_wait3A_98 = tpu.memref_slice %arg2[%add3A_3, %dma_wait3A_96, %dma_wait3A_97] : memref<4x10240x128xf32, #tpu.memory_space<hbm>> -> memref<1x10240x128xf32, #tpu.memory_space<hbm>>
      %dma_wait3A_99 = tpu.memref_squeeze %dma_wait3A_98 : memref<1x10240x128xf32, #tpu.memory_space<hbm>> -> memref<10240x128xf32, #tpu.memory_space<hbm>>
      %dma_wait3A_100 = arith.constant 0 : i32
      %dma_wait3A_101 = arith.constant 0 : i32
      %dma_wait3A_102 = tpu.memref_slice %dma_wait3A_99[%dma_wait3A_100, %dma_wait3A_101] : memref<10240x128xf32, #tpu.memory_space<hbm>> -> memref<10240x128xf32, #tpu.memory_space<hbm>>
      tpu.wait_indirect_dma semaphore(%arg10 : memref<!tpu.dma_semaphore, #tpu.memory_space<semaphore_mem>>) src(%dma_wait3A_102 : memref<10240x128xf32, #tpu.memory_space<hbm>>) dst(%arg8 : memref<128x128xf32, #tpu.memory_space<vmem>>)
      "tpu.region"() ({
        %run_scoped3A = tpu.sem_alloc : memref<!tpu.dma_semaphore, #tpu.memory_space<semaphore_mem>>
        %dma_start3A_119 = arith.constant 0 : i32
        %dma_start3A_120 = tpu.memref_slice %arg7[%mul3A_81, %dma_start3A_119] : memref<40x128xi32, #tpu.memory_space<vmem>> -> memref<1x128xi32, #tpu.memory_space<vmem>>
        %dma_start3A_121 = tpu.memref_squeeze %dma_start3A_120 : memref<1x128xi32, #tpu.memory_space<vmem>> -> memref<128xi32, #tpu.memory_space<vmem>>
        %dma_start3A_122 = arith.constant 0 : i32
        %dma_start3A_123 = arith.constant 0 : i32
        %dma_start3A_124 = tpu.memref_slice %arg12[%dma_start3A_122, %dma_start3A_123] : memref<10240x128xf32, #tpu.memory_space<vmem_shared>> -> memref<10240x128xf32, #tpu.memory_space<vmem_shared>>
        tpu.enqueue_indirect_dma source(%arg8 : memref<128x128xf32, #tpu.memory_space<vmem>>) target(%dma_start3A_124 : memref<10240x128xf32, #tpu.memory_space<vmem_shared>>) offsets(%dma_start3A_121 : memref<128xi32, #tpu.memory_space<vmem>>) semaphore(%run_scoped3A : memref<!tpu.dma_semaphore, #tpu.memory_space<semaphore_mem>>) {add = true}
        %dma_wait3A_125 = arith.constant 0 : i32
        %dma_wait3A_126 = tpu.memref_slice %arg7[%mul3A_81, %dma_wait3A_125] : memref<40x128xi32, #tpu.memory_space<vmem>> -> memref<1x128xi32, #tpu.memory_space<vmem>>
        %dma_wait3A_127 = tpu.memref_squeeze %dma_wait3A_126 : memref<1x128xi32, #tpu.memory_space<vmem>> -> memref<128xi32, #tpu.memory_space<vmem>>
        %dma_wait3A_128 = arith.constant 0 : i32
        %dma_wait3A_129 = arith.constant 0 : i32
        %dma_wait3A_130 = tpu.memref_slice %arg12[%dma_wait3A_128, %dma_wait3A_129] : memref<10240x128xf32, #tpu.memory_space<vmem_shared>> -> memref<10240x128xf32, #tpu.memory_space<vmem_shared>>
        tpu.wait_indirect_dma semaphore(%run_scoped3A : memref<!tpu.dma_semaphore, #tpu.memory_space<semaphore_mem>>) src(%arg8 : memref<128x128xf32, #tpu.memory_space<vmem>>) dst(%dma_wait3A_130 : memref<10240x128xf32, #tpu.memory_space<vmem_shared>>)
        tpu.yield
      }) : () -> ()
      %lt3A = arith.constant 19 : i32
      %lt3A_103 = arith.cmpi slt, %scan3A_79, %lt3A : i32
      %convert_element_type3A = arith.extui %lt3A_103 : i1 to i32
      %cond3A = arith.constant 0 : i32
      %cond3A_104 = arith.cmpi ne, %convert_element_type3A, %cond3A : i32
      scf.if %cond3A_104 {
        %add3A_119 = arith.constant 2 : i32
        %add3A_120 = arith.addi %mul3A_81, %add3A_119 : i32
        %dma_start3A_121 = arith.constant 0 : i32
        %dma_start3A_122 = tpu.memref_slice %arg6[%add3A_120, %dma_start3A_121] : memref<40x128xi32, #tpu.memory_space<vmem>> -> memref<1x128xi32, #tpu.memory_space<vmem>>
        %dma_start3A_123 = tpu.memref_squeeze %dma_start3A_122 : memref<1x128xi32, #tpu.memory_space<vmem>> -> memref<128xi32, #tpu.memory_space<vmem>>
        %dma_start3A_124 = arith.constant 0 : i32
        %dma_start3A_125 = arith.constant 0 : i32
        %dma_start3A_126 = tpu.memref_slice %arg2[%add3A_3, %dma_start3A_124, %dma_start3A_125] : memref<4x10240x128xf32, #tpu.memory_space<hbm>> -> memref<1x10240x128xf32, #tpu.memory_space<hbm>>
        %dma_start3A_127 = tpu.memref_squeeze %dma_start3A_126 : memref<1x10240x128xf32, #tpu.memory_space<hbm>> -> memref<10240x128xf32, #tpu.memory_space<hbm>>
        %dma_start3A_128 = arith.constant 0 : i32
        %dma_start3A_129 = arith.constant 0 : i32
        %dma_start3A_130 = tpu.memref_slice %dma_start3A_127[%dma_start3A_128, %dma_start3A_129] : memref<10240x128xf32, #tpu.memory_space<hbm>> -> memref<10240x128xf32, #tpu.memory_space<hbm>>
        tpu.enqueue_indirect_dma source(%dma_start3A_130 : memref<10240x128xf32, #tpu.memory_space<hbm>>) target(%arg8 : memref<128x128xf32, #tpu.memory_space<vmem>>) offsets(%dma_start3A_123 : memref<128xi32, #tpu.memory_space<vmem>>) semaphore(%arg10 : memref<!tpu.dma_semaphore, #tpu.memory_space<semaphore_mem>>)
      } else {
      }
      %add3A_105 = arith.constant 1 : i32
      %add3A_106 = arith.addi %mul3A_81, %add3A_105 : i32
      %dma_wait3A_107 = arith.constant 0 : i32
      %dma_wait3A_108 = tpu.memref_slice %arg6[%add3A_106, %dma_wait3A_107] : memref<40x128xi32, #tpu.memory_space<vmem>> -> memref<1x128xi32, #tpu.memory_space<vmem>>
      %dma_wait3A_109 = tpu.memref_squeeze %dma_wait3A_108 : memref<1x128xi32, #tpu.memory_space<vmem>> -> memref<128xi32, #tpu.memory_space<vmem>>
      %dma_wait3A_110 = arith.constant 0 : i32
      %dma_wait3A_111 = arith.constant 0 : i32
      %dma_wait3A_112 = tpu.memref_slice %arg2[%add3A_3, %dma_wait3A_110, %dma_wait3A_111] : memref<4x10240x128xf32, #tpu.memory_space<hbm>> -> memref<1x10240x128xf32, #tpu.memory_space<hbm>>
      %dma_wait3A_113 = tpu.memref_squeeze %dma_wait3A_112 : memref<1x10240x128xf32, #tpu.memory_space<hbm>> -> memref<10240x128xf32, #tpu.memory_space<hbm>>
      %dma_wait3A_114 = arith.constant 0 : i32
      %dma_wait3A_115 = arith.constant 0 : i32
      %dma_wait3A_116 = tpu.memref_slice %dma_wait3A_113[%dma_wait3A_114, %dma_wait3A_115] : memref<10240x128xf32, #tpu.memory_space<hbm>> -> memref<10240x128xf32, #tpu.memory_space<hbm>>
      tpu.wait_indirect_dma semaphore(%arg11 : memref<!tpu.dma_semaphore, #tpu.memory_space<semaphore_mem>>) src(%dma_wait3A_116 : memref<10240x128xf32, #tpu.memory_space<hbm>>) dst(%arg9 : memref<128x128xf32, #tpu.memory_space<vmem>>)
      %add3A_117 = arith.constant 1 : i32
      %add3A_118 = arith.addi %mul3A_81, %add3A_117 : i32
      "tpu.region"() ({
        %run_scoped3A = tpu.sem_alloc : memref<!tpu.dma_semaphore, #tpu.memory_space<semaphore_mem>>
        %dma_start3A_119 = arith.constant 0 : i32
        %dma_start3A_120 = tpu.memref_slice %arg7[%add3A_118, %dma_start3A_119] : memref<40x128xi32, #tpu.memory_space<vmem>> -> memref<1x128xi32, #tpu.memory_space<vmem>>
        %dma_start3A_121 = tpu.memref_squeeze %dma_start3A_120 : memref<1x128xi32, #tpu.memory_space<vmem>> -> memref<128xi32, #tpu.memory_space<vmem>>
        %dma_start3A_122 = arith.constant 0 : i32
        %dma_start3A_123 = arith.constant 0 : i32
        %dma_start3A_124 = tpu.memref_slice %arg12[%dma_start3A_122, %dma_start3A_123] : memref<10240x128xf32, #tpu.memory_space<vmem_shared>> -> memref<10240x128xf32, #tpu.memory_space<vmem_shared>>
        tpu.enqueue_indirect_dma source(%arg9 : memref<128x128xf32, #tpu.memory_space<vmem>>) target(%dma_start3A_124 : memref<10240x128xf32, #tpu.memory_space<vmem_shared>>) offsets(%dma_start3A_121 : memref<128xi32, #tpu.memory_space<vmem>>) semaphore(%run_scoped3A : memref<!tpu.dma_semaphore, #tpu.memory_space<semaphore_mem>>) {add = true}
        %dma_wait3A_125 = arith.constant 0 : i32
        %dma_wait3A_126 = tpu.memref_slice %arg7[%add3A_118, %dma_wait3A_125] : memref<40x128xi32, #tpu.memory_space<vmem>> -> memref<1x128xi32, #tpu.memory_space<vmem>>
        %dma_wait3A_127 = tpu.memref_squeeze %dma_wait3A_126 : memref<1x128xi32, #tpu.memory_space<vmem>> -> memref<128xi32, #tpu.memory_space<vmem>>
        %dma_wait3A_128 = arith.constant 0 : i32
        %dma_wait3A_129 = arith.constant 0 : i32
        %dma_wait3A_130 = tpu.memref_slice %arg12[%dma_wait3A_128, %dma_wait3A_129] : memref<10240x128xf32, #tpu.memory_space<vmem_shared>> -> memref<10240x128xf32, #tpu.memory_space<vmem_shared>>
        tpu.wait_indirect_dma semaphore(%run_scoped3A : memref<!tpu.dma_semaphore, #tpu.memory_space<semaphore_mem>>) src(%arg9 : memref<128x128xf32, #tpu.memory_space<vmem>>) dst(%dma_wait3A_130 : memref<10240x128xf32, #tpu.memory_space<vmem_shared>>)
        tpu.yield
      }) : () -> ()
    }
    %scan3A_18 = arith.constant 20 : i32
    "tpu.region"() ({
      %run_scoped3A = tpu.sem_alloc : memref<!tpu.dma_semaphore, #tpu.memory_space<semaphore_mem>>
      %dma_start3A_79 = arith.constant 0 : i32
      %dma_start3A_80 = arith.constant 0 : i32
      %dma_start3A_81 = tpu.memref_slice %arg3[%arg1, %dma_start3A_79, %dma_start3A_80] : memref<16x80x128xi32, #tpu.memory_space<hbm>> -> memref<1x80x128xi32, #tpu.memory_space<hbm>>
      %dma_start3A_82 = tpu.memref_squeeze %dma_start3A_81 : memref<1x80x128xi32, #tpu.memory_space<hbm>> -> memref<80x128xi32, #tpu.memory_space<hbm>>
      %dma_start3A_83 = arith.constant 40 : i32
      %dma_start3A_84 = arith.constant 0 : i32
      %dma_start3A_85 = tpu.memref_slice %dma_start3A_82[%dma_start3A_83, %dma_start3A_84] : memref<80x128xi32, #tpu.memory_space<hbm>> -> memref<40x128xi32, #tpu.memory_space<hbm>>
      %dma_start3A_86 = arith.constant 0 : i32
      %dma_start3A_87 = arith.constant 0 : i32
      %dma_start3A_88 = tpu.memref_slice %arg3[%arg1, %dma_start3A_86, %dma_start3A_87] : memref<16x80x128xi32, #tpu.memory_space<hbm>> -> memref<1x80x128xi32, #tpu.memory_space<hbm>>
      %dma_start3A_89 = tpu.memref_squeeze %dma_start3A_88 : memref<1x80x128xi32, #tpu.memory_space<hbm>> -> memref<80x128xi32, #tpu.memory_space<hbm>>
      %dma_start3A_90 = arith.constant 40 : i32
      %dma_start3A_91 = arith.constant 0 : i32
      %dma_start3A_92 = tpu.memref_slice %dma_start3A_89[%dma_start3A_90, %dma_start3A_91] : memref<80x128xi32, #tpu.memory_space<hbm>> -> memref<40x128xi32, #tpu.memory_space<hbm>>
      tpu.enqueue_dma source(%dma_start3A_92 : memref<40x128xi32, #tpu.memory_space<hbm>>) target(%arg6 : memref<40x128xi32, #tpu.memory_space<vmem>>) target_semaphore(%run_scoped3A : memref<!tpu.dma_semaphore, #tpu.memory_space<semaphore_mem>>)
      %dma_wait3A = arith.constant 0 : i32
      %dma_wait3A_93 = arith.constant 0 : i32
      %dma_wait3A_94 = tpu.memref_slice %arg3[%arg1, %dma_wait3A, %dma_wait3A_93] : memref<16x80x128xi32, #tpu.memory_space<hbm>> -> memref<1x80x128xi32, #tpu.memory_space<hbm>>
      %dma_wait3A_95 = tpu.memref_squeeze %dma_wait3A_94 : memref<1x80x128xi32, #tpu.memory_space<hbm>> -> memref<80x128xi32, #tpu.memory_space<hbm>>
      %dma_wait3A_96 = arith.constant 40 : i32
      %dma_wait3A_97 = arith.constant 0 : i32
      %dma_wait3A_98 = tpu.memref_slice %dma_wait3A_95[%dma_wait3A_96, %dma_wait3A_97] : memref<80x128xi32, #tpu.memory_space<hbm>> -> memref<40x128xi32, #tpu.memory_space<hbm>>
      %dma_wait3A_99 = arith.constant 0 : i32
      %dma_wait3A_100 = arith.constant 0 : i32
      %dma_wait3A_101 = tpu.memref_slice %arg3[%arg1, %dma_wait3A_99, %dma_wait3A_100] : memref<16x80x128xi32, #tpu.memory_space<hbm>> -> memref<1x80x128xi32, #tpu.memory_space<hbm>>
      %dma_wait3A_102 = tpu.memref_squeeze %dma_wait3A_101 : memref<1x80x128xi32, #tpu.memory_space<hbm>> -> memref<80x128xi32, #tpu.memory_space<hbm>>
      %dma_wait3A_103 = arith.constant 40 : i32
      %dma_wait3A_104 = arith.constant 0 : i32
      %dma_wait3A_105 = tpu.memref_slice %dma_wait3A_102[%dma_wait3A_103, %dma_wait3A_104] : memref<80x128xi32, #tpu.memory_space<hbm>> -> memref<40x128xi32, #tpu.memory_space<hbm>>
      tpu.wait_dma2 semaphore(%run_scoped3A : memref<!tpu.dma_semaphore, #tpu.memory_space<semaphore_mem>>) src(%dma_wait3A_105 : memref<40x128xi32, #tpu.memory_space<hbm>>) dst(%arg6 : memref<40x128xi32, #tpu.memory_space<vmem>>)
      tpu.yield
    }) : () -> ()
    "tpu.region"() ({
      %run_scoped3A = tpu.sem_alloc : memref<!tpu.dma_semaphore, #tpu.memory_space<semaphore_mem>>
      %dma_start3A_79 = arith.constant 0 : i32
      %dma_start3A_80 = arith.constant 0 : i32
      %dma_start3A_81 = tpu.memref_slice %arg4[%arg1, %dma_start3A_79, %dma_start3A_80] : memref<16x80x128xi32, #tpu.memory_space<hbm>> -> memref<1x80x128xi32, #tpu.memory_space<hbm>>
      %dma_start3A_82 = tpu.memref_squeeze %dma_start3A_81 : memref<1x80x128xi32, #tpu.memory_space<hbm>> -> memref<80x128xi32, #tpu.memory_space<hbm>>
      %dma_start3A_83 = arith.constant 40 : i32
      %dma_start3A_84 = arith.constant 0 : i32
      %dma_start3A_85 = tpu.memref_slice %dma_start3A_82[%dma_start3A_83, %dma_start3A_84] : memref<80x128xi32, #tpu.memory_space<hbm>> -> memref<40x128xi32, #tpu.memory_space<hbm>>
      %dma_start3A_86 = arith.constant 0 : i32
      %dma_start3A_87 = arith.constant 0 : i32
      %dma_start3A_88 = tpu.memref_slice %arg4[%arg1, %dma_start3A_86, %dma_start3A_87] : memref<16x80x128xi32, #tpu.memory_space<hbm>> -> memref<1x80x128xi32, #tpu.memory_space<hbm>>
      %dma_start3A_89 = tpu.memref_squeeze %dma_start3A_88 : memref<1x80x128xi32, #tpu.memory_space<hbm>> -> memref<80x128xi32, #tpu.memory_space<hbm>>
      %dma_start3A_90 = arith.constant 40 : i32
      %dma_start3A_91 = arith.constant 0 : i32
      %dma_start3A_92 = tpu.memref_slice %dma_start3A_89[%dma_start3A_90, %dma_start3A_91] : memref<80x128xi32, #tpu.memory_space<hbm>> -> memref<40x128xi32, #tpu.memory_space<hbm>>
      tpu.enqueue_dma source(%dma_start3A_92 : memref<40x128xi32, #tpu.memory_space<hbm>>) target(%arg7 : memref<40x128xi32, #tpu.memory_space<vmem>>) target_semaphore(%run_scoped3A : memref<!tpu.dma_semaphore, #tpu.memory_space<semaphore_mem>>)
      %dma_wait3A = arith.constant 0 : i32
      %dma_wait3A_93 = arith.constant 0 : i32
      %dma_wait3A_94 = tpu.memref_slice %arg4[%arg1, %dma_wait3A, %dma_wait3A_93] : memref<16x80x128xi32, #tpu.memory_space<hbm>> -> memref<1x80x128xi32, #tpu.memory_space<hbm>>
      %dma_wait3A_95 = tpu.memref_squeeze %dma_wait3A_94 : memref<1x80x128xi32, #tpu.memory_space<hbm>> -> memref<80x128xi32, #tpu.memory_space<hbm>>
      %dma_wait3A_96 = arith.constant 40 : i32
      %dma_wait3A_97 = arith.constant 0 : i32
      %dma_wait3A_98 = tpu.memref_slice %dma_wait3A_95[%dma_wait3A_96, %dma_wait3A_97] : memref<80x128xi32, #tpu.memory_space<hbm>> -> memref<40x128xi32, #tpu.memory_space<hbm>>
      %dma_wait3A_99 = arith.constant 0 : i32
      %dma_wait3A_100 = arith.constant 0 : i32
      %dma_wait3A_101 = tpu.memref_slice %arg4[%arg1, %dma_wait3A_99, %dma_wait3A_100] : memref<16x80x128xi32, #tpu.memory_space<hbm>> -> memref<1x80x128xi32, #tpu.memory_space<hbm>>
      %dma_wait3A_102 = tpu.memref_squeeze %dma_wait3A_101 : memref<1x80x128xi32, #tpu.memory_space<hbm>> -> memref<80x128xi32, #tpu.memory_space<hbm>>
      %dma_wait3A_103 = arith.constant 40 : i32
      %dma_wait3A_104 = arith.constant 0 : i32
      %dma_wait3A_105 = tpu.memref_slice %dma_wait3A_102[%dma_wait3A_103, %dma_wait3A_104] : memref<80x128xi32, #tpu.memory_space<hbm>> -> memref<40x128xi32, #tpu.memory_space<hbm>>
      tpu.wait_dma2 semaphore(%run_scoped3A : memref<!tpu.dma_semaphore, #tpu.memory_space<semaphore_mem>>) src(%dma_wait3A_105 : memref<40x128xi32, #tpu.memory_space<hbm>>) dst(%arg7 : memref<40x128xi32, #tpu.memory_space<vmem>>)
      tpu.yield
    }) : () -> ()
    %dma_start3A_19 = arith.constant 0 : i32
    %dma_start3A_20 = arith.constant 0 : i32
    %dma_start3A_21 = tpu.memref_slice %arg6[%dma_start3A_19, %dma_start3A_20] : memref<40x128xi32, #tpu.memory_space<vmem>> -> memref<1x128xi32, #tpu.memory_space<vmem>>
    %dma_start3A_22 = tpu.memref_squeeze %dma_start3A_21 : memref<1x128xi32, #tpu.memory_space<vmem>> -> memref<128xi32, #tpu.memory_space<vmem>>
    %dma_start3A_23 = arith.constant 0 : i32
    %dma_start3A_24 = arith.constant 0 : i32
    %dma_start3A_25 = tpu.memref_slice %arg2[%add3A_3, %dma_start3A_23, %dma_start3A_24] : memref<4x10240x128xf32, #tpu.memory_space<hbm>> -> memref<1x10240x128xf32, #tpu.memory_space<hbm>>
    %dma_start3A_26 = tpu.memref_squeeze %dma_start3A_25 : memref<1x10240x128xf32, #tpu.memory_space<hbm>> -> memref<10240x128xf32, #tpu.memory_space<hbm>>
    %dma_start3A_27 = arith.constant 0 : i32
    %dma_start3A_28 = arith.constant 0 : i32
    %dma_start3A_29 = tpu.memref_slice %dma_start3A_26[%dma_start3A_27, %dma_start3A_28] : memref<10240x128xf32, #tpu.memory_space<hbm>> -> memref<10240x128xf32, #tpu.memory_space<hbm>>
    tpu.enqueue_indirect_dma source(%dma_start3A_29 : memref<10240x128xf32, #tpu.memory_space<hbm>>) target(%arg8 : memref<128x128xf32, #tpu.memory_space<vmem>>) offsets(%dma_start3A_22 : memref<128xi32, #tpu.memory_space<vmem>>) semaphore(%arg10 : memref<!tpu.dma_semaphore, #tpu.memory_space<semaphore_mem>>)
    %scan3A_30 = arith.constant 0 : i32
    %scan3A_31 = arith.constant 0 : i32
    %scan3A_32 = arith.constant 20 : i32
    %scan3A_33 = arith.addi %scan3A_31, %scan3A_32 : i32
    %scan3A_34 = arith.constant 1 : i32
    scf.for %scan3A_79 = %scan3A_31 to %scan3A_33 step %scan3A_34  : i32 {
      %mul3A_80 = arith.constant 2 : i32
      %mul3A_81 = arith.muli %mul3A_80, %scan3A_79 : i32
      %add3A_82 = arith.constant 1 : i32
      %add3A_83 = arith.addi %mul3A_81, %add3A_82 : i32
      %dma_start3A_84 = arith.constant 0 : i32
      %dma_start3A_85 = tpu.memref_slice %arg6[%add3A_83, %dma_start3A_84] : memref<40x128xi32, #tpu.memory_space<vmem>> -> memref<1x128xi32, #tpu.memory_space<vmem>>
      %dma_start3A_86 = tpu.memref_squeeze %dma_start3A_85 : memref<1x128xi32, #tpu.memory_space<vmem>> -> memref<128xi32, #tpu.memory_space<vmem>>
      %dma_start3A_87 = arith.constant 0 : i32
      %dma_start3A_88 = arith.constant 0 : i32
      %dma_start3A_89 = tpu.memref_slice %arg2[%add3A_3, %dma_start3A_87, %dma_start3A_88] : memref<4x10240x128xf32, #tpu.memory_space<hbm>> -> memref<1x10240x128xf32, #tpu.memory_space<hbm>>
      %dma_start3A_90 = tpu.memref_squeeze %dma_start3A_89 : memref<1x10240x128xf32, #tpu.memory_space<hbm>> -> memref<10240x128xf32, #tpu.memory_space<hbm>>
      %dma_start3A_91 = arith.constant 0 : i32
      %dma_start3A_92 = arith.constant 0 : i32
      %dma_start3A_93 = tpu.memref_slice %dma_start3A_90[%dma_start3A_91, %dma_start3A_92] : memref<10240x128xf32, #tpu.memory_space<hbm>> -> memref<10240x128xf32, #tpu.memory_space<hbm>>
      tpu.enqueue_indirect_dma source(%dma_start3A_93 : memref<10240x128xf32, #tpu.memory_space<hbm>>) target(%arg9 : memref<128x128xf32, #tpu.memory_space<vmem>>) offsets(%dma_start3A_86 : memref<128xi32, #tpu.memory_space<vmem>>) semaphore(%arg11 : memref<!tpu.dma_semaphore, #tpu.memory_space<semaphore_mem>>)
      %dma_wait3A = arith.constant 0 : i32
      %dma_wait3A_94 = tpu.memref_slice %arg6[%mul3A_81, %dma_wait3A] : memref<40x128xi32, #tpu.memory_space<vmem>> -> memref<1x128xi32, #tpu.memory_space<vmem>>
      %dma_wait3A_95 = tpu.memref_squeeze %dma_wait3A_94 : memref<1x128xi32, #tpu.memory_space<vmem>> -> memref<128xi32, #tpu.memory_space<vmem>>
      %dma_wait3A_96 = arith.constant 0 : i32
      %dma_wait3A_97 = arith.constant 0 : i32
      %dma_wait3A_98 = tpu.memref_slice %arg2[%add3A_3, %dma_wait3A_96, %dma_wait3A_97] : memref<4x10240x128xf32, #tpu.memory_space<hbm>> -> memref<1x10240x128xf32, #tpu.memory_space<hbm>>
      %dma_wait3A_99 = tpu.memref_squeeze %dma_wait3A_98 : memref<1x10240x128xf32, #tpu.memory_space<hbm>> -> memref<10240x128xf32, #tpu.memory_space<hbm>>
      %dma_wait3A_100 = arith.constant 0 : i32
      %dma_wait3A_101 = arith.constant 0 : i32
      %dma_wait3A_102 = tpu.memref_slice %dma_wait3A_99[%dma_wait3A_100, %dma_wait3A_101] : memref<10240x128xf32, #tpu.memory_space<hbm>> -> memref<10240x128xf32, #tpu.memory_space<hbm>>
      tpu.wait_indirect_dma semaphore(%arg10 : memref<!tpu.dma_semaphore, #tpu.memory_space<semaphore_mem>>) src(%dma_wait3A_102 : memref<10240x128xf32, #tpu.memory_space<hbm>>) dst(%arg8 : memref<128x128xf32, #tpu.memory_space<vmem>>)
      "tpu.region"() ({
        %run_scoped3A = tpu.sem_alloc : memref<!tpu.dma_semaphore, #tpu.memory_space<semaphore_mem>>
        %dma_start3A_119 = arith.constant 0 : i32
        %dma_start3A_120 = tpu.memref_slice %arg7[%mul3A_81, %dma_start3A_119] : memref<40x128xi32, #tpu.memory_space<vmem>> -> memref<1x128xi32, #tpu.memory_space<vmem>>
        %dma_start3A_121 = tpu.memref_squeeze %dma_start3A_120 : memref<1x128xi32, #tpu.memory_space<vmem>> -> memref<128xi32, #tpu.memory_space<vmem>>
        %dma_start3A_122 = arith.constant 0 : i32
        %dma_start3A_123 = arith.constant 0 : i32
        %dma_start3A_124 = tpu.memref_slice %arg12[%dma_start3A_122, %dma_start3A_123] : memref<10240x128xf32, #tpu.memory_space<vmem_shared>> -> memref<10240x128xf32, #tpu.memory_space<vmem_shared>>
        tpu.enqueue_indirect_dma source(%arg8 : memref<128x128xf32, #tpu.memory_space<vmem>>) target(%dma_start3A_124 : memref<10240x128xf32, #tpu.memory_space<vmem_shared>>) offsets(%dma_start3A_121 : memref<128xi32, #tpu.memory_space<vmem>>) semaphore(%run_scoped3A : memref<!tpu.dma_semaphore, #tpu.memory_space<semaphore_mem>>) {add = true}
        %dma_wait3A_125 = arith.constant 0 : i32
        %dma_wait3A_126 = tpu.memref_slice %arg7[%mul3A_81, %dma_wait3A_125] : memref<40x128xi32, #tpu.memory_space<vmem>> -> memref<1x128xi32, #tpu.memory_space<vmem>>
        %dma_wait3A_127 = tpu.memref_squeeze %dma_wait3A_126 : memref<1x128xi32, #tpu.memory_space<vmem>> -> memref<128xi32, #tpu.memory_space<vmem>>
        %dma_wait3A_128 = arith.constant 0 : i32
        %dma_wait3A_129 = arith.constant 0 : i32
        %dma_wait3A_130 = tpu.memref_slice %arg12[%dma_wait3A_128, %dma_wait3A_129] : memref<10240x128xf32, #tpu.memory_space<vmem_shared>> -> memref<10240x128xf32, #tpu.memory_space<vmem_shared>>
        tpu.wait_indirect_dma semaphore(%run_scoped3A : memref<!tpu.dma_semaphore, #tpu.memory_space<semaphore_mem>>) src(%arg8 : memref<128x128xf32, #tpu.memory_space<vmem>>) dst(%dma_wait3A_130 : memref<10240x128xf32, #tpu.memory_space<vmem_shared>>)
        tpu.yield
      }) : () -> ()
      %lt3A = arith.constant 19 : i32
      %lt3A_103 = arith.cmpi slt, %scan3A_79, %lt3A : i32
      %convert_element_type3A = arith.extui %lt3A_103 : i1 to i32
      %cond3A = arith.constant 0 : i32
      %cond3A_104 = arith.cmpi ne, %convert_element_type3A, %cond3A : i32
      scf.if %cond3A_104 {
        %add3A_119 = arith.constant 2 : i32
        %add3A_120 = arith.addi %mul3A_81, %add3A_119 : i32
        %dma_start3A_121 = arith.constant 0 : i32
        %dma_start3A_122 = tpu.memref_slice %arg6[%add3A_120, %dma_start3A_121] : memref<40x128xi32, #tpu.memory_space<vmem>> -> memref<1x128xi32, #tpu.memory_space<vmem>>
        %dma_start3A_123 = tpu.memref_squeeze %dma_start3A_122 : memref<1x128xi32, #tpu.memory_space<vmem>> -> memref<128xi32, #tpu.memory_space<vmem>>
        %dma_start3A_124 = arith.constant 0 : i32
        %dma_start3A_125 = arith.constant 0 : i32
        %dma_start3A_126 = tpu.memref_slice %arg2[%add3A_3, %dma_start3A_124, %dma_start3A_125] : memref<4x10240x128xf32, #tpu.memory_space<hbm>> -> memref<1x10240x128xf32, #tpu.memory_space<hbm>>
        %dma_start3A_127 = tpu.memref_squeeze %dma_start3A_126 : memref<1x10240x128xf32, #tpu.memory_space<hbm>> -> memref<10240x128xf32, #tpu.memory_space<hbm>>
        %dma_start3A_128 = arith.constant 0 : i32
        %dma_start3A_129 = arith.constant 0 : i32
        %dma_start3A_130 = tpu.memref_slice %dma_start3A_127[%dma_start3A_128, %dma_start3A_129] : memref<10240x128xf32, #tpu.memory_space<hbm>> -> memref<10240x128xf32, #tpu.memory_space<hbm>>
        tpu.enqueue_indirect_dma source(%dma_start3A_130 : memref<10240x128xf32, #tpu.memory_space<hbm>>) target(%arg8 : memref<128x128xf32, #tpu.memory_space<vmem>>) offsets(%dma_start3A_123 : memref<128xi32, #tpu.memory_space<vmem>>) semaphore(%arg10 : memref<!tpu.dma_semaphore, #tpu.memory_space<semaphore_mem>>)
      } else {
      }
      %add3A_105 = arith.constant 1 : i32
      %add3A_106 = arith.addi %mul3A_81, %add3A_105 : i32
      %dma_wait3A_107 = arith.constant 0 : i32
      %dma_wait3A_108 = tpu.memref_slice %arg6[%add3A_106, %dma_wait3A_107] : memref<40x128xi32, #tpu.memory_space<vmem>> -> memref<1x128xi32, #tpu.memory_space<vmem>>
      %dma_wait3A_109 = tpu.memref_squeeze %dma_wait3A_108 : memref<1x128xi32, #tpu.memory_space<vmem>> -> memref<128xi32, #tpu.memory_space<vmem>>
      %dma_wait3A_110 = arith.constant 0 : i32
      %dma_wait3A_111 = arith.constant 0 : i32
      %dma_wait3A_112 = tpu.memref_slice %arg2[%add3A_3, %dma_wait3A_110, %dma_wait3A_111] : memref<4x10240x128xf32, #tpu.memory_space<hbm>> -> memref<1x10240x128xf32, #tpu.memory_space<hbm>>
      %dma_wait3A_113 = tpu.memref_squeeze %dma_wait3A_112 : memref<1x10240x128xf32, #tpu.memory_space<hbm>> -> memref<10240x128xf32, #tpu.memory_space<hbm>>
      %dma_wait3A_114 = arith.constant 0 : i32
      %dma_wait3A_115 = arith.constant 0 : i32
      %dma_wait3A_116 = tpu.memref_slice %dma_wait3A_113[%dma_wait3A_114, %dma_wait3A_115] : memref<10240x128xf32, #tpu.memory_space<hbm>> -> memref<10240x128xf32, #tpu.memory_space<hbm>>
      tpu.wait_indirect_dma semaphore(%arg11 : memref<!tpu.dma_semaphore, #tpu.memory_space<semaphore_mem>>) src(%dma_wait3A_116 : memref<10240x128xf32, #tpu.memory_space<hbm>>) dst(%arg9 : memref<128x128xf32, #tpu.memory_space<vmem>>)
      %add3A_117 = arith.constant 1 : i32
      %add3A_118 = arith.addi %mul3A_81, %add3A_117 : i32
      "tpu.region"() ({
        %run_scoped3A = tpu.sem_alloc : memref<!tpu.dma_semaphore, #tpu.memory_space<semaphore_mem>>
        %dma_start3A_119 = arith.constant 0 : i32
        %dma_start3A_120 = tpu.memref_slice %arg7[%add3A_118, %dma_start3A_119] : memref<40x128xi32, #tpu.memory_space<vmem>> -> memref<1x128xi32, #tpu.memory_space<vmem>>
        %dma_start3A_121 = tpu.memref_squeeze %dma_start3A_120 : memref<1x128xi32, #tpu.memory_space<vmem>> -> memref<128xi32, #tpu.memory_space<vmem>>
        %dma_start3A_122 = arith.constant 0 : i32
        %dma_start3A_123 = arith.constant 0 : i32
        %dma_start3A_124 = tpu.memref_slice %arg12[%dma_start3A_122, %dma_start3A_123] : memref<10240x128xf32, #tpu.memory_space<vmem_shared>> -> memref<10240x128xf32, #tpu.memory_space<vmem_shared>>
        tpu.enqueue_indirect_dma source(%arg9 : memref<128x128xf32, #tpu.memory_space<vmem>>) target(%dma_start3A_124 : memref<10240x128xf32, #tpu.memory_space<vmem_shared>>) offsets(%dma_start3A_121 : memref<128xi32, #tpu.memory_space<vmem>>) semaphore(%run_scoped3A : memref<!tpu.dma_semaphore, #tpu.memory_space<semaphore_mem>>) {add = true}
        %dma_wait3A_125 = arith.constant 0 : i32
        %dma_wait3A_126 = tpu.memref_slice %arg7[%add3A_118, %dma_wait3A_125] : memref<40x128xi32, #tpu.memory_space<vmem>> -> memref<1x128xi32, #tpu.memory_space<vmem>>
        %dma_wait3A_127 = tpu.memref_squeeze %dma_wait3A_126 : memref<1x128xi32, #tpu.memory_space<vmem>> -> memref<128xi32, #tpu.memory_space<vmem>>
        %dma_wait3A_128 = arith.constant 0 : i32
        %dma_wait3A_129 = arith.constant 0 : i32
        %dma_wait3A_130 = tpu.memref_slice %arg12[%dma_wait3A_128, %dma_wait3A_129] : memref<10240x128xf32, #tpu.memory_space<vmem_shared>> -> memref<10240x128xf32, #tpu.memory_space<vmem_shared>>
        tpu.wait_indirect_dma semaphore(%run_scoped3A : memref<!tpu.dma_semaphore, #tpu.memory_space<semaphore_mem>>) src(%arg9 : memref<128x128xf32, #tpu.memory_space<vmem>>) dst(%dma_wait3A_130 : memref<10240x128xf32, #tpu.memory_space<vmem_shared>>)
        tpu.yield
      }) : () -> ()
    }
    %scan3A_35 = arith.constant 20 : i32
    %barrier3A_36 = arith.constant 0 : index
    tpu.barrier barrier_id(%barrier3A_36)
    "tpu.region"() ({
      %run_scoped3A = tpu.sem_alloc : memref<!tpu.dma_semaphore, #tpu.memory_space<semaphore_mem>>
      %dma_start3A_79 = arith.constant 0 : i32
      %dma_start3A_80 = arith.constant 0 : i32
      %dma_start3A_81 = tpu.memref_slice %arg5[%add3A_3, %dma_start3A_79, %dma_start3A_80] : memref<4x10240x128xf32, #tpu.memory_space<hbm>> -> memref<1x10240x128xf32, #tpu.memory_space<hbm>>
      %dma_start3A_82 = tpu.memref_squeeze %dma_start3A_81 : memref<1x10240x128xf32, #tpu.memory_space<hbm>> -> memref<10240x128xf32, #tpu.memory_space<hbm>>
      %dma_start3A_83 = arith.constant 0 : i32
      %dma_start3A_84 = tpu.memref_slice %dma_start3A_82[%mul3A_0, %dma_start3A_83] : memref<10240x128xf32, #tpu.memory_space<hbm>> -> memref<640x128xf32, #tpu.memory_space<hbm>>
      %dma_start3A_85 = arith.constant 0 : i32
      %dma_start3A_86 = tpu.memref_slice %arg12[%mul3A_0, %dma_start3A_85] : memref<10240x128xf32, #tpu.memory_space<vmem_shared>> -> memref<640x128xf32, #tpu.memory_space<vmem_shared>>
      tpu.enqueue_dma source(%dma_start3A_86 : memref<640x128xf32, #tpu.memory_space<vmem_shared>>) target(%dma_start3A_84 : memref<640x128xf32, #tpu.memory_space<hbm>>) target_semaphore(%run_scoped3A : memref<!tpu.dma_semaphore, #tpu.memory_space<semaphore_mem>>)
      %dma_wait3A = arith.constant 0 : i32
      %dma_wait3A_87 = arith.constant 0 : i32
      %dma_wait3A_88 = tpu.memref_slice %arg5[%add3A_3, %dma_wait3A, %dma_wait3A_87] : memref<4x10240x128xf32, #tpu.memory_space<hbm>> -> memref<1x10240x128xf32, #tpu.memory_space<hbm>>
      %dma_wait3A_89 = tpu.memref_squeeze %dma_wait3A_88 : memref<1x10240x128xf32, #tpu.memory_space<hbm>> -> memref<10240x128xf32, #tpu.memory_space<hbm>>
      %dma_wait3A_90 = arith.constant 0 : i32
      %dma_wait3A_91 = tpu.memref_slice %dma_wait3A_89[%mul3A_0, %dma_wait3A_90] : memref<10240x128xf32, #tpu.memory_space<hbm>> -> memref<640x128xf32, #tpu.memory_space<hbm>>
      %dma_wait3A_92 = arith.constant 0 : i32
      %dma_wait3A_93 = tpu.memref_slice %arg12[%mul3A_0, %dma_wait3A_92] : memref<10240x128xf32, #tpu.memory_space<vmem_shared>> -> memref<640x128xf32, #tpu.memory_space<vmem_shared>>
      tpu.wait_dma2 semaphore(%run_scoped3A : memref<!tpu.dma_semaphore, #tpu.memory_space<semaphore_mem>>) src(%dma_wait3A_93 : memref<640x128xf32, #tpu.memory_space<vmem_shared>>) dst(%dma_wait3A_91 : memref<640x128xf32, #tpu.memory_space<hbm>>)
      tpu.yield
    }) : () -> ()
    %barrier3A_37 = arith.constant 0 : index
    tpu.barrier barrier_id(%barrier3A_37)
    %mul3A_38 = arith.constant 2 : i32
    %mul3A_39 = arith.muli %arg0, %mul3A_38 : i32
    %add3A_40 = arith.constant 1 : i32
    %add3A_41 = arith.addi %mul3A_39, %add3A_40 : i32
    "tpu.region"() ({
      %run_scoped3A = tpu.sem_alloc : memref<!tpu.dma_semaphore, #tpu.memory_space<semaphore_mem>>
      %dma_start3A_79 = arith.constant 0 : i32
      %dma_start3A_80 = tpu.memref_slice %arg12[%mul3A_0, %dma_start3A_79] : memref<10240x128xf32, #tpu.memory_space<vmem_shared>> -> memref<640x128xf32, #tpu.memory_space<vmem_shared>>
      %dma_start3A_81 = arith.constant 0 : i32
      %dma_start3A_82 = arith.constant 0 : i32
      %dma_start3A_83 = tpu.memref_slice %arg2[%add3A_41, %dma_start3A_81, %dma_start3A_82] : memref<4x10240x128xf32, #tpu.memory_space<hbm>> -> memref<1x10240x128xf32, #tpu.memory_space<hbm>>
      %dma_start3A_84 = tpu.memref_squeeze %dma_start3A_83 : memref<1x10240x128xf32, #tpu.memory_space<hbm>> -> memref<10240x128xf32, #tpu.memory_space<hbm>>
      %dma_start3A_85 = arith.constant 0 : i32
      %dma_start3A_86 = tpu.memref_slice %dma_start3A_84[%mul3A_0, %dma_start3A_85] : memref<10240x128xf32, #tpu.memory_space<hbm>> -> memref<640x128xf32, #tpu.memory_space<hbm>>
      tpu.enqueue_dma source(%dma_start3A_86 : memref<640x128xf32, #tpu.memory_space<hbm>>) target(%dma_start3A_80 : memref<640x128xf32, #tpu.memory_space<vmem_shared>>) target_semaphore(%run_scoped3A : memref<!tpu.dma_semaphore, #tpu.memory_space<semaphore_mem>>)
      %dma_wait3A = arith.constant 0 : i32
      %dma_wait3A_87 = tpu.memref_slice %arg12[%mul3A_0, %dma_wait3A] : memref<10240x128xf32, #tpu.memory_space<vmem_shared>> -> memref<640x128xf32, #tpu.memory_space<vmem_shared>>
      %dma_wait3A_88 = arith.constant 0 : i32
      %dma_wait3A_89 = arith.constant 0 : i32
      %dma_wait3A_90 = tpu.memref_slice %arg2[%add3A_41, %dma_wait3A_88, %dma_wait3A_89] : memref<4x10240x128xf32, #tpu.memory_space<hbm>> -> memref<1x10240x128xf32, #tpu.memory_space<hbm>>
      %dma_wait3A_91 = tpu.memref_squeeze %dma_wait3A_90 : memref<1x10240x128xf32, #tpu.memory_space<hbm>> -> memref<10240x128xf32, #tpu.memory_space<hbm>>
      %dma_wait3A_92 = arith.constant 0 : i32
      %dma_wait3A_93 = tpu.memref_slice %dma_wait3A_91[%mul3A_0, %dma_wait3A_92] : memref<10240x128xf32, #tpu.memory_space<hbm>> -> memref<640x128xf32, #tpu.memory_space<hbm>>
      tpu.wait_dma2 semaphore(%run_scoped3A : memref<!tpu.dma_semaphore, #tpu.memory_space<semaphore_mem>>) src(%dma_wait3A_93 : memref<640x128xf32, #tpu.memory_space<hbm>>) dst(%dma_wait3A_87 : memref<640x128xf32, #tpu.memory_space<vmem_shared>>)
      tpu.yield
    }) : () -> ()
    %barrier3A_42 = arith.constant 0 : index
    tpu.barrier barrier_id(%barrier3A_42)
    "tpu.region"() ({
      %run_scoped3A = tpu.sem_alloc : memref<!tpu.dma_semaphore, #tpu.memory_space<semaphore_mem>>
      %dma_start3A_79 = arith.constant 0 : i32
      %dma_start3A_80 = arith.constant 0 : i32
      %dma_start3A_81 = tpu.memref_slice %arg3[%arg1, %dma_start3A_79, %dma_start3A_80] : memref<16x80x128xi32, #tpu.memory_space<hbm>> -> memref<1x80x128xi32, #tpu.memory_space<hbm>>
      %dma_start3A_82 = tpu.memref_squeeze %dma_start3A_81 : memref<1x80x128xi32, #tpu.memory_space<hbm>> -> memref<80x128xi32, #tpu.memory_space<hbm>>
      %dma_start3A_83 = arith.constant 0 : i32
      %dma_start3A_84 = arith.constant 0 : i32
      %dma_start3A_85 = tpu.memref_slice %dma_start3A_82[%dma_start3A_83, %dma_start3A_84] : memref<80x128xi32, #tpu.memory_space<hbm>> -> memref<40x128xi32, #tpu.memory_space<hbm>>
      %dma_start3A_86 = arith.constant 0 : i32
      %dma_start3A_87 = arith.constant 0 : i32
      %dma_start3A_88 = tpu.memref_slice %arg3[%arg1, %dma_start3A_86, %dma_start3A_87] : memref<16x80x128xi32, #tpu.memory_space<hbm>> -> memref<1x80x128xi32, #tpu.memory_space<hbm>>
      %dma_start3A_89 = tpu.memref_squeeze %dma_start3A_88 : memref<1x80x128xi32, #tpu.memory_space<hbm>> -> memref<80x128xi32, #tpu.memory_space<hbm>>
      %dma_start3A_90 = arith.constant 0 : i32
      %dma_start3A_91 = arith.constant 0 : i32
      %dma_start3A_92 = tpu.memref_slice %dma_start3A_89[%dma_start3A_90, %dma_start3A_91] : memref<80x128xi32, #tpu.memory_space<hbm>> -> memref<40x128xi32, #tpu.memory_space<hbm>>
      tpu.enqueue_dma source(%dma_start3A_92 : memref<40x128xi32, #tpu.memory_space<hbm>>) target(%arg6 : memref<40x128xi32, #tpu.memory_space<vmem>>) target_semaphore(%run_scoped3A : memref<!tpu.dma_semaphore, #tpu.memory_space<semaphore_mem>>)
      %dma_wait3A = arith.constant 0 : i32
      %dma_wait3A_93 = arith.constant 0 : i32
      %dma_wait3A_94 = tpu.memref_slice %arg3[%arg1, %dma_wait3A, %dma_wait3A_93] : memref<16x80x128xi32, #tpu.memory_space<hbm>> -> memref<1x80x128xi32, #tpu.memory_space<hbm>>
      %dma_wait3A_95 = tpu.memref_squeeze %dma_wait3A_94 : memref<1x80x128xi32, #tpu.memory_space<hbm>> -> memref<80x128xi32, #tpu.memory_space<hbm>>
      %dma_wait3A_96 = arith.constant 0 : i32
      %dma_wait3A_97 = arith.constant 0 : i32
      %dma_wait3A_98 = tpu.memref_slice %dma_wait3A_95[%dma_wait3A_96, %dma_wait3A_97] : memref<80x128xi32, #tpu.memory_space<hbm>> -> memref<40x128xi32, #tpu.memory_space<hbm>>
      %dma_wait3A_99 = arith.constant 0 : i32
      %dma_wait3A_100 = arith.constant 0 : i32
      %dma_wait3A_101 = tpu.memref_slice %arg3[%arg1, %dma_wait3A_99, %dma_wait3A_100] : memref<16x80x128xi32, #tpu.memory_space<hbm>> -> memref<1x80x128xi32, #tpu.memory_space<hbm>>
      %dma_wait3A_102 = tpu.memref_squeeze %dma_wait3A_101 : memref<1x80x128xi32, #tpu.memory_space<hbm>> -> memref<80x128xi32, #tpu.memory_space<hbm>>
      %dma_wait3A_103 = arith.constant 0 : i32
      %dma_wait3A_104 = arith.constant 0 : i32
      %dma_wait3A_105 = tpu.memref_slice %dma_wait3A_102[%dma_wait3A_103, %dma_wait3A_104] : memref<80x128xi32, #tpu.memory_space<hbm>> -> memref<40x128xi32, #tpu.memory_space<hbm>>
      tpu.wait_dma2 semaphore(%run_scoped3A : memref<!tpu.dma_semaphore, #tpu.memory_space<semaphore_mem>>) src(%dma_wait3A_105 : memref<40x128xi32, #tpu.memory_space<hbm>>) dst(%arg6 : memref<40x128xi32, #tpu.memory_space<vmem>>)
      tpu.yield
    }) : () -> ()
    "tpu.region"() ({
      %run_scoped3A = tpu.sem_alloc : memref<!tpu.dma_semaphore, #tpu.memory_space<semaphore_mem>>
      %dma_start3A_79 = arith.constant 0 : i32
      %dma_start3A_80 = arith.constant 0 : i32
      %dma_start3A_81 = tpu.memref_slice %arg4[%arg1, %dma_start3A_79, %dma_start3A_80] : memref<16x80x128xi32, #tpu.memory_space<hbm>> -> memref<1x80x128xi32, #tpu.memory_space<hbm>>
      %dma_start3A_82 = tpu.memref_squeeze %dma_start3A_81 : memref<1x80x128xi32, #tpu.memory_space<hbm>> -> memref<80x128xi32, #tpu.memory_space<hbm>>
      %dma_start3A_83 = arith.constant 0 : i32
      %dma_start3A_84 = arith.constant 0 : i32
      %dma_start3A_85 = tpu.memref_slice %dma_start3A_82[%dma_start3A_83, %dma_start3A_84] : memref<80x128xi32, #tpu.memory_space<hbm>> -> memref<40x128xi32, #tpu.memory_space<hbm>>
      %dma_start3A_86 = arith.constant 0 : i32
      %dma_start3A_87 = arith.constant 0 : i32
      %dma_start3A_88 = tpu.memref_slice %arg4[%arg1, %dma_start3A_86, %dma_start3A_87] : memref<16x80x128xi32, #tpu.memory_space<hbm>> -> memref<1x80x128xi32, #tpu.memory_space<hbm>>
      %dma_start3A_89 = tpu.memref_squeeze %dma_start3A_88 : memref<1x80x128xi32, #tpu.memory_space<hbm>> -> memref<80x128xi32, #tpu.memory_space<hbm>>
      %dma_start3A_90 = arith.constant 0 : i32
      %dma_start3A_91 = arith.constant 0 : i32
      %dma_start3A_92 = tpu.memref_slice %dma_start3A_89[%dma_start3A_90, %dma_start3A_91] : memref<80x128xi32, #tpu.memory_space<hbm>> -> memref<40x128xi32, #tpu.memory_space<hbm>>
      tpu.enqueue_dma source(%dma_start3A_92 : memref<40x128xi32, #tpu.memory_space<hbm>>) target(%arg7 : memref<40x128xi32, #tpu.memory_space<vmem>>) target_semaphore(%run_scoped3A : memref<!tpu.dma_semaphore, #tpu.memory_space<semaphore_mem>>)
      %dma_wait3A = arith.constant 0 : i32
      %dma_wait3A_93 = arith.constant 0 : i32
      %dma_wait3A_94 = tpu.memref_slice %arg4[%arg1, %dma_wait3A, %dma_wait3A_93] : memref<16x80x128xi32, #tpu.memory_space<hbm>> -> memref<1x80x128xi32, #tpu.memory_space<hbm>>
      %dma_wait3A_95 = tpu.memref_squeeze %dma_wait3A_94 : memref<1x80x128xi32, #tpu.memory_space<hbm>> -> memref<80x128xi32, #tpu.memory_space<hbm>>
      %dma_wait3A_96 = arith.constant 0 : i32
      %dma_wait3A_97 = arith.constant 0 : i32
      %dma_wait3A_98 = tpu.memref_slice %dma_wait3A_95[%dma_wait3A_96, %dma_wait3A_97] : memref<80x128xi32, #tpu.memory_space<hbm>> -> memref<40x128xi32, #tpu.memory_space<hbm>>
      %dma_wait3A_99 = arith.constant 0 : i32
      %dma_wait3A_100 = arith.constant 0 : i32
      %dma_wait3A_101 = tpu.memref_slice %arg4[%arg1, %dma_wait3A_99, %dma_wait3A_100] : memref<16x80x128xi32, #tpu.memory_space<hbm>> -> memref<1x80x128xi32, #tpu.memory_space<hbm>>
      %dma_wait3A_102 = tpu.memref_squeeze %dma_wait3A_101 : memref<1x80x128xi32, #tpu.memory_space<hbm>> -> memref<80x128xi32, #tpu.memory_space<hbm>>
      %dma_wait3A_103 = arith.constant 0 : i32
      %dma_wait3A_104 = arith.constant 0 : i32
      %dma_wait3A_105 = tpu.memref_slice %dma_wait3A_102[%dma_wait3A_103, %dma_wait3A_104] : memref<80x128xi32, #tpu.memory_space<hbm>> -> memref<40x128xi32, #tpu.memory_space<hbm>>
      tpu.wait_dma2 semaphore(%run_scoped3A : memref<!tpu.dma_semaphore, #tpu.memory_space<semaphore_mem>>) src(%dma_wait3A_105 : memref<40x128xi32, #tpu.memory_space<hbm>>) dst(%arg7 : memref<40x128xi32, #tpu.memory_space<vmem>>)
      tpu.yield
    }) : () -> ()
    %dma_start3A_43 = arith.constant 0 : i32
    %dma_start3A_44 = arith.constant 0 : i32
    %dma_start3A_45 = tpu.memref_slice %arg6[%dma_start3A_43, %dma_start3A_44] : memref<40x128xi32, #tpu.memory_space<vmem>> -> memref<1x128xi32, #tpu.memory_space<vmem>>
    %dma_start3A_46 = tpu.memref_squeeze %dma_start3A_45 : memref<1x128xi32, #tpu.memory_space<vmem>> -> memref<128xi32, #tpu.memory_space<vmem>>
    %dma_start3A_47 = arith.constant 0 : i32
    %dma_start3A_48 = arith.constant 0 : i32
    %dma_start3A_49 = tpu.memref_slice %arg2[%add3A_41, %dma_start3A_47, %dma_start3A_48] : memref<4x10240x128xf32, #tpu.memory_space<hbm>> -> memref<1x10240x128xf32, #tpu.memory_space<hbm>>
    %dma_start3A_50 = tpu.memref_squeeze %dma_start3A_49 : memref<1x10240x128xf32, #tpu.memory_space<hbm>> -> memref<10240x128xf32, #tpu.memory_space<hbm>>
    %dma_start3A_51 = arith.constant 0 : i32
    %dma_start3A_52 = arith.constant 0 : i32
    %dma_start3A_53 = tpu.memref_slice %dma_start3A_50[%dma_start3A_51, %dma_start3A_52] : memref<10240x128xf32, #tpu.memory_space<hbm>> -> memref<10240x128xf32, #tpu.memory_space<hbm>>
    tpu.enqueue_indirect_dma source(%dma_start3A_53 : memref<10240x128xf32, #tpu.memory_space<hbm>>) target(%arg8 : memref<128x128xf32, #tpu.memory_space<vmem>>) offsets(%dma_start3A_46 : memref<128xi32, #tpu.memory_space<vmem>>) semaphore(%arg10 : memref<!tpu.dma_semaphore, #tpu.memory_space<semaphore_mem>>)
    %scan3A_54 = arith.constant 0 : i32
    %scan3A_55 = arith.constant 0 : i32
    %scan3A_56 = arith.constant 20 : i32
    %scan3A_57 = arith.addi %scan3A_55, %scan3A_56 : i32
    %scan3A_58 = arith.constant 1 : i32
    scf.for %scan3A_79 = %scan3A_55 to %scan3A_57 step %scan3A_58  : i32 {
      %mul3A_80 = arith.constant 2 : i32
      %mul3A_81 = arith.muli %mul3A_80, %scan3A_79 : i32
      %add3A_82 = arith.constant 1 : i32
      %add3A_83 = arith.addi %mul3A_81, %add3A_82 : i32
      %dma_start3A_84 = arith.constant 0 : i32
      %dma_start3A_85 = tpu.memref_slice %arg6[%add3A_83, %dma_start3A_84] : memref<40x128xi32, #tpu.memory_space<vmem>> -> memref<1x128xi32, #tpu.memory_space<vmem>>
      %dma_start3A_86 = tpu.memref_squeeze %dma_start3A_85 : memref<1x128xi32, #tpu.memory_space<vmem>> -> memref<128xi32, #tpu.memory_space<vmem>>
      %dma_start3A_87 = arith.constant 0 : i32
      %dma_start3A_88 = arith.constant 0 : i32
      %dma_start3A_89 = tpu.memref_slice %arg2[%add3A_41, %dma_start3A_87, %dma_start3A_88] : memref<4x10240x128xf32, #tpu.memory_space<hbm>> -> memref<1x10240x128xf32, #tpu.memory_space<hbm>>
      %dma_start3A_90 = tpu.memref_squeeze %dma_start3A_89 : memref<1x10240x128xf32, #tpu.memory_space<hbm>> -> memref<10240x128xf32, #tpu.memory_space<hbm>>
      %dma_start3A_91 = arith.constant 0 : i32
      %dma_start3A_92 = arith.constant 0 : i32
      %dma_start3A_93 = tpu.memref_slice %dma_start3A_90[%dma_start3A_91, %dma_start3A_92] : memref<10240x128xf32, #tpu.memory_space<hbm>> -> memref<10240x128xf32, #tpu.memory_space<hbm>>
      tpu.enqueue_indirect_dma source(%dma_start3A_93 : memref<10240x128xf32, #tpu.memory_space<hbm>>) target(%arg9 : memref<128x128xf32, #tpu.memory_space<vmem>>) offsets(%dma_start3A_86 : memref<128xi32, #tpu.memory_space<vmem>>) semaphore(%arg11 : memref<!tpu.dma_semaphore, #tpu.memory_space<semaphore_mem>>)
      %dma_wait3A = arith.constant 0 : i32
      %dma_wait3A_94 = tpu.memref_slice %arg6[%mul3A_81, %dma_wait3A] : memref<40x128xi32, #tpu.memory_space<vmem>> -> memref<1x128xi32, #tpu.memory_space<vmem>>
      %dma_wait3A_95 = tpu.memref_squeeze %dma_wait3A_94 : memref<1x128xi32, #tpu.memory_space<vmem>> -> memref<128xi32, #tpu.memory_space<vmem>>
      %dma_wait3A_96 = arith.constant 0 : i32
      %dma_wait3A_97 = arith.constant 0 : i32
      %dma_wait3A_98 = tpu.memref_slice %arg2[%add3A_41, %dma_wait3A_96, %dma_wait3A_97] : memref<4x10240x128xf32, #tpu.memory_space<hbm>> -> memref<1x10240x128xf32, #tpu.memory_space<hbm>>
      %dma_wait3A_99 = tpu.memref_squeeze %dma_wait3A_98 : memref<1x10240x128xf32, #tpu.memory_space<hbm>> -> memref<10240x128xf32, #tpu.memory_space<hbm>>
      %dma_wait3A_100 = arith.constant 0 : i32
      %dma_wait3A_101 = arith.constant 0 : i32
      %dma_wait3A_102 = tpu.memref_slice %dma_wait3A_99[%dma_wait3A_100, %dma_wait3A_101] : memref<10240x128xf32, #tpu.memory_space<hbm>> -> memref<10240x128xf32, #tpu.memory_space<hbm>>
      tpu.wait_indirect_dma semaphore(%arg10 : memref<!tpu.dma_semaphore, #tpu.memory_space<semaphore_mem>>) src(%dma_wait3A_102 : memref<10240x128xf32, #tpu.memory_space<hbm>>) dst(%arg8 : memref<128x128xf32, #tpu.memory_space<vmem>>)
      "tpu.region"() ({
        %run_scoped3A = tpu.sem_alloc : memref<!tpu.dma_semaphore, #tpu.memory_space<semaphore_mem>>
        %dma_start3A_119 = arith.constant 0 : i32
        %dma_start3A_120 = tpu.memref_slice %arg7[%mul3A_81, %dma_start3A_119] : memref<40x128xi32, #tpu.memory_space<vmem>> -> memref<1x128xi32, #tpu.memory_space<vmem>>
        %dma_start3A_121 = tpu.memref_squeeze %dma_start3A_120 : memref<1x128xi32, #tpu.memory_space<vmem>> -> memref<128xi32, #tpu.memory_space<vmem>>
        %dma_start3A_122 = arith.constant 0 : i32
        %dma_start3A_123 = arith.constant 0 : i32
        %dma_start3A_124 = tpu.memref_slice %arg12[%dma_start3A_122, %dma_start3A_123] : memref<10240x128xf32, #tpu.memory_space<vmem_shared>> -> memref<10240x128xf32, #tpu.memory_space<vmem_shared>>
        tpu.enqueue_indirect_dma source(%arg8 : memref<128x128xf32, #tpu.memory_space<vmem>>) target(%dma_start3A_124 : memref<10240x128xf32, #tpu.memory_space<vmem_shared>>) offsets(%dma_start3A_121 : memref<128xi32, #tpu.memory_space<vmem>>) semaphore(%run_scoped3A : memref<!tpu.dma_semaphore, #tpu.memory_space<semaphore_mem>>) {add = true}
        %dma_wait3A_125 = arith.constant 0 : i32
        %dma_wait3A_126 = tpu.memref_slice %arg7[%mul3A_81, %dma_wait3A_125] : memref<40x128xi32, #tpu.memory_space<vmem>> -> memref<1x128xi32, #tpu.memory_space<vmem>>
        %dma_wait3A_127 = tpu.memref_squeeze %dma_wait3A_126 : memref<1x128xi32, #tpu.memory_space<vmem>> -> memref<128xi32, #tpu.memory_space<vmem>>
        %dma_wait3A_128 = arith.constant 0 : i32
        %dma_wait3A_129 = arith.constant 0 : i32
        %dma_wait3A_130 = tpu.memref_slice %arg12[%dma_wait3A_128, %dma_wait3A_129] : memref<10240x128xf32, #tpu.memory_space<vmem_shared>> -> memref<10240x128xf32, #tpu.memory_space<vmem_shared>>
        tpu.wait_indirect_dma semaphore(%run_scoped3A : memref<!tpu.dma_semaphore, #tpu.memory_space<semaphore_mem>>) src(%arg8 : memref<128x128xf32, #tpu.memory_space<vmem>>) dst(%dma_wait3A_130 : memref<10240x128xf32, #tpu.memory_space<vmem_shared>>)
        tpu.yield
      }) : () -> ()
      %lt3A = arith.constant 19 : i32
      %lt3A_103 = arith.cmpi slt, %scan3A_79, %lt3A : i32
      %convert_element_type3A = arith.extui %lt3A_103 : i1 to i32
      %cond3A = arith.constant 0 : i32
      %cond3A_104 = arith.cmpi ne, %convert_element_type3A, %cond3A : i32
      scf.if %cond3A_104 {
        %add3A_119 = arith.constant 2 : i32
        %add3A_120 = arith.addi %mul3A_81, %add3A_119 : i32
        %dma_start3A_121 = arith.constant 0 : i32
        %dma_start3A_122 = tpu.memref_slice %arg6[%add3A_120, %dma_start3A_121] : memref<40x128xi32, #tpu.memory_space<vmem>> -> memref<1x128xi32, #tpu.memory_space<vmem>>
        %dma_start3A_123 = tpu.memref_squeeze %dma_start3A_122 : memref<1x128xi32, #tpu.memory_space<vmem>> -> memref<128xi32, #tpu.memory_space<vmem>>
        %dma_start3A_124 = arith.constant 0 : i32
        %dma_start3A_125 = arith.constant 0 : i32
        %dma_start3A_126 = tpu.memref_slice %arg2[%add3A_41, %dma_start3A_124, %dma_start3A_125] : memref<4x10240x128xf32, #tpu.memory_space<hbm>> -> memref<1x10240x128xf32, #tpu.memory_space<hbm>>
        %dma_start3A_127 = tpu.memref_squeeze %dma_start3A_126 : memref<1x10240x128xf32, #tpu.memory_space<hbm>> -> memref<10240x128xf32, #tpu.memory_space<hbm>>
        %dma_start3A_128 = arith.constant 0 : i32
        %dma_start3A_129 = arith.constant 0 : i32
        %dma_start3A_130 = tpu.memref_slice %dma_start3A_127[%dma_start3A_128, %dma_start3A_129] : memref<10240x128xf32, #tpu.memory_space<hbm>> -> memref<10240x128xf32, #tpu.memory_space<hbm>>
        tpu.enqueue_indirect_dma source(%dma_start3A_130 : memref<10240x128xf32, #tpu.memory_space<hbm>>) target(%arg8 : memref<128x128xf32, #tpu.memory_space<vmem>>) offsets(%dma_start3A_123 : memref<128xi32, #tpu.memory_space<vmem>>) semaphore(%arg10 : memref<!tpu.dma_semaphore, #tpu.memory_space<semaphore_mem>>)
      } else {
      }
      %add3A_105 = arith.constant 1 : i32
      %add3A_106 = arith.addi %mul3A_81, %add3A_105 : i32
      %dma_wait3A_107 = arith.constant 0 : i32
      %dma_wait3A_108 = tpu.memref_slice %arg6[%add3A_106, %dma_wait3A_107] : memref<40x128xi32, #tpu.memory_space<vmem>> -> memref<1x128xi32, #tpu.memory_space<vmem>>
      %dma_wait3A_109 = tpu.memref_squeeze %dma_wait3A_108 : memref<1x128xi32, #tpu.memory_space<vmem>> -> memref<128xi32, #tpu.memory_space<vmem>>
      %dma_wait3A_110 = arith.constant 0 : i32
      %dma_wait3A_111 = arith.constant 0 : i32
      %dma_wait3A_112 = tpu.memref_slice %arg2[%add3A_41, %dma_wait3A_110, %dma_wait3A_111] : memref<4x10240x128xf32, #tpu.memory_space<hbm>> -> memref<1x10240x128xf32, #tpu.memory_space<hbm>>
      %dma_wait3A_113 = tpu.memref_squeeze %dma_wait3A_112 : memref<1x10240x128xf32, #tpu.memory_space<hbm>> -> memref<10240x128xf32, #tpu.memory_space<hbm>>
      %dma_wait3A_114 = arith.constant 0 : i32
      %dma_wait3A_115 = arith.constant 0 : i32
      %dma_wait3A_116 = tpu.memref_slice %dma_wait3A_113[%dma_wait3A_114, %dma_wait3A_115] : memref<10240x128xf32, #tpu.memory_space<hbm>> -> memref<10240x128xf32, #tpu.memory_space<hbm>>
      tpu.wait_indirect_dma semaphore(%arg11 : memref<!tpu.dma_semaphore, #tpu.memory_space<semaphore_mem>>) src(%dma_wait3A_116 : memref<10240x128xf32, #tpu.memory_space<hbm>>) dst(%arg9 : memref<128x128xf32, #tpu.memory_space<vmem>>)
      %add3A_117 = arith.constant 1 : i32
      %add3A_118 = arith.addi %mul3A_81, %add3A_117 : i32
      "tpu.region"() ({
        %run_scoped3A = tpu.sem_alloc : memref<!tpu.dma_semaphore, #tpu.memory_space<semaphore_mem>>
        %dma_start3A_119 = arith.constant 0 : i32
        %dma_start3A_120 = tpu.memref_slice %arg7[%add3A_118, %dma_start3A_119] : memref<40x128xi32, #tpu.memory_space<vmem>> -> memref<1x128xi32, #tpu.memory_space<vmem>>
        %dma_start3A_121 = tpu.memref_squeeze %dma_start3A_120 : memref<1x128xi32, #tpu.memory_space<vmem>> -> memref<128xi32, #tpu.memory_space<vmem>>
        %dma_start3A_122 = arith.constant 0 : i32
        %dma_start3A_123 = arith.constant 0 : i32
        %dma_start3A_124 = tpu.memref_slice %arg12[%dma_start3A_122, %dma_start3A_123] : memref<10240x128xf32, #tpu.memory_space<vmem_shared>> -> memref<10240x128xf32, #tpu.memory_space<vmem_shared>>
        tpu.enqueue_indirect_dma source(%arg9 : memref<128x128xf32, #tpu.memory_space<vmem>>) target(%dma_start3A_124 : memref<10240x128xf32, #tpu.memory_space<vmem_shared>>) offsets(%dma_start3A_121 : memref<128xi32, #tpu.memory_space<vmem>>) semaphore(%run_scoped3A : memref<!tpu.dma_semaphore, #tpu.memory_space<semaphore_mem>>) {add = true}
        %dma_wait3A_125 = arith.constant 0 : i32
        %dma_wait3A_126 = tpu.memref_slice %arg7[%add3A_118, %dma_wait3A_125] : memref<40x128xi32, #tpu.memory_space<vmem>> -> memref<1x128xi32, #tpu.memory_space<vmem>>
        %dma_wait3A_127 = tpu.memref_squeeze %dma_wait3A_126 : memref<1x128xi32, #tpu.memory_space<vmem>> -> memref<128xi32, #tpu.memory_space<vmem>>
        %dma_wait3A_128 = arith.constant 0 : i32
        %dma_wait3A_129 = arith.constant 0 : i32
        %dma_wait3A_130 = tpu.memref_slice %arg12[%dma_wait3A_128, %dma_wait3A_129] : memref<10240x128xf32, #tpu.memory_space<vmem_shared>> -> memref<10240x128xf32, #tpu.memory_space<vmem_shared>>
        tpu.wait_indirect_dma semaphore(%run_scoped3A : memref<!tpu.dma_semaphore, #tpu.memory_space<semaphore_mem>>) src(%arg9 : memref<128x128xf32, #tpu.memory_space<vmem>>) dst(%dma_wait3A_130 : memref<10240x128xf32, #tpu.memory_space<vmem_shared>>)
        tpu.yield
      }) : () -> ()
    }
    %scan3A_59 = arith.constant 20 : i32
    "tpu.region"() ({
      %run_scoped3A = tpu.sem_alloc : memref<!tpu.dma_semaphore, #tpu.memory_space<semaphore_mem>>
      %dma_start3A_79 = arith.constant 0 : i32
      %dma_start3A_80 = arith.constant 0 : i32
      %dma_start3A_81 = tpu.memref_slice %arg3[%arg1, %dma_start3A_79, %dma_start3A_80] : memref<16x80x128xi32, #tpu.memory_space<hbm>> -> memref<1x80x128xi32, #tpu.memory_space<hbm>>
      %dma_start3A_82 = tpu.memref_squeeze %dma_start3A_81 : memref<1x80x128xi32, #tpu.memory_space<hbm>> -> memref<80x128xi32, #tpu.memory_space<hbm>>
      %dma_start3A_83 = arith.constant 40 : i32
      %dma_start3A_84 = arith.constant 0 : i32
      %dma_start3A_85 = tpu.memref_slice %dma_start3A_82[%dma_start3A_83, %dma_start3A_84] : memref<80x128xi32, #tpu.memory_space<hbm>> -> memref<40x128xi32, #tpu.memory_space<hbm>>
      %dma_start3A_86 = arith.constant 0 : i32
      %dma_start3A_87 = arith.constant 0 : i32
      %dma_start3A_88 = tpu.memref_slice %arg3[%arg1, %dma_start3A_86, %dma_start3A_87] : memref<16x80x128xi32, #tpu.memory_space<hbm>> -> memref<1x80x128xi32, #tpu.memory_space<hbm>>
      %dma_start3A_89 = tpu.memref_squeeze %dma_start3A_88 : memref<1x80x128xi32, #tpu.memory_space<hbm>> -> memref<80x128xi32, #tpu.memory_space<hbm>>
      %dma_start3A_90 = arith.constant 40 : i32
      %dma_start3A_91 = arith.constant 0 : i32
      %dma_start3A_92 = tpu.memref_slice %dma_start3A_89[%dma_start3A_90, %dma_start3A_91] : memref<80x128xi32, #tpu.memory_space<hbm>> -> memref<40x128xi32, #tpu.memory_space<hbm>>
      tpu.enqueue_dma source(%dma_start3A_92 : memref<40x128xi32, #tpu.memory_space<hbm>>) target(%arg6 : memref<40x128xi32, #tpu.memory_space<vmem>>) target_semaphore(%run_scoped3A : memref<!tpu.dma_semaphore, #tpu.memory_space<semaphore_mem>>)
      %dma_wait3A = arith.constant 0 : i32
      %dma_wait3A_93 = arith.constant 0 : i32
      %dma_wait3A_94 = tpu.memref_slice %arg3[%arg1, %dma_wait3A, %dma_wait3A_93] : memref<16x80x128xi32, #tpu.memory_space<hbm>> -> memref<1x80x128xi32, #tpu.memory_space<hbm>>
      %dma_wait3A_95 = tpu.memref_squeeze %dma_wait3A_94 : memref<1x80x128xi32, #tpu.memory_space<hbm>> -> memref<80x128xi32, #tpu.memory_space<hbm>>
      %dma_wait3A_96 = arith.constant 40 : i32
      %dma_wait3A_97 = arith.constant 0 : i32
      %dma_wait3A_98 = tpu.memref_slice %dma_wait3A_95[%dma_wait3A_96, %dma_wait3A_97] : memref<80x128xi32, #tpu.memory_space<hbm>> -> memref<40x128xi32, #tpu.memory_space<hbm>>
      %dma_wait3A_99 = arith.constant 0 : i32
      %dma_wait3A_100 = arith.constant 0 : i32
      %dma_wait3A_101 = tpu.memref_slice %arg3[%arg1, %dma_wait3A_99, %dma_wait3A_100] : memref<16x80x128xi32, #tpu.memory_space<hbm>> -> memref<1x80x128xi32, #tpu.memory_space<hbm>>
      %dma_wait3A_102 = tpu.memref_squeeze %dma_wait3A_101 : memref<1x80x128xi32, #tpu.memory_space<hbm>> -> memref<80x128xi32, #tpu.memory_space<hbm>>
      %dma_wait3A_103 = arith.constant 40 : i32
      %dma_wait3A_104 = arith.constant 0 : i32
      %dma_wait3A_105 = tpu.memref_slice %dma_wait3A_102[%dma_wait3A_103, %dma_wait3A_104] : memref<80x128xi32, #tpu.memory_space<hbm>> -> memref<40x128xi32, #tpu.memory_space<hbm>>
      tpu.wait_dma2 semaphore(%run_scoped3A : memref<!tpu.dma_semaphore, #tpu.memory_space<semaphore_mem>>) src(%dma_wait3A_105 : memref<40x128xi32, #tpu.memory_space<hbm>>) dst(%arg6 : memref<40x128xi32, #tpu.memory_space<vmem>>)
      tpu.yield
    }) : () -> ()
    "tpu.region"() ({
      %run_scoped3A = tpu.sem_alloc : memref<!tpu.dma_semaphore, #tpu.memory_space<semaphore_mem>>
      %dma_start3A_79 = arith.constant 0 : i32
      %dma_start3A_80 = arith.constant 0 : i32
      %dma_start3A_81 = tpu.memref_slice %arg4[%arg1, %dma_start3A_79, %dma_start3A_80] : memref<16x80x128xi32, #tpu.memory_space<hbm>> -> memref<1x80x128xi32, #tpu.memory_space<hbm>>
      %dma_start3A_82 = tpu.memref_squeeze %dma_start3A_81 : memref<1x80x128xi32, #tpu.memory_space<hbm>> -> memref<80x128xi32, #tpu.memory_space<hbm>>
      %dma_start3A_83 = arith.constant 40 : i32
      %dma_start3A_84 = arith.constant 0 : i32
      %dma_start3A_85 = tpu.memref_slice %dma_start3A_82[%dma_start3A_83, %dma_start3A_84] : memref<80x128xi32, #tpu.memory_space<hbm>> -> memref<40x128xi32, #tpu.memory_space<hbm>>
      %dma_start3A_86 = arith.constant 0 : i32
      %dma_start3A_87 = arith.constant 0 : i32
      %dma_start3A_88 = tpu.memref_slice %arg4[%arg1, %dma_start3A_86, %dma_start3A_87] : memref<16x80x128xi32, #tpu.memory_space<hbm>> -> memref<1x80x128xi32, #tpu.memory_space<hbm>>
      %dma_start3A_89 = tpu.memref_squeeze %dma_start3A_88 : memref<1x80x128xi32, #tpu.memory_space<hbm>> -> memref<80x128xi32, #tpu.memory_space<hbm>>
      %dma_start3A_90 = arith.constant 40 : i32
      %dma_start3A_91 = arith.constant 0 : i32
      %dma_start3A_92 = tpu.memref_slice %dma_start3A_89[%dma_start3A_90, %dma_start3A_91] : memref<80x128xi32, #tpu.memory_space<hbm>> -> memref<40x128xi32, #tpu.memory_space<hbm>>
      tpu.enqueue_dma source(%dma_start3A_92 : memref<40x128xi32, #tpu.memory_space<hbm>>) target(%arg7 : memref<40x128xi32, #tpu.memory_space<vmem>>) target_semaphore(%run_scoped3A : memref<!tpu.dma_semaphore, #tpu.memory_space<semaphore_mem>>)
      %dma_wait3A = arith.constant 0 : i32
      %dma_wait3A_93 = arith.constant 0 : i32
      %dma_wait3A_94 = tpu.memref_slice %arg4[%arg1, %dma_wait3A, %dma_wait3A_93] : memref<16x80x128xi32, #tpu.memory_space<hbm>> -> memref<1x80x128xi32, #tpu.memory_space<hbm>>
      %dma_wait3A_95 = tpu.memref_squeeze %dma_wait3A_94 : memref<1x80x128xi32, #tpu.memory_space<hbm>> -> memref<80x128xi32, #tpu.memory_space<hbm>>
      %dma_wait3A_96 = arith.constant 40 : i32
      %dma_wait3A_97 = arith.constant 0 : i32
      %dma_wait3A_98 = tpu.memref_slice %dma_wait3A_95[%dma_wait3A_96, %dma_wait3A_97] : memref<80x128xi32, #tpu.memory_space<hbm>> -> memref<40x128xi32, #tpu.memory_space<hbm>>
      %dma_wait3A_99 = arith.constant 0 : i32
      %dma_wait3A_100 = arith.constant 0 : i32
      %dma_wait3A_101 = tpu.memref_slice %arg4[%arg1, %dma_wait3A_99, %dma_wait3A_100] : memref<16x80x128xi32, #tpu.memory_space<hbm>> -> memref<1x80x128xi32, #tpu.memory_space<hbm>>
      %dma_wait3A_102 = tpu.memref_squeeze %dma_wait3A_101 : memref<1x80x128xi32, #tpu.memory_space<hbm>> -> memref<80x128xi32, #tpu.memory_space<hbm>>
      %dma_wait3A_103 = arith.constant 40 : i32
      %dma_wait3A_104 = arith.constant 0 : i32
      %dma_wait3A_105 = tpu.memref_slice %dma_wait3A_102[%dma_wait3A_103, %dma_wait3A_104] : memref<80x128xi32, #tpu.memory_space<hbm>> -> memref<40x128xi32, #tpu.memory_space<hbm>>
      tpu.wait_dma2 semaphore(%run_scoped3A : memref<!tpu.dma_semaphore, #tpu.memory_space<semaphore_mem>>) src(%dma_wait3A_105 : memref<40x128xi32, #tpu.memory_space<hbm>>) dst(%arg7 : memref<40x128xi32, #tpu.memory_space<vmem>>)
      tpu.yield
    }) : () -> ()
    %dma_start3A_60 = arith.constant 0 : i32
    %dma_start3A_61 = arith.constant 0 : i32
    %dma_start3A_62 = tpu.memref_slice %arg6[%dma_start3A_60, %dma_start3A_61] : memref<40x128xi32, #tpu.memory_space<vmem>> -> memref<1x128xi32, #tpu.memory_space<vmem>>
    %dma_start3A_63 = tpu.memref_squeeze %dma_start3A_62 : memref<1x128xi32, #tpu.memory_space<vmem>> -> memref<128xi32, #tpu.memory_space<vmem>>
    %dma_start3A_64 = arith.constant 0 : i32
    %dma_start3A_65 = arith.constant 0 : i32
    %dma_start3A_66 = tpu.memref_slice %arg2[%add3A_41, %dma_start3A_64, %dma_start3A_65] : memref<4x10240x128xf32, #tpu.memory_space<hbm>> -> memref<1x10240x128xf32, #tpu.memory_space<hbm>>
    %dma_start3A_67 = tpu.memref_squeeze %dma_start3A_66 : memref<1x10240x128xf32, #tpu.memory_space<hbm>> -> memref<10240x128xf32, #tpu.memory_space<hbm>>
    %dma_start3A_68 = arith.constant 0 : i32
    %dma_start3A_69 = arith.constant 0 : i32
    %dma_start3A_70 = tpu.memref_slice %dma_start3A_67[%dma_start3A_68, %dma_start3A_69] : memref<10240x128xf32, #tpu.memory_space<hbm>> -> memref<10240x128xf32, #tpu.memory_space<hbm>>
    tpu.enqueue_indirect_dma source(%dma_start3A_70 : memref<10240x128xf32, #tpu.memory_space<hbm>>) target(%arg8 : memref<128x128xf32, #tpu.memory_space<vmem>>) offsets(%dma_start3A_63 : memref<128xi32, #tpu.memory_space<vmem>>) semaphore(%arg10 : memref<!tpu.dma_semaphore, #tpu.memory_space<semaphore_mem>>)
    %scan3A_71 = arith.constant 0 : i32
    %scan3A_72 = arith.constant 0 : i32
    %scan3A_73 = arith.constant 20 : i32
    %scan3A_74 = arith.addi %scan3A_72, %scan3A_73 : i32
    %scan3A_75 = arith.constant 1 : i32
    scf.for %scan3A_79 = %scan3A_72 to %scan3A_74 step %scan3A_75  : i32 {
      %mul3A_80 = arith.constant 2 : i32
      %mul3A_81 = arith.muli %mul3A_80, %scan3A_79 : i32
      %add3A_82 = arith.constant 1 : i32
      %add3A_83 = arith.addi %mul3A_81, %add3A_82 : i32
      %dma_start3A_84 = arith.constant 0 : i32
      %dma_start3A_85 = tpu.memref_slice %arg6[%add3A_83, %dma_start3A_84] : memref<40x128xi32, #tpu.memory_space<vmem>> -> memref<1x128xi32, #tpu.memory_space<vmem>>
      %dma_start3A_86 = tpu.memref_squeeze %dma_start3A_85 : memref<1x128xi32, #tpu.memory_space<vmem>> -> memref<128xi32, #tpu.memory_space<vmem>>
      %dma_start3A_87 = arith.constant 0 : i32
      %dma_start3A_88 = arith.constant 0 : i32
      %dma_start3A_89 = tpu.memref_slice %arg2[%add3A_41, %dma_start3A_87, %dma_start3A_88] : memref<4x10240x128xf32, #tpu.memory_space<hbm>> -> memref<1x10240x128xf32, #tpu.memory_space<hbm>>
      %dma_start3A_90 = tpu.memref_squeeze %dma_start3A_89 : memref<1x10240x128xf32, #tpu.memory_space<hbm>> -> memref<10240x128xf32, #tpu.memory_space<hbm>>
      %dma_start3A_91 = arith.constant 0 : i32
      %dma_start3A_92 = arith.constant 0 : i32
      %dma_start3A_93 = tpu.memref_slice %dma_start3A_90[%dma_start3A_91, %dma_start3A_92] : memref<10240x128xf32, #tpu.memory_space<hbm>> -> memref<10240x128xf32, #tpu.memory_space<hbm>>
      tpu.enqueue_indirect_dma source(%dma_start3A_93 : memref<10240x128xf32, #tpu.memory_space<hbm>>) target(%arg9 : memref<128x128xf32, #tpu.memory_space<vmem>>) offsets(%dma_start3A_86 : memref<128xi32, #tpu.memory_space<vmem>>) semaphore(%arg11 : memref<!tpu.dma_semaphore, #tpu.memory_space<semaphore_mem>>)
      %dma_wait3A = arith.constant 0 : i32
      %dma_wait3A_94 = tpu.memref_slice %arg6[%mul3A_81, %dma_wait3A] : memref<40x128xi32, #tpu.memory_space<vmem>> -> memref<1x128xi32, #tpu.memory_space<vmem>>
      %dma_wait3A_95 = tpu.memref_squeeze %dma_wait3A_94 : memref<1x128xi32, #tpu.memory_space<vmem>> -> memref<128xi32, #tpu.memory_space<vmem>>
      %dma_wait3A_96 = arith.constant 0 : i32
      %dma_wait3A_97 = arith.constant 0 : i32
      %dma_wait3A_98 = tpu.memref_slice %arg2[%add3A_41, %dma_wait3A_96, %dma_wait3A_97] : memref<4x10240x128xf32, #tpu.memory_space<hbm>> -> memref<1x10240x128xf32, #tpu.memory_space<hbm>>
      %dma_wait3A_99 = tpu.memref_squeeze %dma_wait3A_98 : memref<1x10240x128xf32, #tpu.memory_space<hbm>> -> memref<10240x128xf32, #tpu.memory_space<hbm>>
      %dma_wait3A_100 = arith.constant 0 : i32
      %dma_wait3A_101 = arith.constant 0 : i32
      %dma_wait3A_102 = tpu.memref_slice %dma_wait3A_99[%dma_wait3A_100, %dma_wait3A_101] : memref<10240x128xf32, #tpu.memory_space<hbm>> -> memref<10240x128xf32, #tpu.memory_space<hbm>>
      tpu.wait_indirect_dma semaphore(%arg10 : memref<!tpu.dma_semaphore, #tpu.memory_space<semaphore_mem>>) src(%dma_wait3A_102 : memref<10240x128xf32, #tpu.memory_space<hbm>>) dst(%arg8 : memref<128x128xf32, #tpu.memory_space<vmem>>)
      "tpu.region"() ({
        %run_scoped3A = tpu.sem_alloc : memref<!tpu.dma_semaphore, #tpu.memory_space<semaphore_mem>>
        %dma_start3A_119 = arith.constant 0 : i32
        %dma_start3A_120 = tpu.memref_slice %arg7[%mul3A_81, %dma_start3A_119] : memref<40x128xi32, #tpu.memory_space<vmem>> -> memref<1x128xi32, #tpu.memory_space<vmem>>
        %dma_start3A_121 = tpu.memref_squeeze %dma_start3A_120 : memref<1x128xi32, #tpu.memory_space<vmem>> -> memref<128xi32, #tpu.memory_space<vmem>>
        %dma_start3A_122 = arith.constant 0 : i32
        %dma_start3A_123 = arith.constant 0 : i32
        %dma_start3A_124 = tpu.memref_slice %arg12[%dma_start3A_122, %dma_start3A_123] : memref<10240x128xf32, #tpu.memory_space<vmem_shared>> -> memref<10240x128xf32, #tpu.memory_space<vmem_shared>>
        tpu.enqueue_indirect_dma source(%arg8 : memref<128x128xf32, #tpu.memory_space<vmem>>) target(%dma_start3A_124 : memref<10240x128xf32, #tpu.memory_space<vmem_shared>>) offsets(%dma_start3A_121 : memref<128xi32, #tpu.memory_space<vmem>>) semaphore(%run_scoped3A : memref<!tpu.dma_semaphore, #tpu.memory_space<semaphore_mem>>) {add = true}
        %dma_wait3A_125 = arith.constant 0 : i32
        %dma_wait3A_126 = tpu.memref_slice %arg7[%mul3A_81, %dma_wait3A_125] : memref<40x128xi32, #tpu.memory_space<vmem>> -> memref<1x128xi32, #tpu.memory_space<vmem>>
        %dma_wait3A_127 = tpu.memref_squeeze %dma_wait3A_126 : memref<1x128xi32, #tpu.memory_space<vmem>> -> memref<128xi32, #tpu.memory_space<vmem>>
        %dma_wait3A_128 = arith.constant 0 : i32
        %dma_wait3A_129 = arith.constant 0 : i32
        %dma_wait3A_130 = tpu.memref_slice %arg12[%dma_wait3A_128, %dma_wait3A_129] : memref<10240x128xf32, #tpu.memory_space<vmem_shared>> -> memref<10240x128xf32, #tpu.memory_space<vmem_shared>>
        tpu.wait_indirect_dma semaphore(%run_scoped3A : memref<!tpu.dma_semaphore, #tpu.memory_space<semaphore_mem>>) src(%arg8 : memref<128x128xf32, #tpu.memory_space<vmem>>) dst(%dma_wait3A_130 : memref<10240x128xf32, #tpu.memory_space<vmem_shared>>)
        tpu.yield
      }) : () -> ()
      %lt3A = arith.constant 19 : i32
      %lt3A_103 = arith.cmpi slt, %scan3A_79, %lt3A : i32
      %convert_element_type3A = arith.extui %lt3A_103 : i1 to i32
      %cond3A = arith.constant 0 : i32
      %cond3A_104 = arith.cmpi ne, %convert_element_type3A, %cond3A : i32
      scf.if %cond3A_104 {
        %add3A_119 = arith.constant 2 : i32
        %add3A_120 = arith.addi %mul3A_81, %add3A_119 : i32
        %dma_start3A_121 = arith.constant 0 : i32
        %dma_start3A_122 = tpu.memref_slice %arg6[%add3A_120, %dma_start3A_121] : memref<40x128xi32, #tpu.memory_space<vmem>> -> memref<1x128xi32, #tpu.memory_space<vmem>>
        %dma_start3A_123 = tpu.memref_squeeze %dma_start3A_122 : memref<1x128xi32, #tpu.memory_space<vmem>> -> memref<128xi32, #tpu.memory_space<vmem>>
        %dma_start3A_124 = arith.constant 0 : i32
        %dma_start3A_125 = arith.constant 0 : i32
        %dma_start3A_126 = tpu.memref_slice %arg2[%add3A_41, %dma_start3A_124, %dma_start3A_125] : memref<4x10240x128xf32, #tpu.memory_space<hbm>> -> memref<1x10240x128xf32, #tpu.memory_space<hbm>>
        %dma_start3A_127 = tpu.memref_squeeze %dma_start3A_126 : memref<1x10240x128xf32, #tpu.memory_space<hbm>> -> memref<10240x128xf32, #tpu.memory_space<hbm>>
        %dma_start3A_128 = arith.constant 0 : i32
        %dma_start3A_129 = arith.constant 0 : i32
        %dma_start3A_130 = tpu.memref_slice %dma_start3A_127[%dma_start3A_128, %dma_start3A_129] : memref<10240x128xf32, #tpu.memory_space<hbm>> -> memref<10240x128xf32, #tpu.memory_space<hbm>>
        tpu.enqueue_indirect_dma source(%dma_start3A_130 : memref<10240x128xf32, #tpu.memory_space<hbm>>) target(%arg8 : memref<128x128xf32, #tpu.memory_space<vmem>>) offsets(%dma_start3A_123 : memref<128xi32, #tpu.memory_space<vmem>>) semaphore(%arg10 : memref<!tpu.dma_semaphore, #tpu.memory_space<semaphore_mem>>)
      } else {
      }
      %add3A_105 = arith.constant 1 : i32
      %add3A_106 = arith.addi %mul3A_81, %add3A_105 : i32
      %dma_wait3A_107 = arith.constant 0 : i32
      %dma_wait3A_108 = tpu.memref_slice %arg6[%add3A_106, %dma_wait3A_107] : memref<40x128xi32, #tpu.memory_space<vmem>> -> memref<1x128xi32, #tpu.memory_space<vmem>>
      %dma_wait3A_109 = tpu.memref_squeeze %dma_wait3A_108 : memref<1x128xi32, #tpu.memory_space<vmem>> -> memref<128xi32, #tpu.memory_space<vmem>>
      %dma_wait3A_110 = arith.constant 0 : i32
      %dma_wait3A_111 = arith.constant 0 : i32
      %dma_wait3A_112 = tpu.memref_slice %arg2[%add3A_41, %dma_wait3A_110, %dma_wait3A_111] : memref<4x10240x128xf32, #tpu.memory_space<hbm>> -> memref<1x10240x128xf32, #tpu.memory_space<hbm>>
      %dma_wait3A_113 = tpu.memref_squeeze %dma_wait3A_112 : memref<1x10240x128xf32, #tpu.memory_space<hbm>> -> memref<10240x128xf32, #tpu.memory_space<hbm>>
      %dma_wait3A_114 = arith.constant 0 : i32
      %dma_wait3A_115 = arith.constant 0 : i32
      %dma_wait3A_116 = tpu.memref_slice %dma_wait3A_113[%dma_wait3A_114, %dma_wait3A_115] : memref<10240x128xf32, #tpu.memory_space<hbm>> -> memref<10240x128xf32, #tpu.memory_space<hbm>>
      tpu.wait_indirect_dma semaphore(%arg11 : memref<!tpu.dma_semaphore, #tpu.memory_space<semaphore_mem>>) src(%dma_wait3A_116 : memref<10240x128xf32, #tpu.memory_space<hbm>>) dst(%arg9 : memref<128x128xf32, #tpu.memory_space<vmem>>)
      %add3A_117 = arith.constant 1 : i32
      %add3A_118 = arith.addi %mul3A_81, %add3A_117 : i32
      "tpu.region"() ({
        %run_scoped3A = tpu.sem_alloc : memref<!tpu.dma_semaphore, #tpu.memory_space<semaphore_mem>>
        %dma_start3A_119 = arith.constant 0 : i32
        %dma_start3A_120 = tpu.memref_slice %arg7[%add3A_118, %dma_start3A_119] : memref<40x128xi32, #tpu.memory_space<vmem>> -> memref<1x128xi32, #tpu.memory_space<vmem>>
        %dma_start3A_121 = tpu.memref_squeeze %dma_start3A_120 : memref<1x128xi32, #tpu.memory_space<vmem>> -> memref<128xi32, #tpu.memory_space<vmem>>
        %dma_start3A_122 = arith.constant 0 : i32
        %dma_start3A_123 = arith.constant 0 : i32
        %dma_start3A_124 = tpu.memref_slice %arg12[%dma_start3A_122, %dma_start3A_123] : memref<10240x128xf32, #tpu.memory_space<vmem_shared>> -> memref<10240x128xf32, #tpu.memory_space<vmem_shared>>
        tpu.enqueue_indirect_dma source(%arg9 : memref<128x128xf32, #tpu.memory_space<vmem>>) target(%dma_start3A_124 : memref<10240x128xf32, #tpu.memory_space<vmem_shared>>) offsets(%dma_start3A_121 : memref<128xi32, #tpu.memory_space<vmem>>) semaphore(%run_scoped3A : memref<!tpu.dma_semaphore, #tpu.memory_space<semaphore_mem>>) {add = true}
        %dma_wait3A_125 = arith.constant 0 : i32
        %dma_wait3A_126 = tpu.memref_slice %arg7[%add3A_118, %dma_wait3A_125] : memref<40x128xi32, #tpu.memory_space<vmem>> -> memref<1x128xi32, #tpu.memory_space<vmem>>
        %dma_wait3A_127 = tpu.memref_squeeze %dma_wait3A_126 : memref<1x128xi32, #tpu.memory_space<vmem>> -> memref<128xi32, #tpu.memory_space<vmem>>
        %dma_wait3A_128 = arith.constant 0 : i32
        %dma_wait3A_129 = arith.constant 0 : i32
        %dma_wait3A_130 = tpu.memref_slice %arg12[%dma_wait3A_128, %dma_wait3A_129] : memref<10240x128xf32, #tpu.memory_space<vmem_shared>> -> memref<10240x128xf32, #tpu.memory_space<vmem_shared>>
        tpu.wait_indirect_dma semaphore(%run_scoped3A : memref<!tpu.dma_semaphore, #tpu.memory_space<semaphore_mem>>) src(%arg9 : memref<128x128xf32, #tpu.memory_space<vmem>>) dst(%dma_wait3A_130 : memref<10240x128xf32, #tpu.memory_space<vmem_shared>>)
        tpu.yield
      }) : () -> ()
    }
    %scan3A_76 = arith.constant 20 : i32
    %barrier3A_77 = arith.constant 0 : index
    tpu.barrier barrier_id(%barrier3A_77)
    "tpu.region"() ({
      %run_scoped3A = tpu.sem_alloc : memref<!tpu.dma_semaphore, #tpu.memory_space<semaphore_mem>>
      %dma_start3A_79 = arith.constant 0 : i32
      %dma_start3A_80 = arith.constant 0 : i32
      %dma_start3A_81 = tpu.memref_slice %arg5[%add3A_41, %dma_start3A_79, %dma_start3A_80] : memref<4x10240x128xf32, #tpu.memory_space<hbm>> -> memref<1x10240x128xf32, #tpu.memory_space<hbm>>
      %dma_start3A_82 = tpu.memref_squeeze %dma_start3A_81 : memref<1x10240x128xf32, #tpu.memory_space<hbm>> -> memref<10240x128xf32, #tpu.memory_space<hbm>>
      %dma_start3A_83 = arith.constant 0 : i32
      %dma_start3A_84 = tpu.memref_slice %dma_start3A_82[%mul3A_0, %dma_start3A_83] : memref<10240x128xf32, #tpu.memory_space<hbm>> -> memref<640x128xf32, #tpu.memory_space<hbm>>
      %dma_start3A_85 = arith.constant 0 : i32
      %dma_start3A_86 = tpu.memref_slice %arg12[%mul3A_0, %dma_start3A_85] : memref<10240x128xf32, #tpu.memory_space<vmem_shared>> -> memref<640x128xf32, #tpu.memory_space<vmem_shared>>
      tpu.enqueue_dma source(%dma_start3A_86 : memref<640x128xf32, #tpu.memory_space<vmem_shared>>) target(%dma_start3A_84 : memref<640x128xf32, #tpu.memory_space<hbm>>) target_semaphore(%run_scoped3A : memref<!tpu.dma_semaphore, #tpu.memory_space<semaphore_mem>>)
      %dma_wait3A = arith.constant 0 : i32
      %dma_wait3A_87 = arith.constant 0 : i32
      %dma_wait3A_88 = tpu.memref_slice %arg5[%add3A_41, %dma_wait3A, %dma_wait3A_87] : memref<4x10240x128xf32, #tpu.memory_space<hbm>> -> memref<1x10240x128xf32, #tpu.memory_space<hbm>>
      %dma_wait3A_89 = tpu.memref_squeeze %dma_wait3A_88 : memref<1x10240x128xf32, #tpu.memory_space<hbm>> -> memref<10240x128xf32, #tpu.memory_space<hbm>>
      %dma_wait3A_90 = arith.constant 0 : i32
      %dma_wait3A_91 = tpu.memref_slice %dma_wait3A_89[%mul3A_0, %dma_wait3A_90] : memref<10240x128xf32, #tpu.memory_space<hbm>> -> memref<640x128xf32, #tpu.memory_space<hbm>>
      %dma_wait3A_92 = arith.constant 0 : i32
      %dma_wait3A_93 = tpu.memref_slice %arg12[%mul3A_0, %dma_wait3A_92] : memref<10240x128xf32, #tpu.memory_space<vmem_shared>> -> memref<640x128xf32, #tpu.memory_space<vmem_shared>>
      tpu.wait_dma2 semaphore(%run_scoped3A : memref<!tpu.dma_semaphore, #tpu.memory_space<semaphore_mem>>) src(%dma_wait3A_93 : memref<640x128xf32, #tpu.memory_space<vmem_shared>>) dst(%dma_wait3A_91 : memref<640x128xf32, #tpu.memory_space<hbm>>)
      tpu.yield
    }) : () -> ()
    %barrier3A_78 = arith.constant 0 : index
    tpu.barrier barrier_id(%barrier3A_78)
    return
  }
}

#map = affine_map<(d0, d1) -> (0, 0, 0)>
module attributes {stable_mosaic.version = 14 : i64} {
  func.func @body(%arg0: i32, %arg1: i32, %arg2: memref<2x10240x128xf32, #tpu.memory_space<hbm>>, %arg3: memref<16x80x128xi32, #tpu.memory_space<hbm>>, %arg4: memref<16x80x128xi32, #tpu.memory_space<hbm>>, %arg5: memref<2x10240x128xf32, #tpu.memory_space<hbm>>, %arg6: memref<40x128xi32, #tpu.memory_space<vmem>>, %arg7: memref<40x128xi32, #tpu.memory_space<vmem>>, %arg8: memref<128x128xf32, #tpu.memory_space<vmem>>, %arg9: memref<128x128xf32, #tpu.memory_space<vmem>>, %arg10: memref<!tpu.dma_semaphore, #tpu.memory_space<semaphore_mem>>, %arg11: memref<!tpu.dma_semaphore, #tpu.memory_space<semaphore_mem>>, %arg12: memref<10240x128xf32, #tpu.memory_space<vmem_shared>>) attributes {dimension_semantics = [#tpu.dimension_semantics<core_parallel>, #tpu.dimension_semantics<subcore_parallel>], iteration_bounds = array<i64: 2, 16>, scalar_prefetch = 0 : i64, scratch_operands = 7 : i64, tpu.core_type = #tpu.core_type<sc_vector_subcore>, window_params = [{transform_indices = #map}, {transform_indices = #map}, {transform_indices = #map}, {transform_indices = #map}]} {
    %mul3A = arith.constant 640 : i32
    %mul3A_0 = arith.muli %arg1, %mul3A : i32
    %mul3A_1 = arith.constant 1 : i32
    %mul3A_2 = arith.muli %arg0, %mul3A_1 : i32
    %add3A = arith.constant 0 : i32
    %add3A_3 = arith.addi %mul3A_2, %add3A : i32
    "tpu.region"() ({
      %run_scoped3A = tpu.sem_alloc : memref<!tpu.dma_semaphore, #tpu.memory_space<semaphore_mem>>
      %dma_start3A_38 = arith.constant 0 : i32
      %dma_start3A_39 = tpu.memref_slice %arg12[%mul3A_0, %dma_start3A_38] : memref<10240x128xf32, #tpu.memory_space<vmem_shared>> -> memref<640x128xf32, #tpu.memory_space<vmem_shared>>
      %dma_start3A_40 = arith.constant 0 : i32
      %dma_start3A_41 = arith.constant 0 : i32
      %dma_start3A_42 = tpu.memref_slice %arg2[%add3A_3, %dma_start3A_40, %dma_start3A_41] : memref<2x10240x128xf32, #tpu.memory_space<hbm>> -> memref<1x10240x128xf32, #tpu.memory_space<hbm>>
      %dma_start3A_43 = tpu.memref_squeeze %dma_start3A_42 : memref<1x10240x128xf32, #tpu.memory_space<hbm>> -> memref<10240x128xf32, #tpu.memory_space<hbm>>
      %dma_start3A_44 = arith.constant 0 : i32
      %dma_start3A_45 = tpu.memref_slice %dma_start3A_43[%mul3A_0, %dma_start3A_44] : memref<10240x128xf32, #tpu.memory_space<hbm>> -> memref<640x128xf32, #tpu.memory_space<hbm>>
      tpu.enqueue_dma source(%dma_start3A_45 : memref<640x128xf32, #tpu.memory_space<hbm>>) target(%dma_start3A_39 : memref<640x128xf32, #tpu.memory_space<vmem_shared>>) target_semaphore(%run_scoped3A : memref<!tpu.dma_semaphore, #tpu.memory_space<semaphore_mem>>)
      %dma_wait3A = arith.constant 0 : i32
      %dma_wait3A_46 = tpu.memref_slice %arg12[%mul3A_0, %dma_wait3A] : memref<10240x128xf32, #tpu.memory_space<vmem_shared>> -> memref<640x128xf32, #tpu.memory_space<vmem_shared>>
      %dma_wait3A_47 = arith.constant 0 : i32
      %dma_wait3A_48 = arith.constant 0 : i32
      %dma_wait3A_49 = tpu.memref_slice %arg2[%add3A_3, %dma_wait3A_47, %dma_wait3A_48] : memref<2x10240x128xf32, #tpu.memory_space<hbm>> -> memref<1x10240x128xf32, #tpu.memory_space<hbm>>
      %dma_wait3A_50 = tpu.memref_squeeze %dma_wait3A_49 : memref<1x10240x128xf32, #tpu.memory_space<hbm>> -> memref<10240x128xf32, #tpu.memory_space<hbm>>
      %dma_wait3A_51 = arith.constant 0 : i32
      %dma_wait3A_52 = tpu.memref_slice %dma_wait3A_50[%mul3A_0, %dma_wait3A_51] : memref<10240x128xf32, #tpu.memory_space<hbm>> -> memref<640x128xf32, #tpu.memory_space<hbm>>
      tpu.wait_dma2 semaphore(%run_scoped3A : memref<!tpu.dma_semaphore, #tpu.memory_space<semaphore_mem>>) src(%dma_wait3A_52 : memref<640x128xf32, #tpu.memory_space<hbm>>) dst(%dma_wait3A_46 : memref<640x128xf32, #tpu.memory_space<vmem_shared>>)
      tpu.yield
    }) : () -> ()
    %barrier3A = arith.constant 0 : index
    tpu.barrier barrier_id(%barrier3A)
    "tpu.region"() ({
      %run_scoped3A = tpu.sem_alloc : memref<!tpu.dma_semaphore, #tpu.memory_space<semaphore_mem>>
      %dma_start3A_38 = arith.constant 0 : i32
      %dma_start3A_39 = arith.constant 0 : i32
      %dma_start3A_40 = tpu.memref_slice %arg3[%arg1, %dma_start3A_38, %dma_start3A_39] : memref<16x80x128xi32, #tpu.memory_space<hbm>> -> memref<1x80x128xi32, #tpu.memory_space<hbm>>
      %dma_start3A_41 = tpu.memref_squeeze %dma_start3A_40 : memref<1x80x128xi32, #tpu.memory_space<hbm>> -> memref<80x128xi32, #tpu.memory_space<hbm>>
      %dma_start3A_42 = arith.constant 0 : i32
      %dma_start3A_43 = arith.constant 0 : i32
      %dma_start3A_44 = tpu.memref_slice %dma_start3A_41[%dma_start3A_42, %dma_start3A_43] : memref<80x128xi32, #tpu.memory_space<hbm>> -> memref<40x128xi32, #tpu.memory_space<hbm>>
      %dma_start3A_45 = arith.constant 0 : i32
      %dma_start3A_46 = arith.constant 0 : i32
      %dma_start3A_47 = tpu.memref_slice %arg3[%arg1, %dma_start3A_45, %dma_start3A_46] : memref<16x80x128xi32, #tpu.memory_space<hbm>> -> memref<1x80x128xi32, #tpu.memory_space<hbm>>
      %dma_start3A_48 = tpu.memref_squeeze %dma_start3A_47 : memref<1x80x128xi32, #tpu.memory_space<hbm>> -> memref<80x128xi32, #tpu.memory_space<hbm>>
      %dma_start3A_49 = arith.constant 0 : i32
      %dma_start3A_50 = arith.constant 0 : i32
      %dma_start3A_51 = tpu.memref_slice %dma_start3A_48[%dma_start3A_49, %dma_start3A_50] : memref<80x128xi32, #tpu.memory_space<hbm>> -> memref<40x128xi32, #tpu.memory_space<hbm>>
      tpu.enqueue_dma source(%dma_start3A_51 : memref<40x128xi32, #tpu.memory_space<hbm>>) target(%arg6 : memref<40x128xi32, #tpu.memory_space<vmem>>) target_semaphore(%run_scoped3A : memref<!tpu.dma_semaphore, #tpu.memory_space<semaphore_mem>>)
      %dma_wait3A = arith.constant 0 : i32
      %dma_wait3A_52 = arith.constant 0 : i32
      %dma_wait3A_53 = tpu.memref_slice %arg3[%arg1, %dma_wait3A, %dma_wait3A_52] : memref<16x80x128xi32, #tpu.memory_space<hbm>> -> memref<1x80x128xi32, #tpu.memory_space<hbm>>
      %dma_wait3A_54 = tpu.memref_squeeze %dma_wait3A_53 : memref<1x80x128xi32, #tpu.memory_space<hbm>> -> memref<80x128xi32, #tpu.memory_space<hbm>>
      %dma_wait3A_55 = arith.constant 0 : i32
      %dma_wait3A_56 = arith.constant 0 : i32
      %dma_wait3A_57 = tpu.memref_slice %dma_wait3A_54[%dma_wait3A_55, %dma_wait3A_56] : memref<80x128xi32, #tpu.memory_space<hbm>> -> memref<40x128xi32, #tpu.memory_space<hbm>>
      %dma_wait3A_58 = arith.constant 0 : i32
      %dma_wait3A_59 = arith.constant 0 : i32
      %dma_wait3A_60 = tpu.memref_slice %arg3[%arg1, %dma_wait3A_58, %dma_wait3A_59] : memref<16x80x128xi32, #tpu.memory_space<hbm>> -> memref<1x80x128xi32, #tpu.memory_space<hbm>>
      %dma_wait3A_61 = tpu.memref_squeeze %dma_wait3A_60 : memref<1x80x128xi32, #tpu.memory_space<hbm>> -> memref<80x128xi32, #tpu.memory_space<hbm>>
      %dma_wait3A_62 = arith.constant 0 : i32
      %dma_wait3A_63 = arith.constant 0 : i32
      %dma_wait3A_64 = tpu.memref_slice %dma_wait3A_61[%dma_wait3A_62, %dma_wait3A_63] : memref<80x128xi32, #tpu.memory_space<hbm>> -> memref<40x128xi32, #tpu.memory_space<hbm>>
      tpu.wait_dma2 semaphore(%run_scoped3A : memref<!tpu.dma_semaphore, #tpu.memory_space<semaphore_mem>>) src(%dma_wait3A_64 : memref<40x128xi32, #tpu.memory_space<hbm>>) dst(%arg6 : memref<40x128xi32, #tpu.memory_space<vmem>>)
      tpu.yield
    }) : () -> ()
    "tpu.region"() ({
      %run_scoped3A = tpu.sem_alloc : memref<!tpu.dma_semaphore, #tpu.memory_space<semaphore_mem>>
      %dma_start3A_38 = arith.constant 0 : i32
      %dma_start3A_39 = arith.constant 0 : i32
      %dma_start3A_40 = tpu.memref_slice %arg4[%arg1, %dma_start3A_38, %dma_start3A_39] : memref<16x80x128xi32, #tpu.memory_space<hbm>> -> memref<1x80x128xi32, #tpu.memory_space<hbm>>
      %dma_start3A_41 = tpu.memref_squeeze %dma_start3A_40 : memref<1x80x128xi32, #tpu.memory_space<hbm>> -> memref<80x128xi32, #tpu.memory_space<hbm>>
      %dma_start3A_42 = arith.constant 0 : i32
      %dma_start3A_43 = arith.constant 0 : i32
      %dma_start3A_44 = tpu.memref_slice %dma_start3A_41[%dma_start3A_42, %dma_start3A_43] : memref<80x128xi32, #tpu.memory_space<hbm>> -> memref<40x128xi32, #tpu.memory_space<hbm>>
      %dma_start3A_45 = arith.constant 0 : i32
      %dma_start3A_46 = arith.constant 0 : i32
      %dma_start3A_47 = tpu.memref_slice %arg4[%arg1, %dma_start3A_45, %dma_start3A_46] : memref<16x80x128xi32, #tpu.memory_space<hbm>> -> memref<1x80x128xi32, #tpu.memory_space<hbm>>
      %dma_start3A_48 = tpu.memref_squeeze %dma_start3A_47 : memref<1x80x128xi32, #tpu.memory_space<hbm>> -> memref<80x128xi32, #tpu.memory_space<hbm>>
      %dma_start3A_49 = arith.constant 0 : i32
      %dma_start3A_50 = arith.constant 0 : i32
      %dma_start3A_51 = tpu.memref_slice %dma_start3A_48[%dma_start3A_49, %dma_start3A_50] : memref<80x128xi32, #tpu.memory_space<hbm>> -> memref<40x128xi32, #tpu.memory_space<hbm>>
      tpu.enqueue_dma source(%dma_start3A_51 : memref<40x128xi32, #tpu.memory_space<hbm>>) target(%arg7 : memref<40x128xi32, #tpu.memory_space<vmem>>) target_semaphore(%run_scoped3A : memref<!tpu.dma_semaphore, #tpu.memory_space<semaphore_mem>>)
      %dma_wait3A = arith.constant 0 : i32
      %dma_wait3A_52 = arith.constant 0 : i32
      %dma_wait3A_53 = tpu.memref_slice %arg4[%arg1, %dma_wait3A, %dma_wait3A_52] : memref<16x80x128xi32, #tpu.memory_space<hbm>> -> memref<1x80x128xi32, #tpu.memory_space<hbm>>
      %dma_wait3A_54 = tpu.memref_squeeze %dma_wait3A_53 : memref<1x80x128xi32, #tpu.memory_space<hbm>> -> memref<80x128xi32, #tpu.memory_space<hbm>>
      %dma_wait3A_55 = arith.constant 0 : i32
      %dma_wait3A_56 = arith.constant 0 : i32
      %dma_wait3A_57 = tpu.memref_slice %dma_wait3A_54[%dma_wait3A_55, %dma_wait3A_56] : memref<80x128xi32, #tpu.memory_space<hbm>> -> memref<40x128xi32, #tpu.memory_space<hbm>>
      %dma_wait3A_58 = arith.constant 0 : i32
      %dma_wait3A_59 = arith.constant 0 : i32
      %dma_wait3A_60 = tpu.memref_slice %arg4[%arg1, %dma_wait3A_58, %dma_wait3A_59] : memref<16x80x128xi32, #tpu.memory_space<hbm>> -> memref<1x80x128xi32, #tpu.memory_space<hbm>>
      %dma_wait3A_61 = tpu.memref_squeeze %dma_wait3A_60 : memref<1x80x128xi32, #tpu.memory_space<hbm>> -> memref<80x128xi32, #tpu.memory_space<hbm>>
      %dma_wait3A_62 = arith.constant 0 : i32
      %dma_wait3A_63 = arith.constant 0 : i32
      %dma_wait3A_64 = tpu.memref_slice %dma_wait3A_61[%dma_wait3A_62, %dma_wait3A_63] : memref<80x128xi32, #tpu.memory_space<hbm>> -> memref<40x128xi32, #tpu.memory_space<hbm>>
      tpu.wait_dma2 semaphore(%run_scoped3A : memref<!tpu.dma_semaphore, #tpu.memory_space<semaphore_mem>>) src(%dma_wait3A_64 : memref<40x128xi32, #tpu.memory_space<hbm>>) dst(%arg7 : memref<40x128xi32, #tpu.memory_space<vmem>>)
      tpu.yield
    }) : () -> ()
    %dma_start3A = arith.constant 0 : i32
    %dma_start3A_4 = arith.constant 0 : i32
    %dma_start3A_5 = tpu.memref_slice %arg6[%dma_start3A, %dma_start3A_4] : memref<40x128xi32, #tpu.memory_space<vmem>> -> memref<1x128xi32, #tpu.memory_space<vmem>>
    %dma_start3A_6 = tpu.memref_squeeze %dma_start3A_5 : memref<1x128xi32, #tpu.memory_space<vmem>> -> memref<128xi32, #tpu.memory_space<vmem>>
    %dma_start3A_7 = arith.constant 0 : i32
    %dma_start3A_8 = arith.constant 0 : i32
    %dma_start3A_9 = tpu.memref_slice %arg2[%add3A_3, %dma_start3A_7, %dma_start3A_8] : memref<2x10240x128xf32, #tpu.memory_space<hbm>> -> memref<1x10240x128xf32, #tpu.memory_space<hbm>>
    %dma_start3A_10 = tpu.memref_squeeze %dma_start3A_9 : memref<1x10240x128xf32, #tpu.memory_space<hbm>> -> memref<10240x128xf32, #tpu.memory_space<hbm>>
    %dma_start3A_11 = arith.constant 0 : i32
    %dma_start3A_12 = arith.constant 0 : i32
    %dma_start3A_13 = tpu.memref_slice %dma_start3A_10[%dma_start3A_11, %dma_start3A_12] : memref<10240x128xf32, #tpu.memory_space<hbm>> -> memref<10240x128xf32, #tpu.memory_space<hbm>>
    tpu.enqueue_indirect_dma source(%dma_start3A_13 : memref<10240x128xf32, #tpu.memory_space<hbm>>) target(%arg8 : memref<128x128xf32, #tpu.memory_space<vmem>>) offsets(%dma_start3A_6 : memref<128xi32, #tpu.memory_space<vmem>>) semaphore(%arg10 : memref<!tpu.dma_semaphore, #tpu.memory_space<semaphore_mem>>)
    %scan3A = arith.constant 0 : i32
    %scan3A_14 = arith.constant 0 : i32
    %scan3A_15 = arith.constant 20 : i32
    %scan3A_16 = arith.addi %scan3A_14, %scan3A_15 : i32
    %scan3A_17 = arith.constant 1 : i32
    scf.for %scan3A_38 = %scan3A_14 to %scan3A_16 step %scan3A_17  : i32 {
      %mul3A_39 = arith.constant 2 : i32
      %mul3A_40 = arith.muli %mul3A_39, %scan3A_38 : i32
      %add3A_41 = arith.constant 1 : i32
      %add3A_42 = arith.addi %mul3A_40, %add3A_41 : i32
      %dma_start3A_43 = arith.constant 0 : i32
      %dma_start3A_44 = tpu.memref_slice %arg6[%add3A_42, %dma_start3A_43] : memref<40x128xi32, #tpu.memory_space<vmem>> -> memref<1x128xi32, #tpu.memory_space<vmem>>
      %dma_start3A_45 = tpu.memref_squeeze %dma_start3A_44 : memref<1x128xi32, #tpu.memory_space<vmem>> -> memref<128xi32, #tpu.memory_space<vmem>>
      %dma_start3A_46 = arith.constant 0 : i32
      %dma_start3A_47 = arith.constant 0 : i32
      %dma_start3A_48 = tpu.memref_slice %arg2[%add3A_3, %dma_start3A_46, %dma_start3A_47] : memref<2x10240x128xf32, #tpu.memory_space<hbm>> -> memref<1x10240x128xf32, #tpu.memory_space<hbm>>
      %dma_start3A_49 = tpu.memref_squeeze %dma_start3A_48 : memref<1x10240x128xf32, #tpu.memory_space<hbm>> -> memref<10240x128xf32, #tpu.memory_space<hbm>>
      %dma_start3A_50 = arith.constant 0 : i32
      %dma_start3A_51 = arith.constant 0 : i32
      %dma_start3A_52 = tpu.memref_slice %dma_start3A_49[%dma_start3A_50, %dma_start3A_51] : memref<10240x128xf32, #tpu.memory_space<hbm>> -> memref<10240x128xf32, #tpu.memory_space<hbm>>
      tpu.enqueue_indirect_dma source(%dma_start3A_52 : memref<10240x128xf32, #tpu.memory_space<hbm>>) target(%arg9 : memref<128x128xf32, #tpu.memory_space<vmem>>) offsets(%dma_start3A_45 : memref<128xi32, #tpu.memory_space<vmem>>) semaphore(%arg11 : memref<!tpu.dma_semaphore, #tpu.memory_space<semaphore_mem>>)
      %dma_wait3A = arith.constant 0 : i32
      %dma_wait3A_53 = tpu.memref_slice %arg6[%mul3A_40, %dma_wait3A] : memref<40x128xi32, #tpu.memory_space<vmem>> -> memref<1x128xi32, #tpu.memory_space<vmem>>
      %dma_wait3A_54 = tpu.memref_squeeze %dma_wait3A_53 : memref<1x128xi32, #tpu.memory_space<vmem>> -> memref<128xi32, #tpu.memory_space<vmem>>
      %dma_wait3A_55 = arith.constant 0 : i32
      %dma_wait3A_56 = arith.constant 0 : i32
      %dma_wait3A_57 = tpu.memref_slice %arg2[%add3A_3, %dma_wait3A_55, %dma_wait3A_56] : memref<2x10240x128xf32, #tpu.memory_space<hbm>> -> memref<1x10240x128xf32, #tpu.memory_space<hbm>>
      %dma_wait3A_58 = tpu.memref_squeeze %dma_wait3A_57 : memref<1x10240x128xf32, #tpu.memory_space<hbm>> -> memref<10240x128xf32, #tpu.memory_space<hbm>>
      %dma_wait3A_59 = arith.constant 0 : i32
      %dma_wait3A_60 = arith.constant 0 : i32
      %dma_wait3A_61 = tpu.memref_slice %dma_wait3A_58[%dma_wait3A_59, %dma_wait3A_60] : memref<10240x128xf32, #tpu.memory_space<hbm>> -> memref<10240x128xf32, #tpu.memory_space<hbm>>
      tpu.wait_indirect_dma semaphore(%arg10 : memref<!tpu.dma_semaphore, #tpu.memory_space<semaphore_mem>>) src(%dma_wait3A_61 : memref<10240x128xf32, #tpu.memory_space<hbm>>) dst(%arg8 : memref<128x128xf32, #tpu.memory_space<vmem>>)
      "tpu.region"() ({
        %run_scoped3A = tpu.sem_alloc : memref<!tpu.dma_semaphore, #tpu.memory_space<semaphore_mem>>
        %dma_start3A_78 = arith.constant 0 : i32
        %dma_start3A_79 = tpu.memref_slice %arg7[%mul3A_40, %dma_start3A_78] : memref<40x128xi32, #tpu.memory_space<vmem>> -> memref<1x128xi32, #tpu.memory_space<vmem>>
        %dma_start3A_80 = tpu.memref_squeeze %dma_start3A_79 : memref<1x128xi32, #tpu.memory_space<vmem>> -> memref<128xi32, #tpu.memory_space<vmem>>
        %dma_start3A_81 = arith.constant 0 : i32
        %dma_start3A_82 = arith.constant 0 : i32
        %dma_start3A_83 = tpu.memref_slice %arg12[%dma_start3A_81, %dma_start3A_82] : memref<10240x128xf32, #tpu.memory_space<vmem_shared>> -> memref<10240x128xf32, #tpu.memory_space<vmem_shared>>
        tpu.enqueue_indirect_dma source(%arg8 : memref<128x128xf32, #tpu.memory_space<vmem>>) target(%dma_start3A_83 : memref<10240x128xf32, #tpu.memory_space<vmem_shared>>) offsets(%dma_start3A_80 : memref<128xi32, #tpu.memory_space<vmem>>) semaphore(%run_scoped3A : memref<!tpu.dma_semaphore, #tpu.memory_space<semaphore_mem>>) {add = true}
        %dma_wait3A_84 = arith.constant 0 : i32
        %dma_wait3A_85 = tpu.memref_slice %arg7[%mul3A_40, %dma_wait3A_84] : memref<40x128xi32, #tpu.memory_space<vmem>> -> memref<1x128xi32, #tpu.memory_space<vmem>>
        %dma_wait3A_86 = tpu.memref_squeeze %dma_wait3A_85 : memref<1x128xi32, #tpu.memory_space<vmem>> -> memref<128xi32, #tpu.memory_space<vmem>>
        %dma_wait3A_87 = arith.constant 0 : i32
        %dma_wait3A_88 = arith.constant 0 : i32
        %dma_wait3A_89 = tpu.memref_slice %arg12[%dma_wait3A_87, %dma_wait3A_88] : memref<10240x128xf32, #tpu.memory_space<vmem_shared>> -> memref<10240x128xf32, #tpu.memory_space<vmem_shared>>
        tpu.wait_indirect_dma semaphore(%run_scoped3A : memref<!tpu.dma_semaphore, #tpu.memory_space<semaphore_mem>>) src(%arg8 : memref<128x128xf32, #tpu.memory_space<vmem>>) dst(%dma_wait3A_89 : memref<10240x128xf32, #tpu.memory_space<vmem_shared>>)
        tpu.yield
      }) : () -> ()
      %lt3A = arith.constant 19 : i32
      %lt3A_62 = arith.cmpi slt, %scan3A_38, %lt3A : i32
      %convert_element_type3A = arith.extui %lt3A_62 : i1 to i32
      %cond3A = arith.constant 0 : i32
      %cond3A_63 = arith.cmpi ne, %convert_element_type3A, %cond3A : i32
      scf.if %cond3A_63 {
        %add3A_78 = arith.constant 2 : i32
        %add3A_79 = arith.addi %mul3A_40, %add3A_78 : i32
        %dma_start3A_80 = arith.constant 0 : i32
        %dma_start3A_81 = tpu.memref_slice %arg6[%add3A_79, %dma_start3A_80] : memref<40x128xi32, #tpu.memory_space<vmem>> -> memref<1x128xi32, #tpu.memory_space<vmem>>
        %dma_start3A_82 = tpu.memref_squeeze %dma_start3A_81 : memref<1x128xi32, #tpu.memory_space<vmem>> -> memref<128xi32, #tpu.memory_space<vmem>>
        %dma_start3A_83 = arith.constant 0 : i32
        %dma_start3A_84 = arith.constant 0 : i32
        %dma_start3A_85 = tpu.memref_slice %arg2[%add3A_3, %dma_start3A_83, %dma_start3A_84] : memref<2x10240x128xf32, #tpu.memory_space<hbm>> -> memref<1x10240x128xf32, #tpu.memory_space<hbm>>
        %dma_start3A_86 = tpu.memref_squeeze %dma_start3A_85 : memref<1x10240x128xf32, #tpu.memory_space<hbm>> -> memref<10240x128xf32, #tpu.memory_space<hbm>>
        %dma_start3A_87 = arith.constant 0 : i32
        %dma_start3A_88 = arith.constant 0 : i32
        %dma_start3A_89 = tpu.memref_slice %dma_start3A_86[%dma_start3A_87, %dma_start3A_88] : memref<10240x128xf32, #tpu.memory_space<hbm>> -> memref<10240x128xf32, #tpu.memory_space<hbm>>
        tpu.enqueue_indirect_dma source(%dma_start3A_89 : memref<10240x128xf32, #tpu.memory_space<hbm>>) target(%arg8 : memref<128x128xf32, #tpu.memory_space<vmem>>) offsets(%dma_start3A_82 : memref<128xi32, #tpu.memory_space<vmem>>) semaphore(%arg10 : memref<!tpu.dma_semaphore, #tpu.memory_space<semaphore_mem>>)
      } else {
      }
      %add3A_64 = arith.constant 1 : i32
      %add3A_65 = arith.addi %mul3A_40, %add3A_64 : i32
      %dma_wait3A_66 = arith.constant 0 : i32
      %dma_wait3A_67 = tpu.memref_slice %arg6[%add3A_65, %dma_wait3A_66] : memref<40x128xi32, #tpu.memory_space<vmem>> -> memref<1x128xi32, #tpu.memory_space<vmem>>
      %dma_wait3A_68 = tpu.memref_squeeze %dma_wait3A_67 : memref<1x128xi32, #tpu.memory_space<vmem>> -> memref<128xi32, #tpu.memory_space<vmem>>
      %dma_wait3A_69 = arith.constant 0 : i32
      %dma_wait3A_70 = arith.constant 0 : i32
      %dma_wait3A_71 = tpu.memref_slice %arg2[%add3A_3, %dma_wait3A_69, %dma_wait3A_70] : memref<2x10240x128xf32, #tpu.memory_space<hbm>> -> memref<1x10240x128xf32, #tpu.memory_space<hbm>>
      %dma_wait3A_72 = tpu.memref_squeeze %dma_wait3A_71 : memref<1x10240x128xf32, #tpu.memory_space<hbm>> -> memref<10240x128xf32, #tpu.memory_space<hbm>>
      %dma_wait3A_73 = arith.constant 0 : i32
      %dma_wait3A_74 = arith.constant 0 : i32
      %dma_wait3A_75 = tpu.memref_slice %dma_wait3A_72[%dma_wait3A_73, %dma_wait3A_74] : memref<10240x128xf32, #tpu.memory_space<hbm>> -> memref<10240x128xf32, #tpu.memory_space<hbm>>
      tpu.wait_indirect_dma semaphore(%arg11 : memref<!tpu.dma_semaphore, #tpu.memory_space<semaphore_mem>>) src(%dma_wait3A_75 : memref<10240x128xf32, #tpu.memory_space<hbm>>) dst(%arg9 : memref<128x128xf32, #tpu.memory_space<vmem>>)
      %add3A_76 = arith.constant 1 : i32
      %add3A_77 = arith.addi %mul3A_40, %add3A_76 : i32
      "tpu.region"() ({
        %run_scoped3A = tpu.sem_alloc : memref<!tpu.dma_semaphore, #tpu.memory_space<semaphore_mem>>
        %dma_start3A_78 = arith.constant 0 : i32
        %dma_start3A_79 = tpu.memref_slice %arg7[%add3A_77, %dma_start3A_78] : memref<40x128xi32, #tpu.memory_space<vmem>> -> memref<1x128xi32, #tpu.memory_space<vmem>>
        %dma_start3A_80 = tpu.memref_squeeze %dma_start3A_79 : memref<1x128xi32, #tpu.memory_space<vmem>> -> memref<128xi32, #tpu.memory_space<vmem>>
        %dma_start3A_81 = arith.constant 0 : i32
        %dma_start3A_82 = arith.constant 0 : i32
        %dma_start3A_83 = tpu.memref_slice %arg12[%dma_start3A_81, %dma_start3A_82] : memref<10240x128xf32, #tpu.memory_space<vmem_shared>> -> memref<10240x128xf32, #tpu.memory_space<vmem_shared>>
        tpu.enqueue_indirect_dma source(%arg9 : memref<128x128xf32, #tpu.memory_space<vmem>>) target(%dma_start3A_83 : memref<10240x128xf32, #tpu.memory_space<vmem_shared>>) offsets(%dma_start3A_80 : memref<128xi32, #tpu.memory_space<vmem>>) semaphore(%run_scoped3A : memref<!tpu.dma_semaphore, #tpu.memory_space<semaphore_mem>>) {add = true}
        %dma_wait3A_84 = arith.constant 0 : i32
        %dma_wait3A_85 = tpu.memref_slice %arg7[%add3A_77, %dma_wait3A_84] : memref<40x128xi32, #tpu.memory_space<vmem>> -> memref<1x128xi32, #tpu.memory_space<vmem>>
        %dma_wait3A_86 = tpu.memref_squeeze %dma_wait3A_85 : memref<1x128xi32, #tpu.memory_space<vmem>> -> memref<128xi32, #tpu.memory_space<vmem>>
        %dma_wait3A_87 = arith.constant 0 : i32
        %dma_wait3A_88 = arith.constant 0 : i32
        %dma_wait3A_89 = tpu.memref_slice %arg12[%dma_wait3A_87, %dma_wait3A_88] : memref<10240x128xf32, #tpu.memory_space<vmem_shared>> -> memref<10240x128xf32, #tpu.memory_space<vmem_shared>>
        tpu.wait_indirect_dma semaphore(%run_scoped3A : memref<!tpu.dma_semaphore, #tpu.memory_space<semaphore_mem>>) src(%arg9 : memref<128x128xf32, #tpu.memory_space<vmem>>) dst(%dma_wait3A_89 : memref<10240x128xf32, #tpu.memory_space<vmem_shared>>)
        tpu.yield
      }) : () -> ()
    }
    %scan3A_18 = arith.constant 20 : i32
    "tpu.region"() ({
      %run_scoped3A = tpu.sem_alloc : memref<!tpu.dma_semaphore, #tpu.memory_space<semaphore_mem>>
      %dma_start3A_38 = arith.constant 0 : i32
      %dma_start3A_39 = arith.constant 0 : i32
      %dma_start3A_40 = tpu.memref_slice %arg3[%arg1, %dma_start3A_38, %dma_start3A_39] : memref<16x80x128xi32, #tpu.memory_space<hbm>> -> memref<1x80x128xi32, #tpu.memory_space<hbm>>
      %dma_start3A_41 = tpu.memref_squeeze %dma_start3A_40 : memref<1x80x128xi32, #tpu.memory_space<hbm>> -> memref<80x128xi32, #tpu.memory_space<hbm>>
      %dma_start3A_42 = arith.constant 40 : i32
      %dma_start3A_43 = arith.constant 0 : i32
      %dma_start3A_44 = tpu.memref_slice %dma_start3A_41[%dma_start3A_42, %dma_start3A_43] : memref<80x128xi32, #tpu.memory_space<hbm>> -> memref<40x128xi32, #tpu.memory_space<hbm>>
      %dma_start3A_45 = arith.constant 0 : i32
      %dma_start3A_46 = arith.constant 0 : i32
      %dma_start3A_47 = tpu.memref_slice %arg3[%arg1, %dma_start3A_45, %dma_start3A_46] : memref<16x80x128xi32, #tpu.memory_space<hbm>> -> memref<1x80x128xi32, #tpu.memory_space<hbm>>
      %dma_start3A_48 = tpu.memref_squeeze %dma_start3A_47 : memref<1x80x128xi32, #tpu.memory_space<hbm>> -> memref<80x128xi32, #tpu.memory_space<hbm>>
      %dma_start3A_49 = arith.constant 40 : i32
      %dma_start3A_50 = arith.constant 0 : i32
      %dma_start3A_51 = tpu.memref_slice %dma_start3A_48[%dma_start3A_49, %dma_start3A_50] : memref<80x128xi32, #tpu.memory_space<hbm>> -> memref<40x128xi32, #tpu.memory_space<hbm>>
      tpu.enqueue_dma source(%dma_start3A_51 : memref<40x128xi32, #tpu.memory_space<hbm>>) target(%arg6 : memref<40x128xi32, #tpu.memory_space<vmem>>) target_semaphore(%run_scoped3A : memref<!tpu.dma_semaphore, #tpu.memory_space<semaphore_mem>>)
      %dma_wait3A = arith.constant 0 : i32
      %dma_wait3A_52 = arith.constant 0 : i32
      %dma_wait3A_53 = tpu.memref_slice %arg3[%arg1, %dma_wait3A, %dma_wait3A_52] : memref<16x80x128xi32, #tpu.memory_space<hbm>> -> memref<1x80x128xi32, #tpu.memory_space<hbm>>
      %dma_wait3A_54 = tpu.memref_squeeze %dma_wait3A_53 : memref<1x80x128xi32, #tpu.memory_space<hbm>> -> memref<80x128xi32, #tpu.memory_space<hbm>>
      %dma_wait3A_55 = arith.constant 40 : i32
      %dma_wait3A_56 = arith.constant 0 : i32
      %dma_wait3A_57 = tpu.memref_slice %dma_wait3A_54[%dma_wait3A_55, %dma_wait3A_56] : memref<80x128xi32, #tpu.memory_space<hbm>> -> memref<40x128xi32, #tpu.memory_space<hbm>>
      %dma_wait3A_58 = arith.constant 0 : i32
      %dma_wait3A_59 = arith.constant 0 : i32
      %dma_wait3A_60 = tpu.memref_slice %arg3[%arg1, %dma_wait3A_58, %dma_wait3A_59] : memref<16x80x128xi32, #tpu.memory_space<hbm>> -> memref<1x80x128xi32, #tpu.memory_space<hbm>>
      %dma_wait3A_61 = tpu.memref_squeeze %dma_wait3A_60 : memref<1x80x128xi32, #tpu.memory_space<hbm>> -> memref<80x128xi32, #tpu.memory_space<hbm>>
      %dma_wait3A_62 = arith.constant 40 : i32
      %dma_wait3A_63 = arith.constant 0 : i32
      %dma_wait3A_64 = tpu.memref_slice %dma_wait3A_61[%dma_wait3A_62, %dma_wait3A_63] : memref<80x128xi32, #tpu.memory_space<hbm>> -> memref<40x128xi32, #tpu.memory_space<hbm>>
      tpu.wait_dma2 semaphore(%run_scoped3A : memref<!tpu.dma_semaphore, #tpu.memory_space<semaphore_mem>>) src(%dma_wait3A_64 : memref<40x128xi32, #tpu.memory_space<hbm>>) dst(%arg6 : memref<40x128xi32, #tpu.memory_space<vmem>>)
      tpu.yield
    }) : () -> ()
    "tpu.region"() ({
      %run_scoped3A = tpu.sem_alloc : memref<!tpu.dma_semaphore, #tpu.memory_space<semaphore_mem>>
      %dma_start3A_38 = arith.constant 0 : i32
      %dma_start3A_39 = arith.constant 0 : i32
      %dma_start3A_40 = tpu.memref_slice %arg4[%arg1, %dma_start3A_38, %dma_start3A_39] : memref<16x80x128xi32, #tpu.memory_space<hbm>> -> memref<1x80x128xi32, #tpu.memory_space<hbm>>
      %dma_start3A_41 = tpu.memref_squeeze %dma_start3A_40 : memref<1x80x128xi32, #tpu.memory_space<hbm>> -> memref<80x128xi32, #tpu.memory_space<hbm>>
      %dma_start3A_42 = arith.constant 40 : i32
      %dma_start3A_43 = arith.constant 0 : i32
      %dma_start3A_44 = tpu.memref_slice %dma_start3A_41[%dma_start3A_42, %dma_start3A_43] : memref<80x128xi32, #tpu.memory_space<hbm>> -> memref<40x128xi32, #tpu.memory_space<hbm>>
      %dma_start3A_45 = arith.constant 0 : i32
      %dma_start3A_46 = arith.constant 0 : i32
      %dma_start3A_47 = tpu.memref_slice %arg4[%arg1, %dma_start3A_45, %dma_start3A_46] : memref<16x80x128xi32, #tpu.memory_space<hbm>> -> memref<1x80x128xi32, #tpu.memory_space<hbm>>
      %dma_start3A_48 = tpu.memref_squeeze %dma_start3A_47 : memref<1x80x128xi32, #tpu.memory_space<hbm>> -> memref<80x128xi32, #tpu.memory_space<hbm>>
      %dma_start3A_49 = arith.constant 40 : i32
      %dma_start3A_50 = arith.constant 0 : i32
      %dma_start3A_51 = tpu.memref_slice %dma_start3A_48[%dma_start3A_49, %dma_start3A_50] : memref<80x128xi32, #tpu.memory_space<hbm>> -> memref<40x128xi32, #tpu.memory_space<hbm>>
      tpu.enqueue_dma source(%dma_start3A_51 : memref<40x128xi32, #tpu.memory_space<hbm>>) target(%arg7 : memref<40x128xi32, #tpu.memory_space<vmem>>) target_semaphore(%run_scoped3A : memref<!tpu.dma_semaphore, #tpu.memory_space<semaphore_mem>>)
      %dma_wait3A = arith.constant 0 : i32
      %dma_wait3A_52 = arith.constant 0 : i32
      %dma_wait3A_53 = tpu.memref_slice %arg4[%arg1, %dma_wait3A, %dma_wait3A_52] : memref<16x80x128xi32, #tpu.memory_space<hbm>> -> memref<1x80x128xi32, #tpu.memory_space<hbm>>
      %dma_wait3A_54 = tpu.memref_squeeze %dma_wait3A_53 : memref<1x80x128xi32, #tpu.memory_space<hbm>> -> memref<80x128xi32, #tpu.memory_space<hbm>>
      %dma_wait3A_55 = arith.constant 40 : i32
      %dma_wait3A_56 = arith.constant 0 : i32
      %dma_wait3A_57 = tpu.memref_slice %dma_wait3A_54[%dma_wait3A_55, %dma_wait3A_56] : memref<80x128xi32, #tpu.memory_space<hbm>> -> memref<40x128xi32, #tpu.memory_space<hbm>>
      %dma_wait3A_58 = arith.constant 0 : i32
      %dma_wait3A_59 = arith.constant 0 : i32
      %dma_wait3A_60 = tpu.memref_slice %arg4[%arg1, %dma_wait3A_58, %dma_wait3A_59] : memref<16x80x128xi32, #tpu.memory_space<hbm>> -> memref<1x80x128xi32, #tpu.memory_space<hbm>>
      %dma_wait3A_61 = tpu.memref_squeeze %dma_wait3A_60 : memref<1x80x128xi32, #tpu.memory_space<hbm>> -> memref<80x128xi32, #tpu.memory_space<hbm>>
      %dma_wait3A_62 = arith.constant 40 : i32
      %dma_wait3A_63 = arith.constant 0 : i32
      %dma_wait3A_64 = tpu.memref_slice %dma_wait3A_61[%dma_wait3A_62, %dma_wait3A_63] : memref<80x128xi32, #tpu.memory_space<hbm>> -> memref<40x128xi32, #tpu.memory_space<hbm>>
      tpu.wait_dma2 semaphore(%run_scoped3A : memref<!tpu.dma_semaphore, #tpu.memory_space<semaphore_mem>>) src(%dma_wait3A_64 : memref<40x128xi32, #tpu.memory_space<hbm>>) dst(%arg7 : memref<40x128xi32, #tpu.memory_space<vmem>>)
      tpu.yield
    }) : () -> ()
    %dma_start3A_19 = arith.constant 0 : i32
    %dma_start3A_20 = arith.constant 0 : i32
    %dma_start3A_21 = tpu.memref_slice %arg6[%dma_start3A_19, %dma_start3A_20] : memref<40x128xi32, #tpu.memory_space<vmem>> -> memref<1x128xi32, #tpu.memory_space<vmem>>
    %dma_start3A_22 = tpu.memref_squeeze %dma_start3A_21 : memref<1x128xi32, #tpu.memory_space<vmem>> -> memref<128xi32, #tpu.memory_space<vmem>>
    %dma_start3A_23 = arith.constant 0 : i32
    %dma_start3A_24 = arith.constant 0 : i32
    %dma_start3A_25 = tpu.memref_slice %arg2[%add3A_3, %dma_start3A_23, %dma_start3A_24] : memref<2x10240x128xf32, #tpu.memory_space<hbm>> -> memref<1x10240x128xf32, #tpu.memory_space<hbm>>
    %dma_start3A_26 = tpu.memref_squeeze %dma_start3A_25 : memref<1x10240x128xf32, #tpu.memory_space<hbm>> -> memref<10240x128xf32, #tpu.memory_space<hbm>>
    %dma_start3A_27 = arith.constant 0 : i32
    %dma_start3A_28 = arith.constant 0 : i32
    %dma_start3A_29 = tpu.memref_slice %dma_start3A_26[%dma_start3A_27, %dma_start3A_28] : memref<10240x128xf32, #tpu.memory_space<hbm>> -> memref<10240x128xf32, #tpu.memory_space<hbm>>
    tpu.enqueue_indirect_dma source(%dma_start3A_29 : memref<10240x128xf32, #tpu.memory_space<hbm>>) target(%arg8 : memref<128x128xf32, #tpu.memory_space<vmem>>) offsets(%dma_start3A_22 : memref<128xi32, #tpu.memory_space<vmem>>) semaphore(%arg10 : memref<!tpu.dma_semaphore, #tpu.memory_space<semaphore_mem>>)
    %scan3A_30 = arith.constant 0 : i32
    %scan3A_31 = arith.constant 0 : i32
    %scan3A_32 = arith.constant 20 : i32
    %scan3A_33 = arith.addi %scan3A_31, %scan3A_32 : i32
    %scan3A_34 = arith.constant 1 : i32
    scf.for %scan3A_38 = %scan3A_31 to %scan3A_33 step %scan3A_34  : i32 {
      %mul3A_39 = arith.constant 2 : i32
      %mul3A_40 = arith.muli %mul3A_39, %scan3A_38 : i32
      %add3A_41 = arith.constant 1 : i32
      %add3A_42 = arith.addi %mul3A_40, %add3A_41 : i32
      %dma_start3A_43 = arith.constant 0 : i32
      %dma_start3A_44 = tpu.memref_slice %arg6[%add3A_42, %dma_start3A_43] : memref<40x128xi32, #tpu.memory_space<vmem>> -> memref<1x128xi32, #tpu.memory_space<vmem>>
      %dma_start3A_45 = tpu.memref_squeeze %dma_start3A_44 : memref<1x128xi32, #tpu.memory_space<vmem>> -> memref<128xi32, #tpu.memory_space<vmem>>
      %dma_start3A_46 = arith.constant 0 : i32
      %dma_start3A_47 = arith.constant 0 : i32
      %dma_start3A_48 = tpu.memref_slice %arg2[%add3A_3, %dma_start3A_46, %dma_start3A_47] : memref<2x10240x128xf32, #tpu.memory_space<hbm>> -> memref<1x10240x128xf32, #tpu.memory_space<hbm>>
      %dma_start3A_49 = tpu.memref_squeeze %dma_start3A_48 : memref<1x10240x128xf32, #tpu.memory_space<hbm>> -> memref<10240x128xf32, #tpu.memory_space<hbm>>
      %dma_start3A_50 = arith.constant 0 : i32
      %dma_start3A_51 = arith.constant 0 : i32
      %dma_start3A_52 = tpu.memref_slice %dma_start3A_49[%dma_start3A_50, %dma_start3A_51] : memref<10240x128xf32, #tpu.memory_space<hbm>> -> memref<10240x128xf32, #tpu.memory_space<hbm>>
      tpu.enqueue_indirect_dma source(%dma_start3A_52 : memref<10240x128xf32, #tpu.memory_space<hbm>>) target(%arg9 : memref<128x128xf32, #tpu.memory_space<vmem>>) offsets(%dma_start3A_45 : memref<128xi32, #tpu.memory_space<vmem>>) semaphore(%arg11 : memref<!tpu.dma_semaphore, #tpu.memory_space<semaphore_mem>>)
      %dma_wait3A = arith.constant 0 : i32
      %dma_wait3A_53 = tpu.memref_slice %arg6[%mul3A_40, %dma_wait3A] : memref<40x128xi32, #tpu.memory_space<vmem>> -> memref<1x128xi32, #tpu.memory_space<vmem>>
      %dma_wait3A_54 = tpu.memref_squeeze %dma_wait3A_53 : memref<1x128xi32, #tpu.memory_space<vmem>> -> memref<128xi32, #tpu.memory_space<vmem>>
      %dma_wait3A_55 = arith.constant 0 : i32
      %dma_wait3A_56 = arith.constant 0 : i32
      %dma_wait3A_57 = tpu.memref_slice %arg2[%add3A_3, %dma_wait3A_55, %dma_wait3A_56] : memref<2x10240x128xf32, #tpu.memory_space<hbm>> -> memref<1x10240x128xf32, #tpu.memory_space<hbm>>
      %dma_wait3A_58 = tpu.memref_squeeze %dma_wait3A_57 : memref<1x10240x128xf32, #tpu.memory_space<hbm>> -> memref<10240x128xf32, #tpu.memory_space<hbm>>
      %dma_wait3A_59 = arith.constant 0 : i32
      %dma_wait3A_60 = arith.constant 0 : i32
      %dma_wait3A_61 = tpu.memref_slice %dma_wait3A_58[%dma_wait3A_59, %dma_wait3A_60] : memref<10240x128xf32, #tpu.memory_space<hbm>> -> memref<10240x128xf32, #tpu.memory_space<hbm>>
      tpu.wait_indirect_dma semaphore(%arg10 : memref<!tpu.dma_semaphore, #tpu.memory_space<semaphore_mem>>) src(%dma_wait3A_61 : memref<10240x128xf32, #tpu.memory_space<hbm>>) dst(%arg8 : memref<128x128xf32, #tpu.memory_space<vmem>>)
      "tpu.region"() ({
        %run_scoped3A = tpu.sem_alloc : memref<!tpu.dma_semaphore, #tpu.memory_space<semaphore_mem>>
        %dma_start3A_78 = arith.constant 0 : i32
        %dma_start3A_79 = tpu.memref_slice %arg7[%mul3A_40, %dma_start3A_78] : memref<40x128xi32, #tpu.memory_space<vmem>> -> memref<1x128xi32, #tpu.memory_space<vmem>>
        %dma_start3A_80 = tpu.memref_squeeze %dma_start3A_79 : memref<1x128xi32, #tpu.memory_space<vmem>> -> memref<128xi32, #tpu.memory_space<vmem>>
        %dma_start3A_81 = arith.constant 0 : i32
        %dma_start3A_82 = arith.constant 0 : i32
        %dma_start3A_83 = tpu.memref_slice %arg12[%dma_start3A_81, %dma_start3A_82] : memref<10240x128xf32, #tpu.memory_space<vmem_shared>> -> memref<10240x128xf32, #tpu.memory_space<vmem_shared>>
        tpu.enqueue_indirect_dma source(%arg8 : memref<128x128xf32, #tpu.memory_space<vmem>>) target(%dma_start3A_83 : memref<10240x128xf32, #tpu.memory_space<vmem_shared>>) offsets(%dma_start3A_80 : memref<128xi32, #tpu.memory_space<vmem>>) semaphore(%run_scoped3A : memref<!tpu.dma_semaphore, #tpu.memory_space<semaphore_mem>>) {add = true}
        %dma_wait3A_84 = arith.constant 0 : i32
        %dma_wait3A_85 = tpu.memref_slice %arg7[%mul3A_40, %dma_wait3A_84] : memref<40x128xi32, #tpu.memory_space<vmem>> -> memref<1x128xi32, #tpu.memory_space<vmem>>
        %dma_wait3A_86 = tpu.memref_squeeze %dma_wait3A_85 : memref<1x128xi32, #tpu.memory_space<vmem>> -> memref<128xi32, #tpu.memory_space<vmem>>
        %dma_wait3A_87 = arith.constant 0 : i32
        %dma_wait3A_88 = arith.constant 0 : i32
        %dma_wait3A_89 = tpu.memref_slice %arg12[%dma_wait3A_87, %dma_wait3A_88] : memref<10240x128xf32, #tpu.memory_space<vmem_shared>> -> memref<10240x128xf32, #tpu.memory_space<vmem_shared>>
        tpu.wait_indirect_dma semaphore(%run_scoped3A : memref<!tpu.dma_semaphore, #tpu.memory_space<semaphore_mem>>) src(%arg8 : memref<128x128xf32, #tpu.memory_space<vmem>>) dst(%dma_wait3A_89 : memref<10240x128xf32, #tpu.memory_space<vmem_shared>>)
        tpu.yield
      }) : () -> ()
      %lt3A = arith.constant 19 : i32
      %lt3A_62 = arith.cmpi slt, %scan3A_38, %lt3A : i32
      %convert_element_type3A = arith.extui %lt3A_62 : i1 to i32
      %cond3A = arith.constant 0 : i32
      %cond3A_63 = arith.cmpi ne, %convert_element_type3A, %cond3A : i32
      scf.if %cond3A_63 {
        %add3A_78 = arith.constant 2 : i32
        %add3A_79 = arith.addi %mul3A_40, %add3A_78 : i32
        %dma_start3A_80 = arith.constant 0 : i32
        %dma_start3A_81 = tpu.memref_slice %arg6[%add3A_79, %dma_start3A_80] : memref<40x128xi32, #tpu.memory_space<vmem>> -> memref<1x128xi32, #tpu.memory_space<vmem>>
        %dma_start3A_82 = tpu.memref_squeeze %dma_start3A_81 : memref<1x128xi32, #tpu.memory_space<vmem>> -> memref<128xi32, #tpu.memory_space<vmem>>
        %dma_start3A_83 = arith.constant 0 : i32
        %dma_start3A_84 = arith.constant 0 : i32
        %dma_start3A_85 = tpu.memref_slice %arg2[%add3A_3, %dma_start3A_83, %dma_start3A_84] : memref<2x10240x128xf32, #tpu.memory_space<hbm>> -> memref<1x10240x128xf32, #tpu.memory_space<hbm>>
        %dma_start3A_86 = tpu.memref_squeeze %dma_start3A_85 : memref<1x10240x128xf32, #tpu.memory_space<hbm>> -> memref<10240x128xf32, #tpu.memory_space<hbm>>
        %dma_start3A_87 = arith.constant 0 : i32
        %dma_start3A_88 = arith.constant 0 : i32
        %dma_start3A_89 = tpu.memref_slice %dma_start3A_86[%dma_start3A_87, %dma_start3A_88] : memref<10240x128xf32, #tpu.memory_space<hbm>> -> memref<10240x128xf32, #tpu.memory_space<hbm>>
        tpu.enqueue_indirect_dma source(%dma_start3A_89 : memref<10240x128xf32, #tpu.memory_space<hbm>>) target(%arg8 : memref<128x128xf32, #tpu.memory_space<vmem>>) offsets(%dma_start3A_82 : memref<128xi32, #tpu.memory_space<vmem>>) semaphore(%arg10 : memref<!tpu.dma_semaphore, #tpu.memory_space<semaphore_mem>>)
      } else {
      }
      %add3A_64 = arith.constant 1 : i32
      %add3A_65 = arith.addi %mul3A_40, %add3A_64 : i32
      %dma_wait3A_66 = arith.constant 0 : i32
      %dma_wait3A_67 = tpu.memref_slice %arg6[%add3A_65, %dma_wait3A_66] : memref<40x128xi32, #tpu.memory_space<vmem>> -> memref<1x128xi32, #tpu.memory_space<vmem>>
      %dma_wait3A_68 = tpu.memref_squeeze %dma_wait3A_67 : memref<1x128xi32, #tpu.memory_space<vmem>> -> memref<128xi32, #tpu.memory_space<vmem>>
      %dma_wait3A_69 = arith.constant 0 : i32
      %dma_wait3A_70 = arith.constant 0 : i32
      %dma_wait3A_71 = tpu.memref_slice %arg2[%add3A_3, %dma_wait3A_69, %dma_wait3A_70] : memref<2x10240x128xf32, #tpu.memory_space<hbm>> -> memref<1x10240x128xf32, #tpu.memory_space<hbm>>
      %dma_wait3A_72 = tpu.memref_squeeze %dma_wait3A_71 : memref<1x10240x128xf32, #tpu.memory_space<hbm>> -> memref<10240x128xf32, #tpu.memory_space<hbm>>
      %dma_wait3A_73 = arith.constant 0 : i32
      %dma_wait3A_74 = arith.constant 0 : i32
      %dma_wait3A_75 = tpu.memref_slice %dma_wait3A_72[%dma_wait3A_73, %dma_wait3A_74] : memref<10240x128xf32, #tpu.memory_space<hbm>> -> memref<10240x128xf32, #tpu.memory_space<hbm>>
      tpu.wait_indirect_dma semaphore(%arg11 : memref<!tpu.dma_semaphore, #tpu.memory_space<semaphore_mem>>) src(%dma_wait3A_75 : memref<10240x128xf32, #tpu.memory_space<hbm>>) dst(%arg9 : memref<128x128xf32, #tpu.memory_space<vmem>>)
      %add3A_76 = arith.constant 1 : i32
      %add3A_77 = arith.addi %mul3A_40, %add3A_76 : i32
      "tpu.region"() ({
        %run_scoped3A = tpu.sem_alloc : memref<!tpu.dma_semaphore, #tpu.memory_space<semaphore_mem>>
        %dma_start3A_78 = arith.constant 0 : i32
        %dma_start3A_79 = tpu.memref_slice %arg7[%add3A_77, %dma_start3A_78] : memref<40x128xi32, #tpu.memory_space<vmem>> -> memref<1x128xi32, #tpu.memory_space<vmem>>
        %dma_start3A_80 = tpu.memref_squeeze %dma_start3A_79 : memref<1x128xi32, #tpu.memory_space<vmem>> -> memref<128xi32, #tpu.memory_space<vmem>>
        %dma_start3A_81 = arith.constant 0 : i32
        %dma_start3A_82 = arith.constant 0 : i32
        %dma_start3A_83 = tpu.memref_slice %arg12[%dma_start3A_81, %dma_start3A_82] : memref<10240x128xf32, #tpu.memory_space<vmem_shared>> -> memref<10240x128xf32, #tpu.memory_space<vmem_shared>>
        tpu.enqueue_indirect_dma source(%arg9 : memref<128x128xf32, #tpu.memory_space<vmem>>) target(%dma_start3A_83 : memref<10240x128xf32, #tpu.memory_space<vmem_shared>>) offsets(%dma_start3A_80 : memref<128xi32, #tpu.memory_space<vmem>>) semaphore(%run_scoped3A : memref<!tpu.dma_semaphore, #tpu.memory_space<semaphore_mem>>) {add = true}
        %dma_wait3A_84 = arith.constant 0 : i32
        %dma_wait3A_85 = tpu.memref_slice %arg7[%add3A_77, %dma_wait3A_84] : memref<40x128xi32, #tpu.memory_space<vmem>> -> memref<1x128xi32, #tpu.memory_space<vmem>>
        %dma_wait3A_86 = tpu.memref_squeeze %dma_wait3A_85 : memref<1x128xi32, #tpu.memory_space<vmem>> -> memref<128xi32, #tpu.memory_space<vmem>>
        %dma_wait3A_87 = arith.constant 0 : i32
        %dma_wait3A_88 = arith.constant 0 : i32
        %dma_wait3A_89 = tpu.memref_slice %arg12[%dma_wait3A_87, %dma_wait3A_88] : memref<10240x128xf32, #tpu.memory_space<vmem_shared>> -> memref<10240x128xf32, #tpu.memory_space<vmem_shared>>
        tpu.wait_indirect_dma semaphore(%run_scoped3A : memref<!tpu.dma_semaphore, #tpu.memory_space<semaphore_mem>>) src(%arg9 : memref<128x128xf32, #tpu.memory_space<vmem>>) dst(%dma_wait3A_89 : memref<10240x128xf32, #tpu.memory_space<vmem_shared>>)
        tpu.yield
      }) : () -> ()
    }
    %scan3A_35 = arith.constant 20 : i32
    %barrier3A_36 = arith.constant 0 : index
    tpu.barrier barrier_id(%barrier3A_36)
    "tpu.region"() ({
      %run_scoped3A = tpu.sem_alloc : memref<!tpu.dma_semaphore, #tpu.memory_space<semaphore_mem>>
      %dma_start3A_38 = arith.constant 0 : i32
      %dma_start3A_39 = arith.constant 0 : i32
      %dma_start3A_40 = tpu.memref_slice %arg5[%add3A_3, %dma_start3A_38, %dma_start3A_39] : memref<2x10240x128xf32, #tpu.memory_space<hbm>> -> memref<1x10240x128xf32, #tpu.memory_space<hbm>>
      %dma_start3A_41 = tpu.memref_squeeze %dma_start3A_40 : memref<1x10240x128xf32, #tpu.memory_space<hbm>> -> memref<10240x128xf32, #tpu.memory_space<hbm>>
      %dma_start3A_42 = arith.constant 0 : i32
      %dma_start3A_43 = tpu.memref_slice %dma_start3A_41[%mul3A_0, %dma_start3A_42] : memref<10240x128xf32, #tpu.memory_space<hbm>> -> memref<640x128xf32, #tpu.memory_space<hbm>>
      %dma_start3A_44 = arith.constant 0 : i32
      %dma_start3A_45 = tpu.memref_slice %arg12[%mul3A_0, %dma_start3A_44] : memref<10240x128xf32, #tpu.memory_space<vmem_shared>> -> memref<640x128xf32, #tpu.memory_space<vmem_shared>>
      tpu.enqueue_dma source(%dma_start3A_45 : memref<640x128xf32, #tpu.memory_space<vmem_shared>>) target(%dma_start3A_43 : memref<640x128xf32, #tpu.memory_space<hbm>>) target_semaphore(%run_scoped3A : memref<!tpu.dma_semaphore, #tpu.memory_space<semaphore_mem>>)
      %dma_wait3A = arith.constant 0 : i32
      %dma_wait3A_46 = arith.constant 0 : i32
      %dma_wait3A_47 = tpu.memref_slice %arg5[%add3A_3, %dma_wait3A, %dma_wait3A_46] : memref<2x10240x128xf32, #tpu.memory_space<hbm>> -> memref<1x10240x128xf32, #tpu.memory_space<hbm>>
      %dma_wait3A_48 = tpu.memref_squeeze %dma_wait3A_47 : memref<1x10240x128xf32, #tpu.memory_space<hbm>> -> memref<10240x128xf32, #tpu.memory_space<hbm>>
      %dma_wait3A_49 = arith.constant 0 : i32
      %dma_wait3A_50 = tpu.memref_slice %dma_wait3A_48[%mul3A_0, %dma_wait3A_49] : memref<10240x128xf32, #tpu.memory_space<hbm>> -> memref<640x128xf32, #tpu.memory_space<hbm>>
      %dma_wait3A_51 = arith.constant 0 : i32
      %dma_wait3A_52 = tpu.memref_slice %arg12[%mul3A_0, %dma_wait3A_51] : memref<10240x128xf32, #tpu.memory_space<vmem_shared>> -> memref<640x128xf32, #tpu.memory_space<vmem_shared>>
      tpu.wait_dma2 semaphore(%run_scoped3A : memref<!tpu.dma_semaphore, #tpu.memory_space<semaphore_mem>>) src(%dma_wait3A_52 : memref<640x128xf32, #tpu.memory_space<vmem_shared>>) dst(%dma_wait3A_50 : memref<640x128xf32, #tpu.memory_space<hbm>>)
      tpu.yield
    }) : () -> ()
    %barrier3A_37 = arith.constant 0 : index
    tpu.barrier barrier_id(%barrier3A_37)
    return
  }
}

#map = affine_map<(d0, d1) -> (0, 0, 0, 0)>
#map1 = affine_map<(d0, d1) -> (0, 0)>
#map2 = affine_map<(d0, d1) -> (0, 0, 0)>
module attributes {stable_mosaic.version = 14 : i64} {
  func.func @_deg_body(%arg0: i32, %arg1: i32, %arg2: memref<2x16x40x128xi32, #tpu.memory_space<hbm>>, %arg3: memref<128x128xf32, #tpu.memory_space<hbm>>, %arg4: memref<640x128xf32, #tpu.memory_space<hbm>>, %arg5: memref<2x10240x128xf32, #tpu.memory_space<hbm>>, %arg6: memref<40x128xi32, #tpu.memory_space<vmem>>, %arg7: memref<128x128xf32, #tpu.memory_space<vmem>>, %arg8: memref<!tpu.dma_semaphore, #tpu.memory_space<semaphore_mem>>, %arg9: memref<10240x128xf32, #tpu.memory_space<vmem_shared>>) attributes {dimension_semantics = [#tpu.dimension_semantics<core_parallel>, #tpu.dimension_semantics<subcore_parallel>], iteration_bounds = array<i64: 2, 16>, scalar_prefetch = 0 : i64, scratch_operands = 4 : i64, tpu.core_type = #tpu.core_type<sc_vector_subcore>, window_params = [{transform_indices = #map}, {transform_indices = #map1}, {transform_indices = #map1}, {transform_indices = #map2}]} {
    "tpu.region"() ({
      %run_scoped3A = tpu.sem_alloc : memref<!tpu.dma_semaphore, #tpu.memory_space<semaphore_mem>>
      %dma_start3A = arith.constant 0 : i32
      %dma_start3A_9 = arith.constant 0 : i32
      %dma_start3A_10 = arith.constant 0 : i32
      %dma_start3A_11 = tpu.memref_slice %arg2[%arg0, %dma_start3A, %dma_start3A_9, %dma_start3A_10] : memref<2x16x40x128xi32, #tpu.memory_space<hbm>> -> memref<1x16x40x128xi32, #tpu.memory_space<hbm>>
      %dma_start3A_12 = tpu.memref_squeeze %dma_start3A_11 : memref<1x16x40x128xi32, #tpu.memory_space<hbm>> -> memref<16x40x128xi32, #tpu.memory_space<hbm>>
      %dma_start3A_13 = arith.constant 0 : i32
      %dma_start3A_14 = arith.constant 0 : i32
      %dma_start3A_15 = tpu.memref_slice %dma_start3A_12[%arg1, %dma_start3A_13, %dma_start3A_14] : memref<16x40x128xi32, #tpu.memory_space<hbm>> -> memref<1x40x128xi32, #tpu.memory_space<hbm>>
      %dma_start3A_16 = tpu.memref_squeeze %dma_start3A_15 : memref<1x40x128xi32, #tpu.memory_space<hbm>> -> memref<40x128xi32, #tpu.memory_space<hbm>>
      %dma_start3A_17 = arith.constant 0 : i32
      %dma_start3A_18 = arith.constant 0 : i32
      %dma_start3A_19 = arith.constant 0 : i32
      %dma_start3A_20 = tpu.memref_slice %arg2[%arg0, %dma_start3A_17, %dma_start3A_18, %dma_start3A_19] : memref<2x16x40x128xi32, #tpu.memory_space<hbm>> -> memref<1x16x40x128xi32, #tpu.memory_space<hbm>>
      %dma_start3A_21 = tpu.memref_squeeze %dma_start3A_20 : memref<1x16x40x128xi32, #tpu.memory_space<hbm>> -> memref<16x40x128xi32, #tpu.memory_space<hbm>>
      %dma_start3A_22 = arith.constant 0 : i32
      %dma_start3A_23 = arith.constant 0 : i32
      %dma_start3A_24 = tpu.memref_slice %dma_start3A_21[%arg1, %dma_start3A_22, %dma_start3A_23] : memref<16x40x128xi32, #tpu.memory_space<hbm>> -> memref<1x40x128xi32, #tpu.memory_space<hbm>>
      %dma_start3A_25 = tpu.memref_squeeze %dma_start3A_24 : memref<1x40x128xi32, #tpu.memory_space<hbm>> -> memref<40x128xi32, #tpu.memory_space<hbm>>
      tpu.enqueue_dma source(%dma_start3A_25 : memref<40x128xi32, #tpu.memory_space<hbm>>) target(%arg6 : memref<40x128xi32, #tpu.memory_space<vmem>>) target_semaphore(%run_scoped3A : memref<!tpu.dma_semaphore, #tpu.memory_space<semaphore_mem>>)
      %dma_wait3A = arith.constant 0 : i32
      %dma_wait3A_26 = arith.constant 0 : i32
      %dma_wait3A_27 = arith.constant 0 : i32
      %dma_wait3A_28 = tpu.memref_slice %arg2[%arg0, %dma_wait3A, %dma_wait3A_26, %dma_wait3A_27] : memref<2x16x40x128xi32, #tpu.memory_space<hbm>> -> memref<1x16x40x128xi32, #tpu.memory_space<hbm>>
      %dma_wait3A_29 = tpu.memref_squeeze %dma_wait3A_28 : memref<1x16x40x128xi32, #tpu.memory_space<hbm>> -> memref<16x40x128xi32, #tpu.memory_space<hbm>>
      %dma_wait3A_30 = arith.constant 0 : i32
      %dma_wait3A_31 = arith.constant 0 : i32
      %dma_wait3A_32 = tpu.memref_slice %dma_wait3A_29[%arg1, %dma_wait3A_30, %dma_wait3A_31] : memref<16x40x128xi32, #tpu.memory_space<hbm>> -> memref<1x40x128xi32, #tpu.memory_space<hbm>>
      %dma_wait3A_33 = tpu.memref_squeeze %dma_wait3A_32 : memref<1x40x128xi32, #tpu.memory_space<hbm>> -> memref<40x128xi32, #tpu.memory_space<hbm>>
      %dma_wait3A_34 = arith.constant 0 : i32
      %dma_wait3A_35 = arith.constant 0 : i32
      %dma_wait3A_36 = arith.constant 0 : i32
      %dma_wait3A_37 = tpu.memref_slice %arg2[%arg0, %dma_wait3A_34, %dma_wait3A_35, %dma_wait3A_36] : memref<2x16x40x128xi32, #tpu.memory_space<hbm>> -> memref<1x16x40x128xi32, #tpu.memory_space<hbm>>
      %dma_wait3A_38 = tpu.memref_squeeze %dma_wait3A_37 : memref<1x16x40x128xi32, #tpu.memory_space<hbm>> -> memref<16x40x128xi32, #tpu.memory_space<hbm>>
      %dma_wait3A_39 = arith.constant 0 : i32
      %dma_wait3A_40 = arith.constant 0 : i32
      %dma_wait3A_41 = tpu.memref_slice %dma_wait3A_38[%arg1, %dma_wait3A_39, %dma_wait3A_40] : memref<16x40x128xi32, #tpu.memory_space<hbm>> -> memref<1x40x128xi32, #tpu.memory_space<hbm>>
      %dma_wait3A_42 = tpu.memref_squeeze %dma_wait3A_41 : memref<1x40x128xi32, #tpu.memory_space<hbm>> -> memref<40x128xi32, #tpu.memory_space<hbm>>
      tpu.wait_dma2 semaphore(%run_scoped3A : memref<!tpu.dma_semaphore, #tpu.memory_space<semaphore_mem>>) src(%dma_wait3A_42 : memref<40x128xi32, #tpu.memory_space<hbm>>) dst(%arg6 : memref<40x128xi32, #tpu.memory_space<vmem>>)
      tpu.yield
    }) : () -> ()
    "tpu.region"() ({
      %run_scoped3A = tpu.sem_alloc : memref<!tpu.dma_semaphore, #tpu.memory_space<semaphore_mem>>
      tpu.enqueue_dma source(%arg3 : memref<128x128xf32, #tpu.memory_space<hbm>>) target(%arg7 : memref<128x128xf32, #tpu.memory_space<vmem>>) target_semaphore(%run_scoped3A : memref<!tpu.dma_semaphore, #tpu.memory_space<semaphore_mem>>)
      tpu.wait_dma2 semaphore(%run_scoped3A : memref<!tpu.dma_semaphore, #tpu.memory_space<semaphore_mem>>) src(%arg3 : memref<128x128xf32, #tpu.memory_space<hbm>>) dst(%arg7 : memref<128x128xf32, #tpu.memory_space<vmem>>)
      tpu.yield
    }) : () -> ()
    %mul3A = arith.constant 640 : i32
    %mul3A_0 = arith.muli %arg1, %mul3A : i32
    "tpu.region"() ({
      %run_scoped3A = tpu.sem_alloc : memref<!tpu.dma_semaphore, #tpu.memory_space<semaphore_mem>>
      %dma_start3A = arith.constant 0 : i32
      %dma_start3A_9 = tpu.memref_slice %arg9[%mul3A_0, %dma_start3A] : memref<10240x128xf32, #tpu.memory_space<vmem_shared>> -> memref<640x128xf32, #tpu.memory_space<vmem_shared>>
      tpu.enqueue_dma source(%arg4 : memref<640x128xf32, #tpu.memory_space<hbm>>) target(%dma_start3A_9 : memref<640x128xf32, #tpu.memory_space<vmem_shared>>) target_semaphore(%run_scoped3A : memref<!tpu.dma_semaphore, #tpu.memory_space<semaphore_mem>>)
      %dma_wait3A = arith.constant 0 : i32
      %dma_wait3A_10 = tpu.memref_slice %arg9[%mul3A_0, %dma_wait3A] : memref<10240x128xf32, #tpu.memory_space<vmem_shared>> -> memref<640x128xf32, #tpu.memory_space<vmem_shared>>
      tpu.wait_dma2 semaphore(%run_scoped3A : memref<!tpu.dma_semaphore, #tpu.memory_space<semaphore_mem>>) src(%arg4 : memref<640x128xf32, #tpu.memory_space<hbm>>) dst(%dma_wait3A_10 : memref<640x128xf32, #tpu.memory_space<vmem_shared>>)
      tpu.yield
    }) : () -> ()
    %barrier3A = arith.constant 0 : index
    tpu.barrier barrier_id(%barrier3A)
    %scan3A = arith.constant 0 : i32
    %scan3A_1 = arith.constant 0 : i32
    %scan3A_2 = arith.constant 40 : i32
    %scan3A_3 = arith.addi %scan3A_1, %scan3A_2 : i32
    %scan3A_4 = arith.constant 1 : i32
    scf.for %scan3A_9 = %scan3A_1 to %scan3A_3 step %scan3A_4  : i32 {
      "tpu.region"() ({
        %run_scoped3A = tpu.sem_alloc : memref<!tpu.dma_semaphore, #tpu.memory_space<semaphore_mem>>
        %dma_start3A = arith.constant 0 : i32
        %dma_start3A_10 = tpu.memref_slice %arg6[%scan3A_9, %dma_start3A] : memref<40x128xi32, #tpu.memory_space<vmem>> -> memref<1x128xi32, #tpu.memory_space<vmem>>
        %dma_start3A_11 = tpu.memref_squeeze %dma_start3A_10 : memref<1x128xi32, #tpu.memory_space<vmem>> -> memref<128xi32, #tpu.memory_space<vmem>>
        %dma_start3A_12 = arith.constant 0 : i32
        %dma_start3A_13 = arith.constant 0 : i32
        %dma_start3A_14 = tpu.memref_slice %arg9[%dma_start3A_12, %dma_start3A_13] : memref<10240x128xf32, #tpu.memory_space<vmem_shared>> -> memref<10240x128xf32, #tpu.memory_space<vmem_shared>>
        tpu.enqueue_indirect_dma source(%arg7 : memref<128x128xf32, #tpu.memory_space<vmem>>) target(%dma_start3A_14 : memref<10240x128xf32, #tpu.memory_space<vmem_shared>>) offsets(%dma_start3A_11 : memref<128xi32, #tpu.memory_space<vmem>>) semaphore(%run_scoped3A : memref<!tpu.dma_semaphore, #tpu.memory_space<semaphore_mem>>) {add = true}
        %dma_wait3A = arith.constant 0 : i32
        %dma_wait3A_15 = tpu.memref_slice %arg6[%scan3A_9, %dma_wait3A] : memref<40x128xi32, #tpu.memory_space<vmem>> -> memref<1x128xi32, #tpu.memory_space<vmem>>
        %dma_wait3A_16 = tpu.memref_squeeze %dma_wait3A_15 : memref<1x128xi32, #tpu.memory_space<vmem>> -> memref<128xi32, #tpu.memory_space<vmem>>
        %dma_wait3A_17 = arith.constant 0 : i32
        %dma_wait3A_18 = arith.constant 0 : i32
        %dma_wait3A_19 = tpu.memref_slice %arg9[%dma_wait3A_17, %dma_wait3A_18] : memref<10240x128xf32, #tpu.memory_space<vmem_shared>> -> memref<10240x128xf32, #tpu.memory_space<vmem_shared>>
        tpu.wait_indirect_dma semaphore(%run_scoped3A : memref<!tpu.dma_semaphore, #tpu.memory_space<semaphore_mem>>) src(%arg7 : memref<128x128xf32, #tpu.memory_space<vmem>>) dst(%dma_wait3A_19 : memref<10240x128xf32, #tpu.memory_space<vmem_shared>>)
        tpu.yield
      }) : () -> ()
    }
    %scan3A_5 = arith.constant 40 : i32
    %barrier3A_6 = arith.constant 0 : index
    tpu.barrier barrier_id(%barrier3A_6)
    %mul3A_7 = arith.constant 640 : i32
    %mul3A_8 = arith.muli %arg1, %mul3A_7 : i32
    "tpu.region"() ({
      %run_scoped3A = tpu.sem_alloc : memref<!tpu.dma_semaphore, #tpu.memory_space<semaphore_mem>>
      %dma_start3A = arith.constant 0 : i32
      %dma_start3A_9 = arith.constant 0 : i32
      %dma_start3A_10 = tpu.memref_slice %arg5[%arg0, %dma_start3A, %dma_start3A_9] : memref<2x10240x128xf32, #tpu.memory_space<hbm>> -> memref<1x10240x128xf32, #tpu.memory_space<hbm>>
      %dma_start3A_11 = tpu.memref_squeeze %dma_start3A_10 : memref<1x10240x128xf32, #tpu.memory_space<hbm>> -> memref<10240x128xf32, #tpu.memory_space<hbm>>
      %dma_start3A_12 = arith.constant 0 : i32
      %dma_start3A_13 = tpu.memref_slice %dma_start3A_11[%mul3A_8, %dma_start3A_12] : memref<10240x128xf32, #tpu.memory_space<hbm>> -> memref<640x128xf32, #tpu.memory_space<hbm>>
      %dma_start3A_14 = arith.constant 0 : i32
      %dma_start3A_15 = tpu.memref_slice %arg9[%mul3A_8, %dma_start3A_14] : memref<10240x128xf32, #tpu.memory_space<vmem_shared>> -> memref<640x128xf32, #tpu.memory_space<vmem_shared>>
      tpu.enqueue_dma source(%dma_start3A_15 : memref<640x128xf32, #tpu.memory_space<vmem_shared>>) target(%dma_start3A_13 : memref<640x128xf32, #tpu.memory_space<hbm>>) target_semaphore(%run_scoped3A : memref<!tpu.dma_semaphore, #tpu.memory_space<semaphore_mem>>)
      %dma_wait3A = arith.constant 0 : i32
      %dma_wait3A_16 = arith.constant 0 : i32
      %dma_wait3A_17 = tpu.memref_slice %arg5[%arg0, %dma_wait3A, %dma_wait3A_16] : memref<2x10240x128xf32, #tpu.memory_space<hbm>> -> memref<1x10240x128xf32, #tpu.memory_space<hbm>>
      %dma_wait3A_18 = tpu.memref_squeeze %dma_wait3A_17 : memref<1x10240x128xf32, #tpu.memory_space<hbm>> -> memref<10240x128xf32, #tpu.memory_space<hbm>>
      %dma_wait3A_19 = arith.constant 0 : i32
      %dma_wait3A_20 = tpu.memref_slice %dma_wait3A_18[%mul3A_8, %dma_wait3A_19] : memref<10240x128xf32, #tpu.memory_space<hbm>> -> memref<640x128xf32, #tpu.memory_space<hbm>>
      %dma_wait3A_21 = arith.constant 0 : i32
      %dma_wait3A_22 = tpu.memref_slice %arg9[%mul3A_8, %dma_wait3A_21] : memref<10240x128xf32, #tpu.memory_space<vmem_shared>> -> memref<640x128xf32, #tpu.memory_space<vmem_shared>>
      tpu.wait_dma2 semaphore(%run_scoped3A : memref<!tpu.dma_semaphore, #tpu.memory_space<semaphore_mem>>) src(%dma_wait3A_22 : memref<640x128xf32, #tpu.memory_space<vmem_shared>>) dst(%dma_wait3A_20 : memref<640x128xf32, #tpu.memory_space<hbm>>)
      tpu.yield
    }) : () -> ()
    return
  }
}

module attributes {stable_mosaic.version = 14 : i64} {
  func.func @_dinv_body(%arg0: i32, %arg1: memref<2x5120x128xf32, #tpu.memory_space<vmem>>, %arg2: memref<5120x128xf32, #tpu.memory_space<vmem>>) attributes {dimension_semantics = [#tpu.dimension_semantics<arbitrary>], iteration_bounds = array<i64: 2>, scalar_prefetch = 0 : i64, scratch_operands = 0 : i64, tpu.core_type = #tpu.core_type<tc>, window_params = [{transform_indices = @transform_0, window_bounds = array<i64: 2, 5120, 128>}, {transform_indices = @transform_1, window_bounds = array<i64: 5120, 128>}]} {
    %get3A = arith.constant 0 : index
    %get3A_0 = arith.constant 0 : index
    %get3A_1 = arith.constant 0 : index
    %get3A_2 = vector.load %arg1[%get3A, %get3A_0, %get3A_1] : memref<2x5120x128xf32, #tpu.memory_space<vmem>>, vector<1x5120x128xf32>
    %get3A_3 = vector.shape_cast %get3A_2 : vector<1x5120x128xf32> to vector<5120x128xf32>
    %get3A_4 = arith.constant 1 : index
    %get3A_5 = arith.constant 0 : index
    %get3A_6 = arith.constant 0 : index
    %get3A_7 = vector.load %arg1[%get3A_4, %get3A_5, %get3A_6] : memref<2x5120x128xf32, #tpu.memory_space<vmem>>, vector<1x5120x128xf32>
    %get3A_8 = vector.shape_cast %get3A_7 : vector<1x5120x128xf32> to vector<5120x128xf32>
    %add3A = arith.addf %get3A_3, %get3A_8 : vector<5120x128xf32>
    %add3A_9 = arith.constant 1.000000e+00 : f32
    %add3A_10 = vector.broadcast %add3A_9 : f32 to vector<5120x128xf32>
    %add3A_11 = arith.addf %add3A, %add3A_10 : vector<5120x128xf32>
    %rsqrt3A = math.rsqrt %add3A_11 : vector<5120x128xf32>
    %swap3A = arith.constant 0 : index
    %swap3A_12 = arith.constant 0 : index
    %swap3A_13 = vector.load %arg2[%swap3A, %swap3A_12] : memref<5120x128xf32, #tpu.memory_space<vmem>>, vector<5120x128xf32>
    tpu.vector_store %arg2[%swap3A, %swap3A_12], %rsqrt3A {strides = array<i32>} : memref<5120x128xf32, #tpu.memory_space<vmem>>, vector<5120x128xf32>,
    return
  }
  func.func @transform_0(%arg0: i32) -> (i32, i32, i32) {
    %c0_i32 = arith.constant 0 : i32
    %c0_i32_0 = arith.constant 0 : i32
    %c0_i32_1 = arith.constant 0 : i32
    return %c0_i32, %arg0, %c0_i32_0 : i32, i32, i32
  }
  func.func @transform_1(%arg0: i32) -> (i32, i32) {
    %c0_i32 = arith.constant 0 : i32
    %c0_i32_0 = arith.constant 0 : i32
    return %arg0, %c0_i32 : i32, i32
  }
}

module attributes {stable_mosaic.version = 14 : i64} {
  func.func @_mm1_body(%arg0: i32, %arg1: memref<5120x128xf32, #tpu.memory_space<vmem>>, %arg2: memref<5120x256xf32, #tpu.memory_space<vmem>>, %arg3: memref<256x512xf32, #tpu.memory_space<vmem>>, %arg4: memref<4x5120x128xf32, #tpu.memory_space<vmem>>) attributes {dimension_semantics = [#tpu.dimension_semantics<arbitrary>], iteration_bounds = array<i64: 2>, scalar_prefetch = 0 : i64, scratch_operands = 0 : i64, tpu.core_type = #tpu.core_type<tc>, window_params = [{transform_indices = @transform_0, window_bounds = array<i64: 5120, 128>}, {transform_indices = @transform_1, window_bounds = array<i64: 5120, 256>}, {pipeline_mode = #tpu.pipeline_mode<synchronous>, transform_indices = @transform_2, window_bounds = array<i64: 256, 512>}, {transform_indices = @transform_3, window_bounds = array<i64: 4, 5120, 128>}]} {
    %get3A = arith.constant 0 : index
    %get3A_0 = arith.constant 0 : index
    %get3A_1 = vector.load %arg1[%get3A, %get3A_0] : memref<5120x128xf32, #tpu.memory_space<vmem>>, vector<5120x1xf32>
    %get3A_2 = arith.constant 0 : index
    %get3A_3 = arith.constant 0 : index
    %get3A_4 = vector.load %arg2[%get3A_2, %get3A_3] : memref<5120x256xf32, #tpu.memory_space<vmem>>, vector<5120x256xf32>
    %get3A_5 = arith.constant 0 : index
    %get3A_6 = arith.constant 0 : index
    %get3A_7 = vector.load %arg3[%get3A_5, %get3A_6] : memref<256x512xf32, #tpu.memory_space<vmem>>, vector<256x512xf32>
    %dot_general3A = arith.constant dense<0.000000e+00> : vector<5120x512xf32>
    %dot_general3A_8 = tpu.matmul %get3A_4, %get3A_7, %dot_general3A {dimension_numbers = #tpu.dot_dimension_numbers<[1], [0], [0], [1], [0, 0, 1, 1], [], []>, transpose_lhs_hint = false} : vector<5120x256xf32>, vector<256x512xf32>, vector<5120x512xf32> -> vector<5120x512xf32>
    %mul3A = vector.broadcast %get3A_1 : vector<5120x1xf32> to vector<5120x512xf32>
    %mul3A_9 = arith.mulf %mul3A, %dot_general3A_8 : vector<5120x512xf32>
    %slice3A = vector.extract_strided_slice %mul3A_9 {offsets = [0, 0], sizes = [5120, 128], strides = [1, 1]} : vector<5120x512xf32> to vector<5120x128xf32>
    %swap3A = arith.constant 0 : index
    %swap3A_10 = arith.constant 0 : index
    %swap3A_11 = arith.constant 0 : index
    %swap3A_12 = vector.load %arg4[%swap3A, %swap3A_10, %swap3A_11] : memref<4x5120x128xf32, #tpu.memory_space<vmem>>, vector<1x5120x128xf32>
    %swap3A_13 = vector.shape_cast %swap3A_12 : vector<1x5120x128xf32> to vector<5120x128xf32>
    %swap3A_14 = vector.shape_cast %slice3A : vector<5120x128xf32> to vector<1x5120x128xf32>
    tpu.vector_store %arg4[%swap3A, %swap3A_10, %swap3A_11], %swap3A_14 {strides = array<i32>} : memref<4x5120x128xf32, #tpu.memory_space<vmem>>, vector<1x5120x128xf32>,
    %slice3A_15 = vector.extract_strided_slice %mul3A_9 {offsets = [0, 128], sizes = [5120, 128], strides = [1, 1]} : vector<5120x512xf32> to vector<5120x128xf32>
    %swap3A_16 = arith.constant 1 : index
    %swap3A_17 = arith.constant 0 : index
    %swap3A_18 = arith.constant 0 : index
    %swap3A_19 = vector.load %arg4[%swap3A_16, %swap3A_17, %swap3A_18] : memref<4x5120x128xf32, #tpu.memory_space<vmem>>, vector<1x5120x128xf32>
    %swap3A_20 = vector.shape_cast %swap3A_19 : vector<1x5120x128xf32> to vector<5120x128xf32>
    %swap3A_21 = vector.shape_cast %slice3A_15 : vector<5120x128xf32> to vector<1x5120x128xf32>
    tpu.vector_store %arg4[%swap3A_16, %swap3A_17, %swap3A_18], %swap3A_21 {strides = array<i32>} : memref<4x5120x128xf32, #tpu.memory_space<vmem>>, vector<1x5120x128xf32>,
    %slice3A_22 = vector.extract_strided_slice %mul3A_9 {offsets = [0, 256], sizes = [5120, 128], strides = [1, 1]} : vector<5120x512xf32> to vector<5120x128xf32>
    %swap3A_23 = arith.constant 2 : index
    %swap3A_24 = arith.constant 0 : index
    %swap3A_25 = arith.constant 0 : index
    %swap3A_26 = vector.load %arg4[%swap3A_23, %swap3A_24, %swap3A_25] : memref<4x5120x128xf32, #tpu.memory_space<vmem>>, vector<1x5120x128xf32>
    %swap3A_27 = vector.shape_cast %swap3A_26 : vector<1x5120x128xf32> to vector<5120x128xf32>
    %swap3A_28 = vector.shape_cast %slice3A_22 : vector<5120x128xf32> to vector<1x5120x128xf32>
    tpu.vector_store %arg4[%swap3A_23, %swap3A_24, %swap3A_25], %swap3A_28 {strides = array<i32>} : memref<4x5120x128xf32, #tpu.memory_space<vmem>>, vector<1x5120x128xf32>,
    %slice3A_29 = vector.extract_strided_slice %mul3A_9 {offsets = [0, 384], sizes = [5120, 128], strides = [1, 1]} : vector<5120x512xf32> to vector<5120x128xf32>
    %swap3A_30 = arith.constant 3 : index
    %swap3A_31 = arith.constant 0 : index
    %swap3A_32 = arith.constant 0 : index
    %swap3A_33 = vector.load %arg4[%swap3A_30, %swap3A_31, %swap3A_32] : memref<4x5120x128xf32, #tpu.memory_space<vmem>>, vector<1x5120x128xf32>
    %swap3A_34 = vector.shape_cast %swap3A_33 : vector<1x5120x128xf32> to vector<5120x128xf32>
    %swap3A_35 = vector.shape_cast %slice3A_29 : vector<5120x128xf32> to vector<1x5120x128xf32>
    tpu.vector_store %arg4[%swap3A_30, %swap3A_31, %swap3A_32], %swap3A_35 {strides = array<i32>} : memref<4x5120x128xf32, #tpu.memory_space<vmem>>, vector<1x5120x128xf32>,
    return
  }
  func.func @transform_0(%arg0: i32) -> (i32, i32) {
    %c0_i32 = arith.constant 0 : i32
    %c0_i32_0 = arith.constant 0 : i32
    return %arg0, %c0_i32 : i32, i32
  }
  func.func @transform_1(%arg0: i32) -> (i32, i32) {
    %c0_i32 = arith.constant 0 : i32
    %c0_i32_0 = arith.constant 0 : i32
    return %arg0, %c0_i32 : i32, i32
  }
  func.func @transform_2(%arg0: i32) -> (i32, i32) {
    %c0_i32 = arith.constant 0 : i32
    %c0_i32_0 = arith.constant 0 : i32
    %c0_i32_1 = arith.constant 0 : i32
    return %c0_i32, %c0_i32_0 : i32, i32
  }
  func.func @transform_3(%arg0: i32) -> (i32, i32, i32) {
    %c0_i32 = arith.constant 0 : i32
    %c0_i32_0 = arith.constant 0 : i32
    %c0_i32_1 = arith.constant 0 : i32
    return %c0_i32, %arg0, %c0_i32_0 : i32, i32, i32
  }
}

module attributes {stable_mosaic.version = 14 : i64} {
  func.func @_mm2_body(%arg0: i32, %arg1: memref<5120x128xf32, #tpu.memory_space<vmem>>, %arg2: memref<4x5120x128xf32, #tpu.memory_space<vmem>>, %arg3: memref<1x512xf32, #tpu.memory_space<vmem>>, %arg4: memref<512x256xf32, #tpu.memory_space<vmem>>, %arg5: memref<2x5120x128xf32, #tpu.memory_space<vmem>>) attributes {dimension_semantics = [#tpu.dimension_semantics<arbitrary>], iteration_bounds = array<i64: 2>, scalar_prefetch = 0 : i64, scratch_operands = 0 : i64, tpu.core_type = #tpu.core_type<tc>, window_params = [{transform_indices = @transform_0, window_bounds = array<i64: 5120, 128>}, {transform_indices = @transform_1, window_bounds = array<i64: 4, 5120, 128>}, {pipeline_mode = #tpu.pipeline_mode<synchronous>, transform_indices = @transform_2, window_bounds = array<i64: 1, 512>}, {pipeline_mode = #tpu.pipeline_mode<synchronous>, transform_indices = @transform_3, window_bounds = array<i64: 512, 256>}, {transform_indices = @transform_4, window_bounds = array<i64: 2, 5120, 128>}]} {
    %get3A = arith.constant 0 : index
    %get3A_0 = arith.constant 0 : index
    %get3A_1 = vector.load %arg1[%get3A, %get3A_0] : memref<5120x128xf32, #tpu.memory_space<vmem>>, vector<5120x1xf32>
    %get3A_2 = arith.constant 0 : index
    %get3A_3 = arith.constant 0 : index
    %get3A_4 = arith.constant 0 : index
    %get3A_5 = vector.load %arg2[%get3A_2, %get3A_3, %get3A_4] : memref<4x5120x128xf32, #tpu.memory_space<vmem>>, vector<1x5120x128xf32>
    %get3A_6 = vector.shape_cast %get3A_5 : vector<1x5120x128xf32> to vector<5120x128xf32>
    %get3A_7 = arith.constant 1 : index
    %get3A_8 = arith.constant 0 : index
    %get3A_9 = arith.constant 0 : index
    %get3A_10 = vector.load %arg2[%get3A_7, %get3A_8, %get3A_9] : memref<4x5120x128xf32, #tpu.memory_space<vmem>>, vector<1x5120x128xf32>
    %get3A_11 = vector.shape_cast %get3A_10 : vector<1x5120x128xf32> to vector<5120x128xf32>
    %get3A_12 = arith.constant 2 : index
    %get3A_13 = arith.constant 0 : index
    %get3A_14 = arith.constant 0 : index
    %get3A_15 = vector.load %arg2[%get3A_12, %get3A_13, %get3A_14] : memref<4x5120x128xf32, #tpu.memory_space<vmem>>, vector<1x5120x128xf32>
    %get3A_16 = vector.shape_cast %get3A_15 : vector<1x5120x128xf32> to vector<5120x128xf32>
    %get3A_17 = arith.constant 3 : index
    %get3A_18 = arith.constant 0 : index
    %get3A_19 = arith.constant 0 : index
    %get3A_20 = vector.load %arg2[%get3A_17, %get3A_18, %get3A_19] : memref<4x5120x128xf32, #tpu.memory_space<vmem>>, vector<1x5120x128xf32>
    %get3A_21 = vector.shape_cast %get3A_20 : vector<1x5120x128xf32> to vector<5120x128xf32>
    %concatenate3A = tpu.concatenate %get3A_6, %get3A_11, %get3A_16, %get3A_21 in 1 : vector<5120x128xf32>, vector<5120x128xf32>, vector<5120x128xf32>, vector<5120x128xf32> -> vector<5120x512xf32>
    %mul3A = vector.broadcast %get3A_1 : vector<5120x1xf32> to vector<5120x512xf32>
    %mul3A_22 = arith.mulf %mul3A, %concatenate3A : vector<5120x512xf32>
    %get3A_23 = arith.constant 0 : index
    %get3A_24 = arith.constant 0 : index
    %get3A_25 = vector.load %arg3[%get3A_23, %get3A_24] : memref<1x512xf32, #tpu.memory_space<vmem>>, vector<1x512xf32>
    %get3A_26 = vector.shape_cast %get3A_25 : vector<1x512xf32> to vector<512xf32>
    %broadcast_in_dim3A = vector.shape_cast %get3A_26 : vector<512xf32> to vector<1x512xf32>
    %add3A = vector.broadcast %broadcast_in_dim3A : vector<1x512xf32> to vector<5120x512xf32>
    %add3A_27 = arith.addf %mul3A_22, %add3A : vector<5120x512xf32>
    %max3A = arith.constant 0.000000e+00 : f32
    %max3A_28 = vector.broadcast %max3A : f32 to vector<5120x512xf32>
    %max3A_29 = arith.maximumf %add3A_27, %max3A_28 : vector<5120x512xf32>
    %get3A_30 = arith.constant 0 : index
    %get3A_31 = arith.constant 0 : index
    %get3A_32 = vector.load %arg4[%get3A_30, %get3A_31] : memref<512x256xf32, #tpu.memory_space<vmem>>, vector<512x256xf32>
    %dot_general3A = arith.constant dense<0.000000e+00> : vector<5120x256xf32>
    %dot_general3A_33 = tpu.matmul %max3A_29, %get3A_32, %dot_general3A {dimension_numbers = #tpu.dot_dimension_numbers<[1], [0], [0], [1], [0, 0, 1, 1], [], []>, transpose_lhs_hint = false} : vector<5120x512xf32>, vector<512x256xf32>, vector<5120x256xf32> -> vector<5120x256xf32>
    %mul3A_34 = vector.broadcast %get3A_1 : vector<5120x1xf32> to vector<5120x256xf32>
    %mul3A_35 = arith.mulf %mul3A_34, %dot_general3A_33 : vector<5120x256xf32>
    %slice3A = vector.extract_strided_slice %mul3A_35 {offsets = [0, 0], sizes = [5120, 128], strides = [1, 1]} : vector<5120x256xf32> to vector<5120x128xf32>
    %swap3A = arith.constant 0 : index
    %swap3A_36 = arith.constant 0 : index
    %swap3A_37 = arith.constant 0 : index
    %swap3A_38 = vector.load %arg5[%swap3A, %swap3A_36, %swap3A_37] : memref<2x5120x128xf32, #tpu.memory_space<vmem>>, vector<1x5120x128xf32>
    %swap3A_39 = vector.shape_cast %swap3A_38 : vector<1x5120x128xf32> to vector<5120x128xf32>
    %swap3A_40 = vector.shape_cast %slice3A : vector<5120x128xf32> to vector<1x5120x128xf32>
    tpu.vector_store %arg5[%swap3A, %swap3A_36, %swap3A_37], %swap3A_40 {strides = array<i32>} : memref<2x5120x128xf32, #tpu.memory_space<vmem>>, vector<1x5120x128xf32>,
    %slice3A_41 = vector.extract_strided_slice %mul3A_35 {offsets = [0, 128], sizes = [5120, 128], strides = [1, 1]} : vector<5120x256xf32> to vector<5120x128xf32>
    %swap3A_42 = arith.constant 1 : index
    %swap3A_43 = arith.constant 0 : index
    %swap3A_44 = arith.constant 0 : index
    %swap3A_45 = vector.load %arg5[%swap3A_42, %swap3A_43, %swap3A_44] : memref<2x5120x128xf32, #tpu.memory_space<vmem>>, vector<1x5120x128xf32>
    %swap3A_46 = vector.shape_cast %swap3A_45 : vector<1x5120x128xf32> to vector<5120x128xf32>
    %swap3A_47 = vector.shape_cast %slice3A_41 : vector<5120x128xf32> to vector<1x5120x128xf32>
    tpu.vector_store %arg5[%swap3A_42, %swap3A_43, %swap3A_44], %swap3A_47 {strides = array<i32>} : memref<2x5120x128xf32, #tpu.memory_space<vmem>>, vector<1x5120x128xf32>,
    return
  }
  func.func @transform_0(%arg0: i32) -> (i32, i32) {
    %c0_i32 = arith.constant 0 : i32
    %c0_i32_0 = arith.constant 0 : i32
    return %arg0, %c0_i32 : i32, i32
  }
  func.func @transform_1(%arg0: i32) -> (i32, i32, i32) {
    %c0_i32 = arith.constant 0 : i32
    %c0_i32_0 = arith.constant 0 : i32
    %c0_i32_1 = arith.constant 0 : i32
    return %c0_i32, %arg0, %c0_i32_0 : i32, i32, i32
  }
  func.func @transform_2(%arg0: i32) -> (i32, i32) {
    %c0_i32 = arith.constant 0 : i32
    %c0_i32_0 = arith.constant 0 : i32
    %c0_i32_1 = arith.constant 0 : i32
    return %c0_i32, %c0_i32_0 : i32, i32
  }
  func.func @transform_3(%arg0: i32) -> (i32, i32) {
    %c0_i32 = arith.constant 0 : i32
    %c0_i32_0 = arith.constant 0 : i32
    %c0_i32_1 = arith.constant 0 : i32
    return %c0_i32, %c0_i32_0 : i32, i32
  }
  func.func @transform_4(%arg0: i32) -> (i32, i32, i32) {
    %c0_i32 = arith.constant 0 : i32
    %c0_i32_0 = arith.constant 0 : i32
    %c0_i32_1 = arith.constant 0 : i32
    return %c0_i32, %arg0, %c0_i32_0 : i32, i32, i32
  }
}

module attributes {stable_mosaic.version = 14 : i64} {
  func.func @_fin_body(%arg0: i32, %arg1: memref<5120x128xf32, #tpu.memory_space<vmem>>, %arg2: memref<2x5120x128xf32, #tpu.memory_space<vmem>>, %arg3: memref<1x256xf32, #tpu.memory_space<vmem>>, %arg4: memref<5120x256xf32, #tpu.memory_space<vmem>>) attributes {dimension_semantics = [#tpu.dimension_semantics<arbitrary>], iteration_bounds = array<i64: 2>, scalar_prefetch = 0 : i64, scratch_operands = 0 : i64, tpu.core_type = #tpu.core_type<tc>, window_params = [{transform_indices = @transform_0, window_bounds = array<i64: 5120, 128>}, {transform_indices = @transform_1, window_bounds = array<i64: 2, 5120, 128>}, {pipeline_mode = #tpu.pipeline_mode<synchronous>, transform_indices = @transform_2, window_bounds = array<i64: 1, 256>}, {transform_indices = @transform_3, window_bounds = array<i64: 5120, 256>}]} {
    %get3A = arith.constant 0 : index
    %get3A_0 = arith.constant 0 : index
    %get3A_1 = vector.load %arg1[%get3A, %get3A_0] : memref<5120x128xf32, #tpu.memory_space<vmem>>, vector<5120x1xf32>
    %get3A_2 = arith.constant 0 : index
    %get3A_3 = arith.constant 0 : index
    %get3A_4 = arith.constant 0 : index
    %get3A_5 = vector.load %arg2[%get3A_2, %get3A_3, %get3A_4] : memref<2x5120x128xf32, #tpu.memory_space<vmem>>, vector<1x5120x128xf32>
    %get3A_6 = vector.shape_cast %get3A_5 : vector<1x5120x128xf32> to vector<5120x128xf32>
    %get3A_7 = arith.constant 1 : index
    %get3A_8 = arith.constant 0 : index
    %get3A_9 = arith.constant 0 : index
    %get3A_10 = vector.load %arg2[%get3A_7, %get3A_8, %get3A_9] : memref<2x5120x128xf32, #tpu.memory_space<vmem>>, vector<1x5120x128xf32>
    %get3A_11 = vector.shape_cast %get3A_10 : vector<1x5120x128xf32> to vector<5120x128xf32>
    %concatenate3A = tpu.concatenate %get3A_6, %get3A_11 in 1 : vector<5120x128xf32>, vector<5120x128xf32> -> vector<5120x256xf32>
    %mul3A = vector.broadcast %get3A_1 : vector<5120x1xf32> to vector<5120x256xf32>
    %mul3A_12 = arith.mulf %mul3A, %concatenate3A : vector<5120x256xf32>
    %get3A_13 = arith.constant 0 : index
    %get3A_14 = arith.constant 0 : index
    %get3A_15 = vector.load %arg3[%get3A_13, %get3A_14] : memref<1x256xf32, #tpu.memory_space<vmem>>, vector<1x256xf32>
    %get3A_16 = vector.shape_cast %get3A_15 : vector<1x256xf32> to vector<256xf32>
    %broadcast_in_dim3A = vector.shape_cast %get3A_16 : vector<256xf32> to vector<1x256xf32>
    %add3A = vector.broadcast %broadcast_in_dim3A : vector<1x256xf32> to vector<5120x256xf32>
    %add3A_17 = arith.addf %mul3A_12, %add3A : vector<5120x256xf32>
    %swap3A = arith.constant 0 : index
    %swap3A_18 = arith.constant 0 : index
    %swap3A_19 = vector.load %arg4[%swap3A, %swap3A_18] : memref<5120x256xf32, #tpu.memory_space<vmem>>, vector<5120x256xf32>
    tpu.vector_store %arg4[%swap3A, %swap3A_18], %add3A_17 {strides = array<i32>} : memref<5120x256xf32, #tpu.memory_space<vmem>>, vector<5120x256xf32>,
    return
  }
  func.func @transform_0(%arg0: i32) -> (i32, i32) {
    %c0_i32 = arith.constant 0 : i32
    %c0_i32_0 = arith.constant 0 : i32
    return %arg0, %c0_i32 : i32, i32
  }
  func.func @transform_1(%arg0: i32) -> (i32, i32, i32) {
    %c0_i32 = arith.constant 0 : i32
    %c0_i32_0 = arith.constant 0 : i32
    %c0_i32_1 = arith.constant 0 : i32
    return %c0_i32, %arg0, %c0_i32_0 : i32, i32, i32
  }
  func.func @transform_2(%arg0: i32) -> (i32, i32) {
    %c0_i32 = arith.constant 0 : i32
    %c0_i32_0 = arith.constant 0 : i32
    %c0_i32_1 = arith.constant 0 : i32
    return %c0_i32, %c0_i32_0 : i32, i32
  }
  func.func @transform_3(%arg0: i32) -> (i32, i32) {
    %c0_i32 = arith.constant 0 : i32
    %c0_i32_0 = arith.constant 0 : i32
    return %arg0, %c0_i32 : i32, i32
  }
}

</mosaic_0001>

<sc_bundles>
// kernel: kernel.12.cloned.1.call-start
scs
__scs_entry_jumppad:
0x0: {  	(pc) =	sbr.rel $0x88, $3  }
0x1: {  	(tag) =	ssettag $0x0;
	lr =	simm.s32 $0x1  }
0x2: {  	[smem:$0x3F9B] =	sst lr;
	_ =	strace $0xD0000000  }
0x3: {  	_ = 	snop  }
0x4: {  	_ = 	snop  }
0x5: {  	_ = 	snop  }
0x6: {  	_ = 	snop  }
0x7: {  	_ = 	snop  }
__scs_overlays_trampoline_lowered:
0x8: {  	[smem:$0x3FAA] =	sst s0  }
0x9: {  	[smem:$0x3FAB] =	sst s1  }
0xa: {  	[smem:$0x3FAC] =	sst s2  }
0xb: {  	[smem:$0x3FAD] =	sst s3  }
0xc: {  	[smem:$0x3FAE] =	sst s4  }
0xd: {  	[smem:$0x3FAF] =	sst s5  }
0xe: {  	[smem:$0x3FB0] =	sst s6  }
0xf: {  	[smem:$0x3FB1] =	sst s7  }
0x10: {  	[smem:$0x3FB2] =	sst s8  }
0x11: {  	[smem:$0x3FB3] =	sst s9;
	s0 =	simm.s32 @!p0 $0x0  }
0x12: {  	s1 =	sld [smem:$0x3F99];
	s0 =	simm.s32 @p0 $0x1  }
0x13: {  	[smem:$0x3FB4] =	sst s0;
	s0 =	simm.s32 @!p1 $0x0  }
0x14: {  	s2 =	sld [smem:$0x3F98];
	s0 =	simm.s32 @p1 $0x1  }
0x15: {  	[smem:$0x3FB5] =	sst s0;
	s0 =	simm.s32 @!p2 $0x0  }
0x16: {  	s3 =	sld [smem:$0x3FDB];
	s0 =	simm.s32 @p2 $0x1  }
0x17: {  	s4 =	simm.s32 $0x1BF5;
	[smem:$0x3FB7] =	sst s0  }
0x18: {  	s0 =	sld [smem:$0x3F9A];
	_ =	swait.ge [sflag:s4], $0x0  }
0x19: {  	s7 =	sld [smem:$0x3F9B]  }
0x1a: {  	s8 =	sadd.s32 $0xFFFFE003, lr  }
0x1b: {  	s9 =	sadd.s32 $0xFFFFFEF7, lr;
	s5 =	simm.s32 $0xFFFFFFFF;
	p2 =	slt.u32 s8, $0xFFFFF086  }
0x1c: {  	p1 =	slt.u32 s9, $0xF7A;
	s5 =	simm.s32 @!p2 $0x0  }
0x1d: {  	s5 =	simm.s32 @p1 $0x1;
	p0 =	seq.s32 s7, s2  }
0x1e: {  	s7 =	smul.u32 @!p0 $0xF7A, s2;
	p2 =	seq.s32 @!p0 s5, $0x0  }
0x1f: {  	s9 =	smul.u32 $0xF7A, s1;
	s8 =	simm.s32 @!p0 $0x1BF5;
	p2 =	por !p2, p0  }
0x20: {  	[sflag:s8] =	ssyncset.s32 @!p0 $0xFFFFF086;
	s6 =	sadd.s32 @!p0 s3, s7;
	s7 =	simm.s32 @!p0 $0x108  }
0x21: {  	s3 =	sadd.s32 s3, s9;
	s6 =	sadd.s32 @!p0 $0x88, s6;
	s7 =	simm.s32 @p2 $0x1082  }
0x22: {  	[simem:s7], [sflag:s8] =	dma.local @!p0 [hbm:s6], $0xF7A  }
0x23: {  	s9 =	sor.u32 $0xD0000000, s2;
	s6 =	simm.s32 $0x108;
	_ =	swait.ge @!p0 [sflag:s8], $0x0  }
0x24: {  	s3 =	sadd.s32 $0x88, s3;
	s6 =	simm.s32 @!p1 $0x1082;
	[sflag:s4] =	ssyncset.s32 $0xFFFFF086  }
0x25: {  	[simem:s6], [sflag:s4] =	dma.local [hbm:s3], $0xF7A  }
0x26: {  	[smem:$0x3F9B] =	sst s1;
	(tag) =	ssettag s2;
	_ =	strace s9  }
0x27: {  	s1 =	sld [smem:$0x3FAB]  }
0x28: {  	s2 =	sld [smem:$0x3FAC]  }
0x29: {  	s4 =	sld [smem:$0x3FAE]  }
0x2a: {  	p0 =	seq.s32 s5, $0x0;
	s5 =	sld [smem:$0x3FAF]  }
0x2b: {  	s6 =	sld [smem:$0x3FB0]  }
0x2c: {  	s7 =	sld [smem:$0x3FB1]  }
0x2d: {  	s3 =	simm.s32 $0x108;
	s8 =	sld [smem:$0x3FB2]  }
0x2e: {  	s3 =	simm.s32 @!p0 $0x1082;
	s9 =	sld [smem:$0x3FB3]  }
0x2f: {  	lr =	sadd.s32 s0, s3;
	s0 =	sld [smem:$0x3FAA]  }
0x30: {  	s3 =	sld [smem:$0x3FAD]  }
0x31: {  	[smem:$0x3FB6] =	sst s10  }
0x32: {  	s10 =	sld [smem:$0x3FB4];
	_ =	sdelay $0x3  }
0x33: {  	p0 =	seq.s32 s10, $0x1;
	s10 =	sld [smem:$0x3FB6];
	_ =	sdelay $0x3  }
0x34: {  	[smem:$0x3FB6] =	sst s10  }
0x35: {  	s10 =	sld [smem:$0x3FB5];
	_ =	sdelay $0x3  }
0x36: {  	p1 =	seq.s32 s10, $0x1;
	s10 =	sld [smem:$0x3FB6];
	_ =	sdelay $0x3  }
0x37: {  	[smem:$0x3FB6] =	sst s10  }
0x38: {  	s10 =	sld [smem:$0x3FB7]  }
0x39: {  	_ = 	snop;
	(pc) =	sbr.ind lr, $3  }
0x3a: {  	_ = 	snop  }
0x3b: {  	_ = 	snop  }
0x3c: {  	p2 =	seq.s32 s10, $0x1;
	s10 =	sld [smem:$0x3FB6]  }
0x3d: {  	_ =	shalt  }
0x3e: {  	_ =	shalt  }
0x3f: {  	_ =	shalt  }
0x40: {  	_ =	shalt  }
0x41: {  	_ =	shalt  }
0x42: {  	_ =	shalt  }
0x43: {  	_ =	shalt  }
0x44: {  	_ =	shalt  }
0x45: {  	_ =	shalt  }
0x46: {  	_ =	shalt  }
0x47: {  	_ =	shalt  }
0x48: {  	_ =	shalt  }
0x49: {  	_ =	shalt  }
0x4a: {  	_ =	shalt  }
0x4b: {  	_ =	shalt  }
0x4c: {  	_ =	shalt  }
0x4d: {  	_ =	shalt  }
0x4e: {  	_ =	shalt  }
0x4f: {  	_ =	shalt  }
0x50: {  	_ =	shalt  }
0x51: {  	_ =	shalt  }
0x52: {  	_ =	shalt  }
0x53: {  	_ =	shalt  }
0x54: {  	_ =	shalt  }
0x55: {  	_ =	shalt  }
0x56: {  	_ =	shalt  }
0x57: {  	_ =	shalt  }
0x58: {  	_ =	shalt  }
0x59: {  	_ =	shalt  }
0x5a: {  	_ =	shalt  }
0x5b: {  	_ =	shalt  }
0x5c: {  	_ =	shalt  }
0x5d: {  	_ =	shalt  }
0x5e: {  	_ =	shalt  }
0x5f: {  	_ =	shalt  }
0x60: {  	_ =	shalt  }
0x61: {  	_ =	shalt  }
0x62: {  	_ =	shalt  }
0x63: {  	_ =	shalt  }
0x64: {  	_ =	shalt  }
0x65: {  	_ =	shalt  }
0x66: {  	_ =	shalt  }
0x67: {  	_ =	shalt  }
0x68: {  	_ =	shalt  }
0x69: {  	_ =	shalt  }
0x6a: {  	_ =	shalt  }
0x6b: {  	_ =	shalt  }
0x6c: {  	_ =	shalt  }
0x6d: {  	_ =	shalt  }
0x6e: {  	_ =	shalt  }
0x6f: {  	_ =	shalt  }
0x70: {  	_ =	shalt  }
0x71: {  	_ =	shalt  }
0x72: {  	_ =	shalt  }
0x73: {  	_ =	shalt  }
0x74: {  	_ =	shalt  }
0x75: {  	_ =	shalt  }
0x76: {  	_ =	shalt  }
0x77: {  	_ =	shalt  }
0x78: {  	_ =	shalt  }
0x79: {  	_ =	shalt  }
0x7a: {  	_ =	shalt  }
0x7b: {  	_ =	shalt  }
0x7c: {  	_ =	shalt  }
0x7d: {  	_ =	shalt  }
0x7e: {  	_ =	shalt  }
0x7f: {  	_ =	shalt  }
0x80: {  	_ =	shalt  }
0x81: {  	_ =	shalt  }
0x82: {  	_ =	shalt  }
0x83: {  	_ =	shalt  }
0x84: {  	_ =	shalt  }
0x85: {  	_ =	shalt  }
0x86: {  	_ =	shalt  }
0x87: {  	_ =	shalt  }
.Lfunc_end0:
.L_simem_size_0:
called_computation.1_lowered:
.L_overlay_start_0:
0x88: {  	s2 =	sld [smem:$0x3FD9]  }
0x89: {  	s3 =	sld [smem:$0x3FFE];
	_ =	sdelay $0x1  }
0x8a: {  	s1 =	srdreg.scid  }
0x8b: {  	s0 =	sand.u32 $0x1, s1  }
0x8c: {  	s17 =	sshll.u32 s0, $0xA;
	s2 =	sadd.s32 s3, s2  }
0x8d: {  	s2 =	sadd.s32 s2, s17  }
0x8e: {  	[smem:$0x3FC2] =	sst s2  }
0x8f: {  	_ = 	snop  }
0x90: {  	s2 =	sld [smem:$0x3FD0];
	(tm) =	ssettm $0x1  }
0x91: {  	s18 =	sld [smem:$0x3FFB];
	_ =	sdelay $0x3  }
0x92: {  	_ =	strace s18  }
0x93: {  	s3 =	sld [smem:$0x3FFC];
	_ =	sdelay $0x3  }
0x94: {  	_ =	strace s3  }
0x95: {  	s3 =	sld [smem:$0x3FFD];
	_ =	sdelay $0x3  }
0x96: {  	_ =	strace s3  }
0x97: {  	_ =	strace $0x8FFFFFFF  }
0x98: {  	s19 =	sld [smem:$0x3FDB];
	_ =	sdelay $0x1  }
0x99: {  	s4 =	simm.s32 $_scs_section_size  }
0x9a: {  	s5 =	simm.s32 $_size__tile_overlayer_lowered;
	s6 =	simm.s32 $_tile_overlayer_lowered  }
0x9b: {  	s22 =	simm.s32 $0x1BFF;
	s21 =	sshll.u32 s6, $0x1;
	s3 =	sadd.s32 s4, s19  }
0x9c: {  	s7 =	simm.s32 $0x0;
	s20 =	sshll.u32 s5, $0x1;
	s5 =	sadd.s32 s21, s3  }
0x9d: {  	[timem:s7], [sflag:s22] =	dma.local [hbm:s5], s20  }
0x9e: {  	_ =	swait.ge [sflag:s22], s20  }
0x9f: {  	s4 =	ssub.s32 $0x0, s20;
	[sflag:s22] =	ssyncset.done $0x0  }
0xa0: {  	[sflag:s22] =	ssyncadd.s32 s4;
	_ =	sdelay $0x1  }
0xa1: {  	s23 =	simm.s32 $0x1B8B  }
0xa2: {  	_ =	swait.ge [sflag:s23], $0x1  }
0xa3: {  	[sflag:s23] =	ssyncset.done $0x0  }
0xa4: {  	s25 =	simm.s32 $0x1B8E;
	s24 =	sld [smem:$0x3FFE];
	[sflag:s23] =	ssyncadd.s32 $0xFFFFFFFF  }
0xa5: {  	s26 =	simm.s32 $execute0_lowered;
	[smem:$0x3FD2] =	sst s25  }
0xa6: {  	s5 =	sshll.u32 s26, $0x1;
	_ =	strace $0x80000049;
	[dreg:$0x1] =	wrdreg $0xFFFFFFFF  }
0xa7: {  	s28 =	simm.s32 $_size_execute0_lowered;
	s3 =	sadd.s32 s3, s5;
	[dreg:$0x0] =	wrdreg $0x0  }
0xa8: {  	s5 =	sshll.u32 s28, $0x1;
	[dreg:$0x2] =	wrdreg s3  }
0xa9: {  	[dreg:$0x3] =	wrdreg s5  }
0xaa: {  	[dreg:$0x4] =	wrdreg $0xC0  }
0xab: {  	_ =	task [dreg:s7], $0x5FFFF  }
0xac: {  	[dreg:$0x1] =	wrdreg $0xFFFFFFFF  }
0xad: {  	[dreg:$0x0] =	wrdreg $0x60  }
0xae: {  	[dreg:$0x2] =	wrdreg s24  }
0xaf: {  	[dreg:$0x3] =	wrdreg s2  }
0xb0: {  	[dreg:$0x4] =	wrdreg $0xA8000  }
0xb1: {  	[dreg:$0x5] =	wrdreg $0x9  }
0xb2: {  	_ =	task.clear_ibuf [dreg:s7], $0x6FFFF;
	_ =	strace $0x90000049  }
0xb3: {  	s29 =	simm.s32 $0x9;
	_ =	strace $0x8000004B  }
0xb4: {  	_ =	swait.ge [sflag:s29], $0x1  }
0xb5: {  	[sflag:s29] =	ssyncadd.s32 $0xFFFFFFFF  }
0xb6: {  	_ =	strace $0x9000004B  }
0xb7: {  	_ =	sfence  }
0xb8: {  	s30 =	sld [smem:$0x0];
	_ =	sdelay $0x2  }
0xb9: {  	s31 =	sshll.u32 s1, $0xD;
	s1 =	sshrl.u32 s1, $0x2  }
0xba: {  	s3 =	sand.u32 $0x4000, s31;
	s1 =	sadd.s32 s1, s30  }
0xbb: {  	s0 =	sor.u32 s3, s0;
	s1 =	sshll.u32 s1, $0x11  }
0xbc: {  	s0 =	sor.u32 s1, s0  }
0xbd: {  	s0 =	sadd.s32 $0x8F2B, s0  }
0xbe: {  	[sflag:s0] =	ssyncadd.remote.s32 $0x1  }
0xbf: {  	_ =	sfence.sel $0xFFFF  }
0xc0: {  	[dreg:$0x0] =	wrdreg $0xFFFFFFFF;
	(pc) =	sbr.abs _section_cstart, $3  }
0xc1: {  	[dreg:$0x1] =	wrdreg $0xFFFFFFFF  }
0xc2: {  	_ =	task.clear_ibuf [dreg:s7], $0x2FFFF;
	_ =	strace $0x9FFFFFFF  }
0xc3: {  	(tm) =	ssettm $0x7FFFFFFF  }
tec
execute0_lowered:
.L_overlay_start_1:
0x0: {  	(tag) =	ssettag $0x1  }
0x1: {  	s4 =	rddreg [dreg:$0x0]  }
0x2: {  	s9 =	rddreg [dreg:$0x1]  }
0x3: {  	s2 =	rddreg [dreg:$0x2]  }
0x4: {  	s3 =	simm.s32 $0x0;
	s0 =	stileid.u32;
	s5 =	srdreg.scid  }
0x5: {  	s17 =	simm.s32 $0x6800;
	s18 =	simm.s32 $0x1;
	s19 =	simm.s32 $0x2  }
0x6: {  	s20 =	simm.s32 $0x1380;
	s21 =	simm.s32 $0x2700;
	s22 =	simm.s32 $0x2780  }
0x7: {  	s25 =	simm.s32 $0x0;
	[smem:$0x7FF] =	sst s3;
	s10 =	smul.u32 $0x500, s0  }
0x8: {  	s11 =	sadd.s32 $0x6E00, s4;
	s5 =	sand.u32 $0x1, s5;
	s6 =	smul.u32 $0x50000, s0  }
0x9: {  	s13 =	sadd.s32 $0xA6E00, s4;
	s31 =	sshll.u32 s0, $0x6;
	s12 =	smul.u32 $0x50000, s5  }
0xa: {  	_ =	strace $0x8000004A;
	s7 =	ssub.s32 $0x2, s5;
	s15 =	smul.u32 $0x280000, s5  }
0xb: {  	s8 =	sadd.s32 s10, s4;
	s14 =	sshrl.u32 s7, $0x1;
	s4 =	smul.u32 $0x2800, s0  }
0xc: {  	s6 =	sshrl.u32 s6, $0x2;
	s9 =	sadd.s32 s9, s10;
	s14 =	ssub.s32 s7, s14  }
0xd: {  	s16 =	sadd.s32 s6, s2;
	s5 =	sadd.s32 s11, s12;
	s7 =	sor.u32 $0x1C03, s31  }
0xe: {  	s15 =	sshrl.u32 s15, $0x3;
	s8 =	sadd.s32 $0x1E00, s8;
	s23 =	sadd.s32 s13, s12  }
0xf: {  	s6 =	sadd.s32 s4, s5;
	s15 =	sadd.s32 $0x28000, s15;
	s12 =	sshrl.u32 s16, $0x3  }
0x10: {  	s16 =	simm.s32 $0x2800;
	s23 =	sadd.s32 s4, s23;
	s10 =	sadd.s32 s11, s15  }
0x11: {  	s24 =	sadd.s32 s13, s15;
	s11 =	smax.u32 s14, $0x1;
	s13 =	simm.s32 $0x3  }
0x12: {  	s14 =	simm.s32 $0x1400;
	s15 =	simm.s32 $0x80;
	s24 =	sadd.s32 s4, s24  }
.LBB2_1:
0x13: {  	[spmem:s12], [sflag:s7] =	dma.local [hbm:s6], $0x2800  }
0x14: {  	_ =	swait.ge [sflag:s13], $0x2800  }
0x15: {  	[sflag:s13] =	ssyncset.done $0x0  }
0x16: {  	[sflag:s13] =	ssyncadd.s32 $0xFFFFD800  }
0x17: {  	[bflag:$0x0] =	sbarrier.arrive $0xFFFF  }
0x18: {  	[tilespmem:s3], [sflag:$0x3] =	stream.linear.gather [hbm4b:s8+s3], $0x1400, $0x38;
	[tilespmem:$0x1E800] =	vst v63  }
0x19: {  	_ =	swait.ge [sflag:s13], $0x1400  }
0x1a: {  	[sflag:s13] =	ssyncset.done $0x0  }
0x1b: {  	[sflag:s13] =	ssyncadd.s32 $0xFFFFEC00  }
0x1c: {  	[tilespmem:s14], [sflag:$0x3] =	stream.linear.gather [hbm4b:s9+s3], $0x1400, $0x38;
	[tilespmem:$0x1E800] =	vst v63  }
0x1d: {  	_ =	swait.ge [sflag:s13], $0x1400  }
0x1e: {  	[sflag:s13] =	ssyncset.done $0x0  }
0x1f: {  	[sflag:s13] =	ssyncadd.s32 $0xFFFFEC00  }
0x20: {  	[tilespmem:s16], [sflag:$0x1] =	stream.indirect.gather [hbm4b:s5+s15], $0x80, s3, s15, $0xb8;
	[tilespmem:$0x1E800] =	vst v63  }
0x21: {  	s26 =	simm.s32 $0x80  }
0x22: {  	[tilespmem:s17], [sflag:$0x2] =	stream.indirect.gather [hbm4b:s5+s15], $0x80, s26, s15, $0xb8;
	[tilespmem:$0x1E800] =	vst v63  }
0x23: {  	_ =	swait.ge [sflag:s18], $0x4000  }
0x24: {  	[sflag:s18] =	ssyncset.done $0x0  }
0x25: {  	s29 =	simm.s32 $0x1400;
	[sflag:s18] =	ssyncadd.s32 $0xFFFFC000  }
0x26: {  	[spmem:s2] =	stream.indirect.scatter.add.f32 [tilespmem:s16], [sflag:$0x3], $0x80, s29, s15, $0xb8;
	[tilespmem:$0x1E800] =	vst v63  }
0x27: {  	_ =	swait.ge [sflag:s13], $0x4000  }
0x28: {  	[sflag:s13] =	ssyncset.done $0x0  }
0x29: {  	s30 =	simm.s32 $0x100;
	[sflag:s13] =	ssyncadd.s32 $0xFFFFC000  }
0x2a: {  	[tilespmem:s16], [sflag:$0x1] =	stream.indirect.gather [hbm4b:s5+s15], $0x80, s30, s15, $0xb8;
	[tilespmem:$0x1E800] =	vst v63  }
0x2b: {  	_ =	swait.ge [sflag:s19], $0x4000  }
0x2c: {  	[sflag:s19] =	ssyncset.done $0x0  }
0x2d: {  	s31 =	simm.s32 $0x1480;
	[sflag:s19] =	ssyncadd.s32 $0xFFFFC000  }
0x2e: {  	[spmem:s2] =	stream.indirect.scatter.add.f32 [tilespmem:s17], [sflag:$0x3], $0x80, s31, s15, $0xb8;
	[tilespmem:$0x1E800] =	vst v63  }
0x2f: {  	_ =	swait.ge [sflag:s13], $0x4000  }
0x30: {  	s28 =	simm.s32 $0x800;
	s26 =	simm.s32 $0x100;
	[sflag:s13] =	ssyncset.done $0x0  }
.LBB2_2:
0x31: {  	s29 =	sadd.s32 $0x80, s26  }
0x32: {  	[sflag:s13] =	ssyncadd.s32 $0xFFFFC000;
	s30 =	smov.u32 s28;
	s31 =	sadd.s32 $0x400, s28  }
0x33: {  	[tilespmem:s17], [sflag:$0x2] =	stream.indirect.gather [hbm4b:s5+s15], $0x80, s29, s15, $0xb8;
	[tilespmem:$0x1E800] =	vst v63  }
0x34: {  	p0 =	sne.s32 s28, $0x4800;
	_ =	swait.ge [sflag:s18], $0x4000  }
0x35: {  	[sflag:s18] =	ssyncset.done $0x0  }
0x36: {  	s28 =	sadd.s32 $0x1400, s26;
	[sflag:s18] =	ssyncadd.s32 $0xFFFFC000  }
0x37: {  	[spmem:s2] =	stream.indirect.scatter.add.f32 [tilespmem:s16], [sflag:$0x3], $0x80, s28, s15, $0xb8;
	[tilespmem:$0x1E800] =	vst v63  }
0x38: {  	_ =	swait.ge [sflag:s13], $0x4000  }
0x39: {  	[sflag:s13] =	ssyncset.done $0x0  }
0x3a: {  	s28 =	sadd.s32 $0x100, s26;
	[sflag:s13] =	ssyncadd.s32 $0xFFFFC000  }
0x3b: {  	[tilespmem:s16], [sflag:$0x1] =	stream.indirect.gather [hbm4b:s5+s15], $0x80, s28, s15, $0xb8;
	[tilespmem:$0x1E800] =	vst v63  }
0x3c: {  	_ =	swait.ge [sflag:s19], $0x4000  }
.Ltmp0:
0x3d: {  	[sflag:s19] =	ssyncset.done $0x0;
	(pc) =	sbr.rel @p0 .LBB2_2-.Ltmp0, $4  }
0x3e: {  	s26 =	sadd.s32 $0x1480, s26;
	[sflag:s19] =	ssyncadd.s32 $0xFFFFC000  }
0x3f: {  	[spmem:s2] =	stream.indirect.scatter.add.f32 [tilespmem:s17], [sflag:$0x3], $0x80, s26, s15, $0xb8;
	[tilespmem:$0x1E800] =	vst v63  }
0x40: {  	_ =	swait.ge [sflag:s13], $0x4000  }
0x41: {  	s28 =	smov.u32 s31;
	s26 =	sshra.s32 s30, $0x2;
	[sflag:s13] =	ssyncset.done $0x0  }
0x42: {  	s28 =	sadd.s32 $0x80, s26;
	[sflag:s13] =	ssyncadd.s32 $0xFFFFC000  }
0x43: {  	[tilespmem:s17], [sflag:$0x2] =	stream.indirect.gather [hbm4b:s5+s15], $0x80, s28, s15, $0xb8;
	[tilespmem:$0x1E800] =	vst v63  }
0x44: {  	_ =	swait.ge [sflag:s18], $0x4000  }
0x45: {  	[sflag:s18] =	ssyncset.done $0x0  }
0x46: {  	s28 =	sadd.s32 $0x1400, s26;
	[sflag:s18] =	ssyncadd.s32 $0xFFFFC000  }
0x47: {  	[spmem:s2] =	stream.indirect.scatter.add.f32 [tilespmem:s16], [sflag:$0x3], $0x80, s28, s15, $0xb8;
	[tilespmem:$0x1E800] =	vst v63  }
0x48: {  	_ =	swait.ge [sflag:s13], $0x4000  }
0x49: {  	[sflag:s13] =	ssyncset.done $0x0  }
0x4a: {  	s28 =	sadd.s32 $0x100, s26;
	[sflag:s13] =	ssyncadd.s32 $0xFFFFC000  }
0x4b: {  	[tilespmem:s16], [sflag:$0x1] =	stream.indirect.gather [hbm4b:s5+s15], $0x80, s28, s15, $0xb8;
	[tilespmem:$0x1E800] =	vst v63  }
0x4c: {  	_ =	swait.ge [sflag:s19], $0x4000  }
0x4d: {  	[sflag:s19] =	ssyncset.done $0x0  }
0x4e: {  	s31 =	sadd.s32 $0x1480, s26;
	[sflag:s19] =	ssyncadd.s32 $0xFFFFC000  }
0x4f: {  	[spmem:s2] =	stream.indirect.scatter.add.f32 [tilespmem:s17], [sflag:$0x3], $0x80, s31, s15, $0xb8;
	[tilespmem:$0x1E800] =	vst v63  }
0x50: {  	_ =	swait.ge [sflag:s13], $0x4000  }
0x51: {  	[sflag:s13] =	ssyncset.done $0x0  }
0x52: {  	[sflag:s13] =	ssyncadd.s32 $0xFFFFC000  }
0x53: {  	[tilespmem:s17], [sflag:$0x2] =	stream.indirect.gather [hbm4b:s5+s15], $0x80, s20, s15, $0xb8;
	[tilespmem:$0x1E800] =	vst v63  }
0x54: {  	_ =	swait.ge [sflag:s18], $0x4000  }
0x55: {  	[sflag:s18] =	ssyncset.done $0x0  }
0x56: {  	[sflag:s18] =	ssyncadd.s32 $0xFFFFC000  }
0x57: {  	[spmem:s2] =	stream.indirect.scatter.add.f32 [tilespmem:s16], [sflag:$0x3], $0x80, s21, s15, $0xb8;
	[tilespmem:$0x1E800] =	vst v63  }
0x58: {  	_ =	swait.ge [sflag:s13], $0x4000  }
0x59: {  	[sflag:s13] =	ssyncset.done $0x0  }
0x5a: {  	[sflag:s13] =	ssyncadd.s32 $0xFFFFC000  }
0x5b: {  	_ =	swait.ge [sflag:s19], $0x4000  }
0x5c: {  	[sflag:s19] =	ssyncset.done $0x0  }
0x5d: {  	[sflag:s19] =	ssyncadd.s32 $0xFFFFC000  }
0x5e: {  	[spmem:s2] =	stream.indirect.scatter.add.f32 [tilespmem:s17], [sflag:$0x3], $0x80, s22, s15, $0xb8;
	[tilespmem:$0x1E800] =	vst v63  }
0x5f: {  	_ =	swait.ge [sflag:s13], $0x4000  }
0x60: {  	[sflag:s13] =	ssyncset.done $0x0  }
0x61: {  	s29 =	simm.s32 $0x0;
	s26 =	sadd.s32 $0x280, s8;
	[sflag:s13] =	ssyncadd.s32 $0xFFFFC000  }
0x62: {  	[tilespmem:s29], [sflag:$0x3] =	stream.linear.gather [hbm4b:s26+s29], $0x1400, $0x38;
	[tilespmem:$0x1E800] =	vst v63  }
0x63: {  	_ =	swait.ge [sflag:s13], $0x1400  }
0x64: {  	[sflag:s13] =	ssyncset.done $0x0  }
0x65: {  	s28 =	sadd.s32 $0x280, s9;
	[sflag:s13] =	ssyncadd.s32 $0xFFFFEC00  }
0x66: {  	[tilespmem:s14], [sflag:$0x3] =	stream.linear.gather [hbm4b:s28+s29], $0x1400, $0x38;
	[tilespmem:$0x1E800] =	vst v63  }
0x67: {  	_ =	swait.ge [sflag:s13], $0x1400  }
0x68: {  	[sflag:s13] =	ssyncset.done $0x0  }
0x69: {  	[sflag:s13] =	ssyncadd.s32 $0xFFFFEC00  }
0x6a: {  	[tilespmem:s16], [sflag:$0x1] =	stream.indirect.gather [hbm4b:s5+s15], $0x80, s29, s15, $0xb8;
	[tilespmem:$0x1E800] =	vst v63  }
0x6b: {  	s29 =	simm.s32 $0x80  }
0x6c: {  	[tilespmem:s17], [sflag:$0x2] =	stream.indirect.gather [hbm4b:s5+s15], $0x80, s29, s15, $0xb8;
	[tilespmem:$0x1E800] =	vst v63  }
0x6d: {  	_ =	swait.ge [sflag:s18], $0x4000  }
0x6e: {  	[sflag:s18] =	ssyncset.done $0x0  }
0x6f: {  	s29 =	simm.s32 $0x1400;
	[sflag:s18] =	ssyncadd.s32 $0xFFFFC000  }
0x70: {  	[spmem:s2] =	stream.indirect.scatter.add.f32 [tilespmem:s16], [sflag:$0x3], $0x80, s29, s15, $0xb8;
	[tilespmem:$0x1E800] =	vst v63  }
0x71: {  	_ =	swait.ge [sflag:s13], $0x4000  }
0x72: {  	[sflag:s13] =	ssyncset.done $0x0  }
0x73: {  	s29 =	simm.s32 $0x100;
	[sflag:s13] =	ssyncadd.s32 $0xFFFFC000  }
0x74: {  	[tilespmem:s16], [sflag:$0x1] =	stream.indirect.gather [hbm4b:s5+s15], $0x80, s29, s15, $0xb8;
	[tilespmem:$0x1E800] =	vst v63  }
0x75: {  	_ =	swait.ge [sflag:s19], $0x4000  }
0x76: {  	[sflag:s19] =	ssyncset.done $0x0  }
0x77: {  	s29 =	simm.s32 $0x1480;
	[sflag:s19] =	ssyncadd.s32 $0xFFFFC000  }
0x78: {  	[spmem:s2] =	stream.indirect.scatter.add.f32 [tilespmem:s17], [sflag:$0x3], $0x80, s29, s15, $0xb8;
	[tilespmem:$0x1E800] =	vst v63  }
0x79: {  	_ =	swait.ge [sflag:s13], $0x4000  }
0x7a: {  	s30 =	simm.s32 $0x800;
	s29 =	simm.s32 $0x100;
	[sflag:s13] =	ssyncset.done $0x0  }
.LBB2_4:
0x7b: {  	s31 =	sadd.s32 $0x80, s29  }
0x7c: {  	[sflag:s13] =	ssyncadd.s32 $0xFFFFC000;
	s0 =	smov.u32 s30;
	s1 =	sadd.s32 $0x400, s30  }
0x7d: {  	[tilespmem:s17], [sflag:$0x2] =	stream.indirect.gather [hbm4b:s5+s15], $0x80, s31, s15, $0xb8;
	[tilespmem:$0x1E800] =	vst v63  }
0x7e: {  	p0 =	sne.s32 s30, $0x4800;
	_ =	swait.ge [sflag:s18], $0x4000  }
0x7f: {  	[sflag:s18] =	ssyncset.done $0x0  }
0x80: {  	s30 =	sadd.s32 $0x1400, s29;
	[sflag:s18] =	ssyncadd.s32 $0xFFFFC000  }
0x81: {  	[spmem:s2] =	stream.indirect.scatter.add.f32 [tilespmem:s16], [sflag:$0x3], $0x80, s30, s15, $0xb8;
	[tilespmem:$0x1E800] =	vst v63  }
0x82: {  	_ =	swait.ge [sflag:s13], $0x4000  }
0x83: {  	[sflag:s13] =	ssyncset.done $0x0  }
0x84: {  	s30 =	sadd.s32 $0x100, s29;
	[sflag:s13] =	ssyncadd.s32 $0xFFFFC000  }
0x85: {  	[tilespmem:s16], [sflag:$0x1] =	stream.indirect.gather [hbm4b:s5+s15], $0x80, s30, s15, $0xb8;
	[tilespmem:$0x1E800] =	vst v63  }
0x86: {  	_ =	swait.ge [sflag:s19], $0x4000  }
.Ltmp1:
0x87: {  	[sflag:s19] =	ssyncset.done $0x0;
	(pc) =	sbr.rel @p0 .LBB2_4-.Ltmp1, $4  }
0x88: {  	s29 =	sadd.s32 $0x1480, s29;
	[sflag:s19] =	ssyncadd.s32 $0xFFFFC000  }
0x89: {  	[spmem:s2] =	stream.indirect.scatter.add.f32 [tilespmem:s17], [sflag:$0x3], $0x80, s29, s15, $0xb8;
	[tilespmem:$0x1E800] =	vst v63  }
0x8a: {  	_ =	swait.ge [sflag:s13], $0x4000  }
0x8b: {  	s30 =	smov.u32 s1;
	s29 =	sshra.s32 s0, $0x2;
	[sflag:s13] =	ssyncset.done $0x0  }
0x8c: {  	s0 =	sadd.s32 $0x80, s29;
	[sflag:s13] =	ssyncadd.s32 $0xFFFFC000  }
0x8d: {  	[tilespmem:s17], [sflag:$0x2] =	stream.indirect.gather [hbm4b:s5+s15], $0x80, s0, s15, $0xb8;
	[tilespmem:$0x1E800] =	vst v63  }
0x8e: {  	_ =	swait.ge [sflag:s18], $0x4000  }
0x8f: {  	[sflag:s18] =	ssyncset.done $0x0  }
0x90: {  	s31 =	sadd.s32 $0x1400, s29;
	[sflag:s18] =	ssyncadd.s32 $0xFFFFC000  }
0x91: {  	[spmem:s2] =	stream.indirect.scatter.add.f32 [tilespmem:s16], [sflag:$0x3], $0x80, s31, s15, $0xb8;
	[tilespmem:$0x1E800] =	vst v63  }
0x92: {  	_ =	swait.ge [sflag:s13], $0x4000  }
0x93: {  	[sflag:s13] =	ssyncset.done $0x0  }
0x94: {  	s1 =	sadd.s32 $0x100, s29;
	[sflag:s13] =	ssyncadd.s32 $0xFFFFC000  }
0x95: {  	[tilespmem:s16], [sflag:$0x1] =	stream.indirect.gather [hbm4b:s5+s15], $0x80, s1, s15, $0xb8;
	[tilespmem:$0x1E800] =	vst v63  }
0x96: {  	_ =	swait.ge [sflag:s19], $0x4000  }
0x97: {  	[sflag:s19] =	ssyncset.done $0x0  }
0x98: {  	s31 =	sadd.s32 $0x1480, s29;
	[sflag:s19] =	ssyncadd.s32 $0xFFFFC000  }
0x99: {  	[spmem:s2] =	stream.indirect.scatter.add.f32 [tilespmem:s17], [sflag:$0x3], $0x80, s31, s15, $0xb8;
	[tilespmem:$0x1E800] =	vst v63  }
0x9a: {  	_ =	swait.ge [sflag:s13], $0x4000  }
0x9b: {  	[sflag:s13] =	ssyncset.done $0x0  }
0x9c: {  	[sflag:s13] =	ssyncadd.s32 $0xFFFFC000  }
0x9d: {  	[tilespmem:s17], [sflag:$0x2] =	stream.indirect.gather [hbm4b:s5+s15], $0x80, s20, s15, $0xb8;
	[tilespmem:$0x1E800] =	vst v63  }
0x9e: {  	_ =	swait.ge [sflag:s18], $0x4000  }
0x9f: {  	[sflag:s18] =	ssyncset.done $0x0  }
0xa0: {  	[sflag:s18] =	ssyncadd.s32 $0xFFFFC000  }
0xa1: {  	[spmem:s2] =	stream.indirect.scatter.add.f32 [tilespmem:s16], [sflag:$0x3], $0x80, s21, s15, $0xb8;
	[tilespmem:$0x1E800] =	vst v63  }
0xa2: {  	_ =	swait.ge [sflag:s13], $0x4000  }
0xa3: {  	[sflag:s13] =	ssyncset.done $0x0  }
0xa4: {  	[sflag:s13] =	ssyncadd.s32 $0xFFFFC000  }
0xa5: {  	_ =	swait.ge [sflag:s19], $0x4000  }
0xa6: {  	[sflag:s19] =	ssyncset.done $0x0  }
0xa7: {  	[sflag:s19] =	ssyncadd.s32 $0xFFFFC000  }
0xa8: {  	[spmem:s2] =	stream.indirect.scatter.add.f32 [tilespmem:s17], [sflag:$0x3], $0x80, s22, s15, $0xb8;
	[tilespmem:$0x1E800] =	vst v63  }
0xa9: {  	_ =	swait.ge [sflag:s13], $0x4000  }
0xaa: {  	[sflag:s13] =	ssyncset.done $0x0  }
0xab: {  	[sflag:s13] =	ssyncadd.s32 $0xFFFFC000  }
0xac: {  	[bflag:$0x0] =	sbarrier.arrive $0xFFFF  }
0xad: {  	[hbm:s23], [sflag:s7] =	dma.local [spmem:s12], $0x2800  }
0xae: {  	_ =	swait.ge [sflag:s13], $0x2800  }
0xaf: {  	[sflag:s13] =	ssyncset.done $0x0  }
0xb0: {  	[sflag:s13] =	ssyncadd.s32 $0xFFFFD800  }
0xb1: {  	s1 =	sadd.s32 s4, s10;
	[bflag:$0x0] =	sbarrier.arrive $0xFFFF  }
0xb2: {  	[spmem:s12], [sflag:s7] =	dma.local [hbm:s1], $0x2800  }
0xb3: {  	_ =	swait.ge [sflag:s13], $0x2800  }
0xb4: {  	[sflag:s13] =	ssyncset.done $0x0  }
0xb5: {  	[sflag:s13] =	ssyncadd.s32 $0xFFFFD800  }
0xb6: {  	s31 =	simm.s32 $0x0;
	[bflag:$0x0] =	sbarrier.arrive $0xFFFF  }
0xb7: {  	[tilespmem:s31], [sflag:$0x3] =	stream.linear.gather [hbm4b:s8+s31], $0x1400, $0x38;
	[tilespmem:$0x1E800] =	vst v63  }
0xb8: {  	_ =	swait.ge [sflag:s13], $0x1400  }
0xb9: {  	[sflag:s13] =	ssyncset.done $0x0  }
0xba: {  	[sflag:s13] =	ssyncadd.s32 $0xFFFFEC00  }
0xbb: {  	[tilespmem:s14], [sflag:$0x3] =	stream.linear.gather [hbm4b:s9+s31], $0x1400, $0x38;
	[tilespmem:$0x1E800] =	vst v63  }
0xbc: {  	_ =	swait.ge [sflag:s13], $0x1400  }
0xbd: {  	[sflag:s13] =	ssyncset.done $0x0  }
0xbe: {  	[sflag:s13] =	ssyncadd.s32 $0xFFFFEC00  }
0xbf: {  	[tilespmem:s16], [sflag:$0x1] =	stream.indirect.gather [hbm4b:s10+s15], $0x80, s31, s15, $0xb8;
	[tilespmem:$0x1E800] =	vst v63  }
0xc0: {  	s1 =	simm.s32 $0x80  }
0xc1: {  	[tilespmem:s17], [sflag:$0x2] =	stream.indirect.gather [hbm4b:s10+s15], $0x80, s1, s15, $0xb8;
	[tilespmem:$0x1E800] =	vst v63  }
0xc2: {  	_ =	swait.ge [sflag:s18], $0x4000  }
0xc3: {  	[sflag:s18] =	ssyncset.done $0x0  }
0xc4: {  	s31 =	simm.s32 $0x1400;
	[sflag:s18] =	ssyncadd.s32 $0xFFFFC000  }
0xc5: {  	[spmem:s2] =	stream.indirect.scatter.add.f32 [tilespmem:s16], [sflag:$0x3], $0x80, s31, s15, $0xb8;
	[tilespmem:$0x1E800] =	vst v63  }
0xc6: {  	_ =	swait.ge [sflag:s13], $0x4000  }
0xc7: {  	[sflag:s13] =	ssyncset.done $0x0  }
0xc8: {  	s1 =	simm.s32 $0x100;
	[sflag:s13] =	ssyncadd.s32 $0xFFFFC000  }
0xc9: {  	[tilespmem:s16], [sflag:$0x1] =	stream.indirect.gather [hbm4b:s10+s15], $0x80, s1, s15, $0xb8;
	[tilespmem:$0x1E800] =	vst v63  }
0xca: {  	_ =	swait.ge [sflag:s19], $0x4000  }
0xcb: {  	[sflag:s19] =	ssyncset.done $0x0  }
0xcc: {  	s31 =	simm.s32 $0x1480;
	[sflag:s19] =	ssyncadd.s32 $0xFFFFC000  }
0xcd: {  	[spmem:s2] =	stream.indirect.scatter.add.f32 [tilespmem:s17], [sflag:$0x3], $0x80, s31, s15, $0xb8;
	[tilespmem:$0x1E800] =	vst v63  }
0xce: {  	_ =	swait.ge [sflag:s13], $0x4000  }
0xcf: {  	s30 =	simm.s32 $0x800;
	s29 =	simm.s32 $0x100;
	[sflag:s13] =	ssyncset.done $0x0  }
.LBB2_6:
0xd0: {  	s0 =	sadd.s32 $0x80, s29  }
0xd1: {  	[sflag:s13] =	ssyncadd.s32 $0xFFFFC000;
	s1 =	smov.u32 s30;
	s31 =	sadd.s32 $0x400, s30  }
0xd2: {  	[tilespmem:s17], [sflag:$0x2] =	stream.indirect.gather [hbm4b:s10+s15], $0x80, s0, s15, $0xb8;
	[tilespmem:$0x1E800] =	vst v63  }
0xd3: {  	p0 =	sne.s32 s30, $0x4800;
	_ =	swait.ge [sflag:s18], $0x4000  }
0xd4: {  	[sflag:s18] =	ssyncset.done $0x0  }
0xd5: {  	s0 =	sadd.s32 $0x1400, s29;
	[sflag:s18] =	ssyncadd.s32 $0xFFFFC000  }
0xd6: {  	[spmem:s2] =	stream.indirect.scatter.add.f32 [tilespmem:s16], [sflag:$0x3], $0x80, s0, s15, $0xb8;
	[tilespmem:$0x1E800] =	vst v63  }
0xd7: {  	_ =	swait.ge [sflag:s13], $0x4000  }
0xd8: {  	[sflag:s13] =	ssyncset.done $0x0  }
0xd9: {  	s0 =	sadd.s32 $0x100, s29;
	[sflag:s13] =	ssyncadd.s32 $0xFFFFC000  }
0xda: {  	[tilespmem:s16], [sflag:$0x1] =	stream.indirect.gather [hbm4b:s10+s15], $0x80, s0, s15, $0xb8;
	[tilespmem:$0x1E800] =	vst v63  }
0xdb: {  	_ =	swait.ge [sflag:s19], $0x4000  }
.Ltmp2:
0xdc: {  	[sflag:s19] =	ssyncset.done $0x0;
	(pc) =	sbr.rel @p0 .LBB2_6-.Ltmp2, $4  }
0xdd: {  	s0 =	sadd.s32 $0x1480, s29;
	[sflag:s19] =	ssyncadd.s32 $0xFFFFC000  }
0xde: {  	[spmem:s2] =	stream.indirect.scatter.add.f32 [tilespmem:s17], [sflag:$0x3], $0x80, s0, s15, $0xb8;
	[tilespmem:$0x1E800] =	vst v63  }
0xdf: {  	_ =	swait.ge [sflag:s13], $0x4000  }
0xe0: {  	s30 =	smov.u32 s31;
	s29 =	sshra.s32 s1, $0x2;
	[sflag:s13] =	ssyncset.done $0x0  }
0xe1: {  	s0 =	sadd.s32 $0x80, s29;
	[sflag:s13] =	ssyncadd.s32 $0xFFFFC000  }
0xe2: {  	[tilespmem:s17], [sflag:$0x2] =	stream.indirect.gather [hbm4b:s10+s15], $0x80, s0, s15, $0xb8;
	[tilespmem:$0x1E800] =	vst v63  }
0xe3: {  	_ =	swait.ge [sflag:s18], $0x4000  }
0xe4: {  	[sflag:s18] =	ssyncset.done $0x0  }
0xe5: {  	s1 =	sadd.s32 $0x1400, s29;
	[sflag:s18] =	ssyncadd.s32 $0xFFFFC000  }
0xe6: {  	[spmem:s2] =	stream.indirect.scatter.add.f32 [tilespmem:s16], [sflag:$0x3], $0x80, s1, s15, $0xb8;
	[tilespmem:$0x1E800] =	vst v63  }
0xe7: {  	_ =	swait.ge [sflag:s13], $0x4000  }
0xe8: {  	[sflag:s13] =	ssyncset.done $0x0  }
0xe9: {  	s30 =	sadd.s32 $0x100, s29;
	[sflag:s13] =	ssyncadd.s32 $0xFFFFC000  }
0xea: {  	[tilespmem:s16], [sflag:$0x1] =	stream.indirect.gather [hbm4b:s10+s15], $0x80, s30, s15, $0xb8;
	[tilespmem:$0x1E800] =	vst v63  }
0xeb: {  	_ =	swait.ge [sflag:s19], $0x4000  }
0xec: {  	[sflag:s19] =	ssyncset.done $0x0  }
0xed: {  	s31 =	sadd.s32 $0x1480, s29;
	[sflag:s19] =	ssyncadd.s32 $0xFFFFC000  }
0xee: {  	[spmem:s2] =	stream.indirect.scatter.add.f32 [tilespmem:s17], [sflag:$0x3], $0x80, s31, s15, $0xb8;
	[tilespmem:$0x1E800] =	vst v63  }
0xef: {  	_ =	swait.ge [sflag:s13], $0x4000  }
0xf0: {  	[sflag:s13] =	ssyncset.done $0x0  }
0xf1: {  	[sflag:s13] =	ssyncadd.s32 $0xFFFFC000  }
0xf2: {  	[tilespmem:s17], [sflag:$0x2] =	stream.indirect.gather [hbm4b:s10+s15], $0x80, s20, s15, $0xb8;
	[tilespmem:$0x1E800] =	vst v63  }
0xf3: {  	_ =	swait.ge [sflag:s18], $0x4000  }
0xf4: {  	[sflag:s18] =	ssyncset.done $0x0  }
0xf5: {  	[sflag:s18] =	ssyncadd.s32 $0xFFFFC000  }
0xf6: {  	[spmem:s2] =	stream.indirect.scatter.add.f32 [tilespmem:s16], [sflag:$0x3], $0x80, s21, s15, $0xb8;
	[tilespmem:$0x1E800] =	vst v63  }
0xf7: {  	_ =	swait.ge [sflag:s13], $0x4000  }
0xf8: {  	[sflag:s13] =	ssyncset.done $0x0  }
0xf9: {  	[sflag:s13] =	ssyncadd.s32 $0xFFFFC000  }
0xfa: {  	_ =	swait.ge [sflag:s19], $0x4000  }
0xfb: {  	[sflag:s19] =	ssyncset.done $0x0  }
0xfc: {  	[sflag:s19] =	ssyncadd.s32 $0xFFFFC000  }
0xfd: {  	[spmem:s2] =	stream.indirect.scatter.add.f32 [tilespmem:s17], [sflag:$0x3], $0x80, s22, s15, $0xb8;
	[tilespmem:$0x1E800] =	vst v63  }
0xfe: {  	_ =	swait.ge [sflag:s13], $0x4000  }
0xff: {  	[sflag:s13] =	ssyncset.done $0x0  }
0x100: {  	s1 =	simm.s32 $0x0;
	[sflag:s13] =	ssyncadd.s32 $0xFFFFC000  }
0x101: {  	[tilespmem:s1], [sflag:$0x3] =	stream.linear.gather [hbm4b:s26+s1], $0x1400, $0x38;
	[tilespmem:$0x1E800] =	vst v63  }
0x102: {  	_ =	swait.ge [sflag:s13], $0x1400  }
0x103: {  	[sflag:s13] =	ssyncset.done $0x0  }
0x104: {  	[sflag:s13] =	ssyncadd.s32 $0xFFFFEC00  }
0x105: {  	[tilespmem:s14], [sflag:$0x3] =	stream.linear.gather [hbm4b:s28+s1], $0x1400, $0x38;
	[tilespmem:$0x1E800] =	vst v63  }
0x106: {  	_ =	swait.ge [sflag:s13], $0x1400  }
0x107: {  	[sflag:s13] =	ssyncset.done $0x0  }
0x108: {  	[sflag:s13] =	ssyncadd.s32 $0xFFFFEC00  }
0x109: {  	[tilespmem:s16], [sflag:$0x1] =	stream.indirect.gather [hbm4b:s10+s15], $0x80, s1, s15, $0xb8;
	[tilespmem:$0x1E800] =	vst v63  }
0x10a: {  	s26 =	simm.s32 $0x80  }
0x10b: {  	[tilespmem:s17], [sflag:$0x2] =	stream.indirect.gather [hbm4b:s10+s15], $0x80, s26, s15, $0xb8;
	[tilespmem:$0x1E800] =	vst v63  }
0x10c: {  	_ =	swait.ge [sflag:s18], $0x4000  }
0x10d: {  	[sflag:s18] =	ssyncset.done $0x0  }
0x10e: {  	s29 =	simm.s32 $0x1400;
	[sflag:s18] =	ssyncadd.s32 $0xFFFFC000  }
0x10f: {  	[spmem:s2] =	stream.indirect.scatter.add.f32 [tilespmem:s16], [sflag:$0x3], $0x80, s29, s15, $0xb8;
	[tilespmem:$0x1E800] =	vst v63  }
0x110: {  	_ =	swait.ge [sflag:s13], $0x4000  }
0x111: {  	[sflag:s13] =	ssyncset.done $0x0  }
0x112: {  	s30 =	simm.s32 $0x100;
	[sflag:s13] =	ssyncadd.s32 $0xFFFFC000  }
0x113: {  	[tilespmem:s16], [sflag:$0x1] =	stream.indirect.gather [hbm4b:s10+s15], $0x80, s30, s15, $0xb8;
	[tilespmem:$0x1E800] =	vst v63  }
0x114: {  	_ =	swait.ge [sflag:s19], $0x4000  }
0x115: {  	[sflag:s19] =	ssyncset.done $0x0  }
0x116: {  	s31 =	simm.s32 $0x1480;
	[sflag:s19] =	ssyncadd.s32 $0xFFFFC000  }
0x117: {  	[spmem:s2] =	stream.indirect.scatter.add.f32 [tilespmem:s17], [sflag:$0x3], $0x80, s31, s15, $0xb8;
	[tilespmem:$0x1E800] =	vst v63  }
0x118: {  	_ =	swait.ge [sflag:s13], $0x4000  }
0x119: {  	s28 =	simm.s32 $0x800;
	s26 =	simm.s32 $0x100;
	[sflag:s13] =	ssyncset.done $0x0  }
.LBB2_8:
0x11a: {  	s0 =	sadd.s32 $0x80, s26  }
0x11b: {  	[sflag:s13] =	ssyncadd.s32 $0xFFFFC000;
	s1 =	smov.u32 s28;
	s29 =	sadd.s32 $0x400, s28  }
0x11c: {  	[tilespmem:s17], [sflag:$0x2] =	stream.indirect.gather [hbm4b:s10+s15], $0x80, s0, s15, $0xb8;
	[tilespmem:$0x1E800] =	vst v63  }
0x11d: {  	p0 =	sne.s32 s28, $0x4800;
	_ =	swait.ge [sflag:s18], $0x4000  }
0x11e: {  	[sflag:s18] =	ssyncset.done $0x0  }
0x11f: {  	s0 =	sadd.s32 $0x1400, s26;
	[sflag:s18] =	ssyncadd.s32 $0xFFFFC000  }
0x120: {  	[spmem:s2] =	stream.indirect.scatter.add.f32 [tilespmem:s16], [sflag:$0x3], $0x80, s0, s15, $0xb8;
	[tilespmem:$0x1E800] =	vst v63  }
0x121: {  	_ =	swait.ge [sflag:s13], $0x4000  }
0x122: {  	[sflag:s13] =	ssyncset.done $0x0  }
0x123: {  	s0 =	sadd.s32 $0x100, s26;
	[sflag:s13] =	ssyncadd.s32 $0xFFFFC000  }
0x124: {  	[tilespmem:s16], [sflag:$0x1] =	stream.indirect.gather [hbm4b:s10+s15], $0x80, s0, s15, $0xb8;
	[tilespmem:$0x1E800] =	vst v63  }
0x125: {  	_ =	swait.ge [sflag:s19], $0x4000  }
.Ltmp3:
0x126: {  	[sflag:s19] =	ssyncset.done $0x0;
	(pc) =	sbr.rel @p0 .LBB2_8-.Ltmp3, $4  }
0x127: {  	s0 =	sadd.s32 $0x1480, s26;
	[sflag:s19] =	ssyncadd.s32 $0xFFFFC000  }
0x128: {  	[spmem:s2] =	stream.indirect.scatter.add.f32 [tilespmem:s17], [sflag:$0x3], $0x80, s0, s15, $0xb8;
	[tilespmem:$0x1E800] =	vst v63  }
0x129: {  	_ =	swait.ge [sflag:s13], $0x4000  }
0x12a: {  	s28 =	smov.u32 s29;
	s26 =	sshra.s32 s1, $0x2;
	[sflag:s13] =	ssyncset.done $0x0  }
0x12b: {  	s0 =	sadd.s32 $0x80, s26;
	[sflag:s13] =	ssyncadd.s32 $0xFFFFC000  }
0x12c: {  	[tilespmem:s17], [sflag:$0x2] =	stream.indirect.gather [hbm4b:s10+s15], $0x80, s0, s15, $0xb8;
	[tilespmem:$0x1E800] =	vst v63  }
0x12d: {  	_ =	swait.ge [sflag:s18], $0x4000  }
0x12e: {  	[sflag:s18] =	ssyncset.done $0x0  }
0x12f: {  	s29 =	sadd.s32 $0x1400, s26;
	[sflag:s18] =	ssyncadd.s32 $0xFFFFC000  }
0x130: {  	[spmem:s2] =	stream.indirect.scatter.add.f32 [tilespmem:s16], [sflag:$0x3], $0x80, s29, s15, $0xb8;
	[tilespmem:$0x1E800] =	vst v63  }
0x131: {  	_ =	swait.ge [sflag:s13], $0x4000  }
0x132: {  	[sflag:s13] =	ssyncset.done $0x0  }
0x133: {  	s30 =	sadd.s32 $0x100, s26;
	[sflag:s13] =	ssyncadd.s32 $0xFFFFC000  }
0x134: {  	[tilespmem:s16], [sflag:$0x1] =	stream.indirect.gather [hbm4b:s10+s15], $0x80, s30, s15, $0xb8;
	[tilespmem:$0x1E800] =	vst v63  }
0x135: {  	_ =	swait.ge [sflag:s19], $0x4000  }
0x136: {  	[sflag:s19] =	ssyncset.done $0x0  }
0x137: {  	s31 =	sadd.s32 $0x1480, s26;
	[sflag:s19] =	ssyncadd.s32 $0xFFFFC000  }
0x138: {  	[spmem:s2] =	stream.indirect.scatter.add.f32 [tilespmem:s17], [sflag:$0x3], $0x80, s31, s15, $0xb8;
	[tilespmem:$0x1E800] =	vst v63  }
0x139: {  	_ =	swait.ge [sflag:s13], $0x4000  }
0x13a: {  	[sflag:s13] =	ssyncset.done $0x0  }
0x13b: {  	[sflag:s13] =	ssyncadd.s32 $0xFFFFC000  }
0x13c: {  	[tilespmem:s17], [sflag:$0x2] =	stream.indirect.gather [hbm4b:s10+s15], $0x80, s20, s15, $0xb8;
	[tilespmem:$0x1E800] =	vst v63  }
0x13d: {  	_ =	swait.ge [sflag:s18], $0x4000  }
0x13e: {  	[sflag:s18] =	ssyncset.done $0x0  }
0x13f: {  	[sflag:s18] =	ssyncadd.s32 $0xFFFFC000  }
0x140: {  	[spmem:s2] =	stream.indirect.scatter.add.f32 [tilespmem:s16], [sflag:$0x3], $0x80, s21, s15, $0xb8;
	[tilespmem:$0x1E800] =	vst v63  }
0x141: {  	_ =	swait.ge [sflag:s13], $0x4000  }
0x142: {  	[sflag:s13] =	ssyncset.done $0x0  }
0x143: {  	[sflag:s13] =	ssyncadd.s32 $0xFFFFC000  }
0x144: {  	_ =	swait.ge [sflag:s19], $0x4000  }
0x145: {  	[sflag:s19] =	ssyncset.done $0x0  }
0x146: {  	[sflag:s19] =	ssyncadd.s32 $0xFFFFC000  }
0x147: {  	[spmem:s2] =	stream.indirect.scatter.add.f32 [tilespmem:s17], [sflag:$0x3], $0x80, s22, s15, $0xb8;
	[tilespmem:$0x1E800] =	vst v63  }
0x148: {  	_ =	swait.ge [sflag:s13], $0x4000  }
0x149: {  	[sflag:s13] =	ssyncset.done $0x0  }
0x14a: {  	s25 =	sadd.s32 $0x1, s25;
	[sflag:s13] =	ssyncadd.s32 $0xFFFFC000  }
0x14b: {  	p0 =	sne.s32 s25, s11;
	[bflag:$0x0] =	sbarrier.arrive $0xFFFF  }
0x14c: {  	[hbm:s24], [sflag:s7] =	dma.local [spmem:s12], $0x2800  }
.Ltmp4:
0x14d: {  	_ =	swait.ge [sflag:s13], $0x2800;
	(pc) =	sbr.rel @p0 .LBB2_1-.Ltmp4, $3  }
0x14e: {  	[sflag:s13] =	ssyncset.done $0x0  }
0x14f: {  	[sflag:s13] =	ssyncadd.s32 $0xFFFFD800  }
0x150: {  	[bflag:$0x0] =	sbarrier.arrive $0xFFFF;
	_ =	sdelay $0x1  }
0x151: {  	_ =	sfence.sel $0x180000  }
0x152: {  	[bflag:$0x0] =	sbarrier.arrive $0xFFFF  }
0x153: {  	_ =	strace $0x9000004A  }
0x154: {  	s0 =	stileid.u32;
	[bflag:$0x2] =	sbarrier.arrive $0xFFFF  }
0x155: {  	p0 =	sne.s32 s0, $0x0;
	s0 =	rddreg [dreg:$0x3]  }
0x156: {  	s0 =	sadd.s32 @!p0 $0x100000, s0  }
0x157: {  	[sflag:s0] =	ssyncadd.tile.s32 @!p0 $0x1;
	_ =	shalt  }
.Lfunc_end2:
_tile_overlayer_lowered:
.L_overlay_start_2:
0x158: {  	(tag) =	ssettag $0x2  }
0x159: {  	s0 =	rddreg [dreg:$0x0];
	s2 =	stileid.u32  }
0x15a: {  	s1 =	rddreg [dreg:$0x1];
	p0 =	sne.s32 s2, $0x0  }
0x15b: {  	s3 =	rddreg [dreg:$0x2];
	[bflag:$0x3] =	sbarrier.arrive $0xFFFF;
	s2 =	simm.s32 @!p0 $0x1C03  }
0x15c: {  	[timem:s3], [sflag:s2] =	dma.local @!p0 [hbm:s0], s1  }
0x15d: {  	s0 =	simm.s32 @!p0 $0x3  }
0x15e: {  	_ =	swait.ge @!p0 [sflag:s0], s1  }
0x15f: {  	s1 =	ssub.s32 @!p0 $0x0, s1;
	[sflag:s0] =	ssyncset.done @!p0 $0x0  }
0x160: {  	[sflag:s0] =	ssyncadd.s32 @!p0 s1  }
0x161: {  	[bflag:$0x3] =	sbarrier.arrive $0xFFFF  }
0x162: {  	_ =	shalt  }

// kernel: kernel.15.cloned.1.call-start
scs
__scs_entry_jumppad:
0x0: {  	(pc) =	sbr.rel $0x88, $3  }
0x1: {  	(tag) =	ssettag $0x0;
	lr =	simm.s32 $0x1  }
0x2: {  	[smem:$0x3F9B] =	sst lr;
	_ =	strace $0xD0000000  }
0x3: {  	_ = 	snop  }
0x4: {  	_ = 	snop  }
0x5: {  	_ = 	snop  }
0x6: {  	_ = 	snop  }
0x7: {  	_ = 	snop  }
__scs_overlays_trampoline_lowered:
0x8: {  	[smem:$0x3FAA] =	sst s0  }
0x9: {  	[smem:$0x3FAB] =	sst s1  }
0xa: {  	[smem:$0x3FAC] =	sst s2  }
0xb: {  	[smem:$0x3FAD] =	sst s3  }
0xc: {  	[smem:$0x3FAE] =	sst s4  }
0xd: {  	[smem:$0x3FAF] =	sst s5  }
0xe: {  	[smem:$0x3FB0] =	sst s6  }
0xf: {  	[smem:$0x3FB1] =	sst s7  }
0x10: {  	[smem:$0x3FB2] =	sst s8  }
0x11: {  	[smem:$0x3FB3] =	sst s9;
	s0 =	simm.s32 @!p0 $0x0  }
0x12: {  	s1 =	sld [smem:$0x3F99];
	s0 =	simm.s32 @p0 $0x1  }
0x13: {  	[smem:$0x3FB4] =	sst s0;
	s0 =	simm.s32 @!p1 $0x0  }
0x14: {  	s2 =	sld [smem:$0x3F98];
	s0 =	simm.s32 @p1 $0x1  }
0x15: {  	[smem:$0x3FB5] =	sst s0;
	s0 =	simm.s32 @!p2 $0x0  }
0x16: {  	s3 =	sld [smem:$0x3FDB];
	s0 =	simm.s32 @p2 $0x1  }
0x17: {  	s4 =	simm.s32 $0x1BF5;
	[smem:$0x3FB7] =	sst s0  }
0x18: {  	s0 =	sld [smem:$0x3F9A];
	_ =	swait.ge [sflag:s4], $0x0  }
0x19: {  	s7 =	sld [smem:$0x3F9B]  }
0x1a: {  	s8 =	sadd.s32 $0xFFFFE003, lr  }
0x1b: {  	s9 =	sadd.s32 $0xFFFFFEF7, lr;
	s5 =	simm.s32 $0xFFFFFFFF;
	p2 =	slt.u32 s8, $0xFFFFF086  }
0x1c: {  	p1 =	slt.u32 s9, $0xF7A;
	s5 =	simm.s32 @!p2 $0x0  }
0x1d: {  	s5 =	simm.s32 @p1 $0x1;
	p0 =	seq.s32 s7, s2  }
0x1e: {  	s7 =	smul.u32 @!p0 $0xF7A, s2;
	p2 =	seq.s32 @!p0 s5, $0x0  }
0x1f: {  	s9 =	smul.u32 $0xF7A, s1;
	s8 =	simm.s32 @!p0 $0x1BF5;
	p2 =	por !p2, p0  }
0x20: {  	[sflag:s8] =	ssyncset.s32 @!p0 $0xFFFFF086;
	s6 =	sadd.s32 @!p0 s3, s7;
	s7 =	simm.s32 @!p0 $0x108  }
0x21: {  	s3 =	sadd.s32 s3, s9;
	s6 =	sadd.s32 @!p0 $0x88, s6;
	s7 =	simm.s32 @p2 $0x1082  }
0x22: {  	[simem:s7], [sflag:s8] =	dma.local @!p0 [hbm:s6], $0xF7A  }
0x23: {  	s9 =	sor.u32 $0xD0000000, s2;
	s6 =	simm.s32 $0x108;
	_ =	swait.ge @!p0 [sflag:s8], $0x0  }
0x24: {  	s3 =	sadd.s32 $0x88, s3;
	s6 =	simm.s32 @!p1 $0x1082;
	[sflag:s4] =	ssyncset.s32 $0xFFFFF086  }
0x25: {  	[simem:s6], [sflag:s4] =	dma.local [hbm:s3], $0xF7A  }
0x26: {  	[smem:$0x3F9B] =	sst s1;
	(tag) =	ssettag s2;
	_ =	strace s9  }
0x27: {  	s1 =	sld [smem:$0x3FAB]  }
0x28: {  	s2 =	sld [smem:$0x3FAC]  }
0x29: {  	s4 =	sld [smem:$0x3FAE]  }
0x2a: {  	p0 =	seq.s32 s5, $0x0;
	s5 =	sld [smem:$0x3FAF]  }
0x2b: {  	s6 =	sld [smem:$0x3FB0]  }
0x2c: {  	s7 =	sld [smem:$0x3FB1]  }
0x2d: {  	s3 =	simm.s32 $0x108;
	s8 =	sld [smem:$0x3FB2]  }
0x2e: {  	s3 =	simm.s32 @!p0 $0x1082;
	s9 =	sld [smem:$0x3FB3]  }
0x2f: {  	lr =	sadd.s32 s0, s3;
	s0 =	sld [smem:$0x3FAA]  }
0x30: {  	s3 =	sld [smem:$0x3FAD]  }
0x31: {  	[smem:$0x3FB6] =	sst s10  }
0x32: {  	s10 =	sld [smem:$0x3FB4];
	_ =	sdelay $0x3  }
0x33: {  	p0 =	seq.s32 s10, $0x1;
	s10 =	sld [smem:$0x3FB6];
	_ =	sdelay $0x3  }
0x34: {  	[smem:$0x3FB6] =	sst s10  }
0x35: {  	s10 =	sld [smem:$0x3FB5];
	_ =	sdelay $0x3  }
0x36: {  	p1 =	seq.s32 s10, $0x1;
	s10 =	sld [smem:$0x3FB6];
	_ =	sdelay $0x3  }
0x37: {  	[smem:$0x3FB6] =	sst s10  }
0x38: {  	s10 =	sld [smem:$0x3FB7]  }
0x39: {  	_ = 	snop;
	(pc) =	sbr.ind lr, $3  }
0x3a: {  	_ = 	snop  }
0x3b: {  	_ = 	snop  }
0x3c: {  	p2 =	seq.s32 s10, $0x1;
	s10 =	sld [smem:$0x3FB6]  }
0x3d: {  	_ =	shalt  }
0x3e: {  	_ =	shalt  }
0x3f: {  	_ =	shalt  }
0x40: {  	_ =	shalt  }
0x41: {  	_ =	shalt  }
0x42: {  	_ =	shalt  }
0x43: {  	_ =	shalt  }
0x44: {  	_ =	shalt  }
0x45: {  	_ =	shalt  }
0x46: {  	_ =	shalt  }
0x47: {  	_ =	shalt  }
0x48: {  	_ =	shalt  }
0x49: {  	_ =	shalt  }
0x4a: {  	_ =	shalt  }
0x4b: {  	_ =	shalt  }
0x4c: {  	_ =	shalt  }
0x4d: {  	_ =	shalt  }
0x4e: {  	_ =	shalt  }
0x4f: {  	_ =	shalt  }
0x50: {  	_ =	shalt  }
0x51: {  	_ =	shalt  }
0x52: {  	_ =	shalt  }
0x53: {  	_ =	shalt  }
0x54: {  	_ =	shalt  }
0x55: {  	_ =	shalt  }
0x56: {  	_ =	shalt  }
0x57: {  	_ =	shalt  }
0x58: {  	_ =	shalt  }
0x59: {  	_ =	shalt  }
0x5a: {  	_ =	shalt  }
0x5b: {  	_ =	shalt  }
0x5c: {  	_ =	shalt  }
0x5d: {  	_ =	shalt  }
0x5e: {  	_ =	shalt  }
0x5f: {  	_ =	shalt  }
0x60: {  	_ =	shalt  }
0x61: {  	_ =	shalt  }
0x62: {  	_ =	shalt  }
0x63: {  	_ =	shalt  }
0x64: {  	_ =	shalt  }
0x65: {  	_ =	shalt  }
0x66: {  	_ =	shalt  }
0x67: {  	_ =	shalt  }
0x68: {  	_ =	shalt  }
0x69: {  	_ =	shalt  }
0x6a: {  	_ =	shalt  }
0x6b: {  	_ =	shalt  }
0x6c: {  	_ =	shalt  }
0x6d: {  	_ =	shalt  }
0x6e: {  	_ =	shalt  }
0x6f: {  	_ =	shalt  }
0x70: {  	_ =	shalt  }
0x71: {  	_ =	shalt  }
0x72: {  	_ =	shalt  }
0x73: {  	_ =	shalt  }
0x74: {  	_ =	shalt  }
0x75: {  	_ =	shalt  }
0x76: {  	_ =	shalt  }
0x77: {  	_ =	shalt  }
0x78: {  	_ =	shalt  }
0x79: {  	_ =	shalt  }
0x7a: {  	_ =	shalt  }
0x7b: {  	_ =	shalt  }
0x7c: {  	_ =	shalt  }
0x7d: {  	_ =	shalt  }
0x7e: {  	_ =	shalt  }
0x7f: {  	_ =	shalt  }
0x80: {  	_ =	shalt  }
0x81: {  	_ =	shalt  }
0x82: {  	_ =	shalt  }
0x83: {  	_ =	shalt  }
0x84: {  	_ =	shalt  }
0x85: {  	_ =	shalt  }
0x86: {  	_ =	shalt  }
0x87: {  	_ =	shalt  }
.Lfunc_end0:
.L_simem_size_0:
called_computation.2_lowered:
.L_overlay_start_0:
0x88: {  	s2 =	sld [smem:$0x3FD9]  }
0x89: {  	s3 =	sld [smem:$0x3FFE];
	_ =	sdelay $0x1  }
0x8a: {  	s1 =	srdreg.scid  }
0x8b: {  	s0 =	sand.u32 $0x1, s1  }
0x8c: {  	s17 =	sshll.u32 s0, $0xA;
	s2 =	sadd.s32 s3, s2  }
0x8d: {  	s2 =	sadd.s32 s2, s17  }
0x8e: {  	[smem:$0x3FC2] =	sst s2  }
0x8f: {  	_ = 	snop  }
0x90: {  	s2 =	sld [smem:$0x3FD0];
	(tm) =	ssettm $0x1  }
0x91: {  	s18 =	sld [smem:$0x3FFB];
	_ =	sdelay $0x3  }
0x92: {  	_ =	strace s18  }
0x93: {  	s3 =	sld [smem:$0x3FFC];
	_ =	sdelay $0x3  }
0x94: {  	_ =	strace s3  }
0x95: {  	s3 =	sld [smem:$0x3FFD];
	_ =	sdelay $0x3  }
0x96: {  	_ =	strace s3  }
0x97: {  	_ =	strace $0x8FFFFFFF  }
0x98: {  	s19 =	sld [smem:$0x3FDB];
	_ =	sdelay $0x1  }
0x99: {  	s4 =	simm.s32 $_scs_section_size  }
0x9a: {  	s5 =	simm.s32 $_size__tile_overlayer_lowered;
	s6 =	simm.s32 $_tile_overlayer_lowered  }
0x9b: {  	s22 =	simm.s32 $0x1BFF;
	s21 =	sshll.u32 s6, $0x1;
	s3 =	sadd.s32 s4, s19  }
0x9c: {  	s7 =	simm.s32 $0x0;
	s20 =	sshll.u32 s5, $0x1;
	s5 =	sadd.s32 s21, s3  }
0x9d: {  	[timem:s7], [sflag:s22] =	dma.local [hbm:s5], s20  }
0x9e: {  	_ =	swait.ge [sflag:s22], s20  }
0x9f: {  	s4 =	ssub.s32 $0x0, s20;
	[sflag:s22] =	ssyncset.done $0x0  }
0xa0: {  	[sflag:s22] =	ssyncadd.s32 s4;
	_ =	sdelay $0x1  }
0xa1: {  	s23 =	simm.s32 $0x1B8B  }
0xa2: {  	_ =	swait.ge [sflag:s23], $0x1  }
0xa3: {  	[sflag:s23] =	ssyncset.done $0x0  }
0xa4: {  	s25 =	simm.s32 $0x1B8E;
	s24 =	sld [smem:$0x3FFE];
	[sflag:s23] =	ssyncadd.s32 $0xFFFFFFFF  }
0xa5: {  	s26 =	simm.s32 $execute0_lowered;
	[smem:$0x3FD2] =	sst s25  }
0xa6: {  	s5 =	sshll.u32 s26, $0x1;
	_ =	strace $0x8000004C;
	[dreg:$0x1] =	wrdreg $0xFFFFFFFF  }
0xa7: {  	s28 =	simm.s32 $_size_execute0_lowered;
	s3 =	sadd.s32 s3, s5;
	[dreg:$0x0] =	wrdreg $0x0  }
0xa8: {  	s5 =	sshll.u32 s28, $0x1;
	[dreg:$0x2] =	wrdreg s3  }
0xa9: {  	[dreg:$0x3] =	wrdreg s5  }
0xaa: {  	[dreg:$0x4] =	wrdreg $0xC0  }
0xab: {  	_ =	task [dreg:s7], $0x5FFFF  }
0xac: {  	[dreg:$0x1] =	wrdreg $0xFFFFFFFF  }
0xad: {  	[dreg:$0x0] =	wrdreg $0x60  }
0xae: {  	[dreg:$0x2] =	wrdreg s24  }
0xaf: {  	[dreg:$0x3] =	wrdreg s2  }
0xb0: {  	[dreg:$0x4] =	wrdreg $0xA8000  }
0xb1: {  	[dreg:$0x5] =	wrdreg $0x9  }
0xb2: {  	_ =	task.clear_ibuf [dreg:s7], $0x6FFFF;
	_ =	strace $0x9000004C  }
0xb3: {  	s29 =	simm.s32 $0x9;
	_ =	strace $0x8000004E  }
0xb4: {  	_ =	swait.ge [sflag:s29], $0x1  }
0xb5: {  	[sflag:s29] =	ssyncadd.s32 $0xFFFFFFFF  }
0xb6: {  	_ =	strace $0x9000004E  }
0xb7: {  	_ =	sfence  }
0xb8: {  	s30 =	sld [smem:$0x0];
	_ =	sdelay $0x2  }
0xb9: {  	s31 =	sshll.u32 s1, $0xD;
	s1 =	sshrl.u32 s1, $0x2  }
0xba: {  	s3 =	sand.u32 $0x4000, s31;
	s1 =	sadd.s32 s1, s30  }
0xbb: {  	s0 =	sor.u32 s3, s0;
	s1 =	sshll.u32 s1, $0x11  }
0xbc: {  	s0 =	sor.u32 s1, s0  }
0xbd: {  	s0 =	sadd.s32 $0x8F2B, s0  }
0xbe: {  	[sflag:s0] =	ssyncadd.remote.s32 $0x1  }
0xbf: {  	_ =	sfence.sel $0xFFFF  }
0xc0: {  	[dreg:$0x0] =	wrdreg $0xFFFFFFFF;
	(pc) =	sbr.abs _section_cstart, $3  }
0xc1: {  	[dreg:$0x1] =	wrdreg $0xFFFFFFFF  }
0xc2: {  	_ =	task.clear_ibuf [dreg:s7], $0x2FFFF;
	_ =	strace $0x9FFFFFFF  }
0xc3: {  	(tm) =	ssettm $0x7FFFFFFF  }
tec
execute0_lowered:
.L_overlay_start_1:
0x0: {  	(tag) =	ssettag $0x1  }
0x1: {  	s4 =	rddreg [dreg:$0x0]  }
0x2: {  	s8 =	rddreg [dreg:$0x1]  }
0x3: {  	s2 =	rddreg [dreg:$0x2]  }
0x4: {  	s0 =	rddreg [dreg:$0x3];
	s1 =	stileid.u32  }
0x5: {  	s5 =	srdreg.scid;
	s3 =	simm.s32 $0x0;
	s14 =	simm.s32 $0x2800  }
0x6: {  	s15 =	simm.s32 $0x6800;
	s16 =	simm.s32 $0x1;
	s17 =	simm.s32 $0x2  }
0x7: {  	s18 =	simm.s32 $0x1380;
	s19 =	simm.s32 $0x2700;
	s9 =	smul.u32 $0x500, s1  }
0x8: {  	s20 =	simm.s32 $0x2780;
	s5 =	sand.u32 $0x1, s5;
	s7 =	smul.u32 $0x50000, s1  }
0x9: {  	[smem:$0x7FF] =	sst s3;
	s23 =	smul.u32 $0x2800, s1;
	s31 =	sshll.u32 s1, $0x6  }
0xa: {  	s6 =	smul.u32 $0x28000, s5;
	_ =	strace $0x8000004D;
	s5 =	ssub.s32 $0x2, s5  }
0xb: {  	s10 =	sadd.s32 s9, s4;
	s29 =	sshrl.u32 s5, $0x1;
	s30 =	sshrl.u32 s7, $0x2  }
0xc: {  	s8 =	sadd.s32 s8, s9;
	s11 =	sadd.s32 s6, s4;
	s12 =	ssub.s32 s5, s29  }
0xd: {  	s13 =	sadd.s32 s30, s2;
	s6 =	sor.u32 $0x1C03, s31;
	s7 =	sadd.s32 $0x1E00, s10  }
0xe: {  	s22 =	sadd.s32 $0x280, s8;
	s4 =	sadd.s32 $0x6E00, s11;
	s24 =	sadd.s32 $0x56E00, s11  }
0xf: {  	s9 =	smax.u32 s12, $0x1;
	s10 =	sshrl.u32 s13, $0x3;
	s11 =	simm.s32 $0x3  }
0x10: {  	s12 =	simm.s32 $0x1400;
	s13 =	simm.s32 $0x80;
	s21 =	sadd.s32 $0x280, s7  }
0x11: {  	s5 =	sadd.s32 s23, s4;
	s23 =	sadd.s32 s23, s24;
	s24 =	simm.s32 $0x0  }
.LBB2_1:
0x12: {  	[spmem:s10], [sflag:s6] =	dma.local [hbm:s5], $0x2800  }
0x13: {  	_ =	swait.ge [sflag:s11], $0x2800  }
0x14: {  	[sflag:s11] =	ssyncset.done $0x0  }
0x15: {  	[sflag:s11] =	ssyncadd.s32 $0xFFFFD800  }
0x16: {  	[bflag:$0x0] =	sbarrier.arrive $0xFFFF  }
0x17: {  	[tilespmem:s3], [sflag:$0x3] =	stream.linear.gather [hbm4b:s7+s3], $0x1400, $0x38;
	[tilespmem:$0x1E800] =	vst v63  }
0x18: {  	_ =	swait.ge [sflag:s11], $0x1400  }
0x19: {  	[sflag:s11] =	ssyncset.done $0x0  }
0x1a: {  	[sflag:s11] =	ssyncadd.s32 $0xFFFFEC00  }
0x1b: {  	[tilespmem:s12], [sflag:$0x3] =	stream.linear.gather [hbm4b:s8+s3], $0x1400, $0x38;
	[tilespmem:$0x1E800] =	vst v63  }
0x1c: {  	_ =	swait.ge [sflag:s11], $0x1400  }
0x1d: {  	[sflag:s11] =	ssyncset.done $0x0  }
0x1e: {  	[sflag:s11] =	ssyncadd.s32 $0xFFFFEC00  }
0x1f: {  	[tilespmem:s14], [sflag:$0x1] =	stream.indirect.gather [hbm4b:s4+s13], $0x80, s3, s13, $0xb8;
	[tilespmem:$0x1E800] =	vst v63  }
0x20: {  	s25 =	simm.s32 $0x80  }
0x21: {  	[tilespmem:s15], [sflag:$0x2] =	stream.indirect.gather [hbm4b:s4+s13], $0x80, s25, s13, $0xb8;
	[tilespmem:$0x1E800] =	vst v63  }
0x22: {  	_ =	swait.ge [sflag:s16], $0x4000  }
0x23: {  	[sflag:s16] =	ssyncset.done $0x0  }
0x24: {  	s29 =	simm.s32 $0x1400;
	[sflag:s16] =	ssyncadd.s32 $0xFFFFC000  }
0x25: {  	[spmem:s2] =	stream.indirect.scatter.add.f32 [tilespmem:s14], [sflag:$0x3], $0x80, s29, s13, $0xb8;
	[tilespmem:$0x1E800] =	vst v63  }
0x26: {  	_ =	swait.ge [sflag:s11], $0x4000  }
0x27: {  	[sflag:s11] =	ssyncset.done $0x0  }
0x28: {  	s30 =	simm.s32 $0x100;
	[sflag:s11] =	ssyncadd.s32 $0xFFFFC000  }
0x29: {  	[tilespmem:s14], [sflag:$0x1] =	stream.indirect.gather [hbm4b:s4+s13], $0x80, s30, s13, $0xb8;
	[tilespmem:$0x1E800] =	vst v63  }
0x2a: {  	_ =	swait.ge [sflag:s17], $0x4000  }
0x2b: {  	[sflag:s17] =	ssyncset.done $0x0  }
0x2c: {  	s31 =	simm.s32 $0x1480;
	[sflag:s17] =	ssyncadd.s32 $0xFFFFC000  }
0x2d: {  	[spmem:s2] =	stream.indirect.scatter.add.f32 [tilespmem:s15], [sflag:$0x3], $0x80, s31, s13, $0xb8;
	[tilespmem:$0x1E800] =	vst v63  }
0x2e: {  	_ =	swait.ge [sflag:s11], $0x4000  }
0x2f: {  	s26 =	simm.s32 $0x800;
	s25 =	simm.s32 $0x100;
	[sflag:s11] =	ssyncset.done $0x0  }
.LBB2_2:
0x30: {  	s28 =	sadd.s32 $0x80, s25  }
0x31: {  	[sflag:s11] =	ssyncadd.s32 $0xFFFFC000;
	s29 =	smov.u32 s26;
	s30 =	sadd.s32 $0x400, s26  }
0x32: {  	[tilespmem:s15], [sflag:$0x2] =	stream.indirect.gather [hbm4b:s4+s13], $0x80, s28, s13, $0xb8;
	[tilespmem:$0x1E800] =	vst v63  }
0x33: {  	p0 =	sne.s32 s26, $0x4800;
	_ =	swait.ge [sflag:s16], $0x4000  }
0x34: {  	[sflag:s16] =	ssyncset.done $0x0  }
0x35: {  	s26 =	sadd.s32 $0x1400, s25;
	[sflag:s16] =	ssyncadd.s32 $0xFFFFC000  }
0x36: {  	[spmem:s2] =	stream.indirect.scatter.add.f32 [tilespmem:s14], [sflag:$0x3], $0x80, s26, s13, $0xb8;
	[tilespmem:$0x1E800] =	vst v63  }
0x37: {  	_ =	swait.ge [sflag:s11], $0x4000  }
0x38: {  	[sflag:s11] =	ssyncset.done $0x0  }
0x39: {  	s26 =	sadd.s32 $0x100, s25;
	[sflag:s11] =	ssyncadd.s32 $0xFFFFC000  }
0x3a: {  	[tilespmem:s14], [sflag:$0x1] =	stream.indirect.gather [hbm4b:s4+s13], $0x80, s26, s13, $0xb8;
	[tilespmem:$0x1E800] =	vst v63  }
0x3b: {  	_ =	swait.ge [sflag:s17], $0x4000  }
.Ltmp0:
0x3c: {  	[sflag:s17] =	ssyncset.done $0x0;
	(pc) =	sbr.rel @p0 .LBB2_2-.Ltmp0, $4  }
0x3d: {  	s25 =	sadd.s32 $0x1480, s25;
	[sflag:s17] =	ssyncadd.s32 $0xFFFFC000  }
0x3e: {  	[spmem:s2] =	stream.indirect.scatter.add.f32 [tilespmem:s15], [sflag:$0x3], $0x80, s25, s13, $0xb8;
	[tilespmem:$0x1E800] =	vst v63  }
0x3f: {  	_ =	swait.ge [sflag:s11], $0x4000  }
0x40: {  	s26 =	smov.u32 s30;
	s25 =	sshra.s32 s29, $0x2;
	[sflag:s11] =	ssyncset.done $0x0  }
0x41: {  	s26 =	sadd.s32 $0x80, s25;
	[sflag:s11] =	ssyncadd.s32 $0xFFFFC000  }
0x42: {  	[tilespmem:s15], [sflag:$0x2] =	stream.indirect.gather [hbm4b:s4+s13], $0x80, s26, s13, $0xb8;
	[tilespmem:$0x1E800] =	vst v63  }
0x43: {  	_ =	swait.ge [sflag:s16], $0x4000  }
0x44: {  	[sflag:s16] =	ssyncset.done $0x0  }
0x45: {  	s29 =	sadd.s32 $0x1400, s25;
	[sflag:s16] =	ssyncadd.s32 $0xFFFFC000  }
0x46: {  	[spmem:s2] =	stream.indirect.scatter.add.f32 [tilespmem:s14], [sflag:$0x3], $0x80, s29, s13, $0xb8;
	[tilespmem:$0x1E800] =	vst v63  }
0x47: {  	_ =	swait.ge [sflag:s11], $0x4000  }
0x48: {  	[sflag:s11] =	ssyncset.done $0x0  }
0x49: {  	s30 =	sadd.s32 $0x100, s25;
	[sflag:s11] =	ssyncadd.s32 $0xFFFFC000  }
0x4a: {  	[tilespmem:s14], [sflag:$0x1] =	stream.indirect.gather [hbm4b:s4+s13], $0x80, s30, s13, $0xb8;
	[tilespmem:$0x1E800] =	vst v63  }
0x4b: {  	_ =	swait.ge [sflag:s17], $0x4000  }
0x4c: {  	[sflag:s17] =	ssyncset.done $0x0  }
0x4d: {  	s31 =	sadd.s32 $0x1480, s25;
	[sflag:s17] =	ssyncadd.s32 $0xFFFFC000  }
0x4e: {  	[spmem:s2] =	stream.indirect.scatter.add.f32 [tilespmem:s15], [sflag:$0x3], $0x80, s31, s13, $0xb8;
	[tilespmem:$0x1E800] =	vst v63  }
0x4f: {  	_ =	swait.ge [sflag:s11], $0x4000  }
0x50: {  	[sflag:s11] =	ssyncset.done $0x0  }
0x51: {  	[sflag:s11] =	ssyncadd.s32 $0xFFFFC000  }
0x52: {  	[tilespmem:s15], [sflag:$0x2] =	stream.indirect.gather [hbm4b:s4+s13], $0x80, s18, s13, $0xb8;
	[tilespmem:$0x1E800] =	vst v63  }
0x53: {  	_ =	swait.ge [sflag:s16], $0x4000  }
0x54: {  	[sflag:s16] =	ssyncset.done $0x0  }
0x55: {  	[sflag:s16] =	ssyncadd.s32 $0xFFFFC000  }
0x56: {  	[spmem:s2] =	stream.indirect.scatter.add.f32 [tilespmem:s14], [sflag:$0x3], $0x80, s19, s13, $0xb8;
	[tilespmem:$0x1E800] =	vst v63  }
0x57: {  	_ =	swait.ge [sflag:s11], $0x4000  }
0x58: {  	[sflag:s11] =	ssyncset.done $0x0  }
0x59: {  	[sflag:s11] =	ssyncadd.s32 $0xFFFFC000  }
0x5a: {  	_ =	swait.ge [sflag:s17], $0x4000  }
0x5b: {  	[sflag:s17] =	ssyncset.done $0x0  }
0x5c: {  	[sflag:s17] =	ssyncadd.s32 $0xFFFFC000  }
0x5d: {  	[spmem:s2] =	stream.indirect.scatter.add.f32 [tilespmem:s15], [sflag:$0x3], $0x80, s20, s13, $0xb8;
	[tilespmem:$0x1E800] =	vst v63  }
0x5e: {  	_ =	swait.ge [sflag:s11], $0x4000  }
0x5f: {  	[sflag:s11] =	ssyncset.done $0x0  }
0x60: {  	s26 =	simm.s32 $0x0;
	[sflag:s11] =	ssyncadd.s32 $0xFFFFC000  }
0x61: {  	[tilespmem:s26], [sflag:$0x3] =	stream.linear.gather [hbm4b:s21+s26], $0x1400, $0x38;
	[tilespmem:$0x1E800] =	vst v63  }
0x62: {  	_ =	swait.ge [sflag:s11], $0x1400  }
0x63: {  	[sflag:s11] =	ssyncset.done $0x0  }
0x64: {  	[sflag:s11] =	ssyncadd.s32 $0xFFFFEC00  }
0x65: {  	[tilespmem:s12], [sflag:$0x3] =	stream.linear.gather [hbm4b:s22+s26], $0x1400, $0x38;
	[tilespmem:$0x1E800] =	vst v63  }
0x66: {  	_ =	swait.ge [sflag:s11], $0x1400  }
0x67: {  	[sflag:s11] =	ssyncset.done $0x0  }
0x68: {  	[sflag:s11] =	ssyncadd.s32 $0xFFFFEC00  }
0x69: {  	[tilespmem:s14], [sflag:$0x1] =	stream.indirect.gather [hbm4b:s4+s13], $0x80, s26, s13, $0xb8;
	[tilespmem:$0x1E800] =	vst v63  }
0x6a: {  	s28 =	simm.s32 $0x80  }
0x6b: {  	[tilespmem:s15], [sflag:$0x2] =	stream.indirect.gather [hbm4b:s4+s13], $0x80, s28, s13, $0xb8;
	[tilespmem:$0x1E800] =	vst v63  }
0x6c: {  	_ =	swait.ge [sflag:s16], $0x4000  }
0x6d: {  	[sflag:s16] =	ssyncset.done $0x0  }
0x6e: {  	s29 =	simm.s32 $0x1400;
	[sflag:s16] =	ssyncadd.s32 $0xFFFFC000  }
0x6f: {  	[spmem:s2] =	stream.indirect.scatter.add.f32 [tilespmem:s14], [sflag:$0x3], $0x80, s29, s13, $0xb8;
	[tilespmem:$0x1E800] =	vst v63  }
0x70: {  	_ =	swait.ge [sflag:s11], $0x4000  }
0x71: {  	[sflag:s11] =	ssyncset.done $0x0  }
0x72: {  	s30 =	simm.s32 $0x100;
	[sflag:s11] =	ssyncadd.s32 $0xFFFFC000  }
0x73: {  	[tilespmem:s14], [sflag:$0x1] =	stream.indirect.gather [hbm4b:s4+s13], $0x80, s30, s13, $0xb8;
	[tilespmem:$0x1E800] =	vst v63  }
0x74: {  	_ =	swait.ge [sflag:s17], $0x4000  }
0x75: {  	[sflag:s17] =	ssyncset.done $0x0  }
0x76: {  	s31 =	simm.s32 $0x1480;
	[sflag:s17] =	ssyncadd.s32 $0xFFFFC000  }
0x77: {  	[spmem:s2] =	stream.indirect.scatter.add.f32 [tilespmem:s15], [sflag:$0x3], $0x80, s31, s13, $0xb8;
	[tilespmem:$0x1E800] =	vst v63  }
0x78: {  	_ =	swait.ge [sflag:s11], $0x4000  }
0x79: {  	s25 =	simm.s32 $0x100;
	s26 =	simm.s32 $0x800;
	[sflag:s11] =	ssyncset.done $0x0  }
.LBB2_4:
0x7a: {  	s28 =	sadd.s32 $0x80, s25  }
0x7b: {  	[sflag:s11] =	ssyncadd.s32 $0xFFFFC000;
	s29 =	smov.u32 s26;
	s30 =	sadd.s32 $0x400, s26  }
0x7c: {  	[tilespmem:s15], [sflag:$0x2] =	stream.indirect.gather [hbm4b:s4+s13], $0x80, s28, s13, $0xb8;
	[tilespmem:$0x1E800] =	vst v63  }
0x7d: {  	p0 =	sne.s32 s26, $0x4800;
	_ =	swait.ge [sflag:s16], $0x4000  }
0x7e: {  	[sflag:s16] =	ssyncset.done $0x0  }
0x7f: {  	s26 =	sadd.s32 $0x1400, s25;
	[sflag:s16] =	ssyncadd.s32 $0xFFFFC000  }
0x80: {  	[spmem:s2] =	stream.indirect.scatter.add.f32 [tilespmem:s14], [sflag:$0x3], $0x80, s26, s13, $0xb8;
	[tilespmem:$0x1E800] =	vst v63  }
0x81: {  	_ =	swait.ge [sflag:s11], $0x4000  }
0x82: {  	[sflag:s11] =	ssyncset.done $0x0  }
0x83: {  	s26 =	sadd.s32 $0x100, s25;
	[sflag:s11] =	ssyncadd.s32 $0xFFFFC000  }
0x84: {  	[tilespmem:s14], [sflag:$0x1] =	stream.indirect.gather [hbm4b:s4+s13], $0x80, s26, s13, $0xb8;
	[tilespmem:$0x1E800] =	vst v63  }
0x85: {  	_ =	swait.ge [sflag:s17], $0x4000  }
.Ltmp1:
0x86: {  	[sflag:s17] =	ssyncset.done $0x0;
	(pc) =	sbr.rel @p0 .LBB2_4-.Ltmp1, $4  }
0x87: {  	s25 =	sadd.s32 $0x1480, s25;
	[sflag:s17] =	ssyncadd.s32 $0xFFFFC000  }
0x88: {  	[spmem:s2] =	stream.indirect.scatter.add.f32 [tilespmem:s15], [sflag:$0x3], $0x80, s25, s13, $0xb8;
	[tilespmem:$0x1E800] =	vst v63  }
0x89: {  	_ =	swait.ge [sflag:s11], $0x4000  }
0x8a: {  	s26 =	smov.u32 s30;
	s25 =	sshra.s32 s29, $0x2;
	[sflag:s11] =	ssyncset.done $0x0  }
0x8b: {  	s26 =	sadd.s32 $0x80, s25;
	[sflag:s11] =	ssyncadd.s32 $0xFFFFC000  }
0x8c: {  	[tilespmem:s15], [sflag:$0x2] =	stream.indirect.gather [hbm4b:s4+s13], $0x80, s26, s13, $0xb8;
	[tilespmem:$0x1E800] =	vst v63  }
0x8d: {  	_ =	swait.ge [sflag:s16], $0x4000  }
0x8e: {  	[sflag:s16] =	ssyncset.done $0x0  }
0x8f: {  	s29 =	sadd.s32 $0x1400, s25;
	[sflag:s16] =	ssyncadd.s32 $0xFFFFC000  }
0x90: {  	[spmem:s2] =	stream.indirect.scatter.add.f32 [tilespmem:s14], [sflag:$0x3], $0x80, s29, s13, $0xb8;
	[tilespmem:$0x1E800] =	vst v63  }
0x91: {  	_ =	swait.ge [sflag:s11], $0x4000  }
0x92: {  	[sflag:s11] =	ssyncset.done $0x0  }
0x93: {  	s30 =	sadd.s32 $0x100, s25;
	[sflag:s11] =	ssyncadd.s32 $0xFFFFC000  }
0x94: {  	[tilespmem:s14], [sflag:$0x1] =	stream.indirect.gather [hbm4b:s4+s13], $0x80, s30, s13, $0xb8;
	[tilespmem:$0x1E800] =	vst v63  }
0x95: {  	_ =	swait.ge [sflag:s17], $0x4000  }
0x96: {  	[sflag:s17] =	ssyncset.done $0x0  }
0x97: {  	s31 =	sadd.s32 $0x1480, s25;
	[sflag:s17] =	ssyncadd.s32 $0xFFFFC000  }
0x98: {  	[spmem:s2] =	stream.indirect.scatter.add.f32 [tilespmem:s15], [sflag:$0x3], $0x80, s31, s13, $0xb8;
	[tilespmem:$0x1E800] =	vst v63  }
0x99: {  	_ =	swait.ge [sflag:s11], $0x4000  }
0x9a: {  	[sflag:s11] =	ssyncset.done $0x0  }
0x9b: {  	[sflag:s11] =	ssyncadd.s32 $0xFFFFC000  }
0x9c: {  	[tilespmem:s15], [sflag:$0x2] =	stream.indirect.gather [hbm4b:s4+s13], $0x80, s18, s13, $0xb8;
	[tilespmem:$0x1E800] =	vst v63  }
0x9d: {  	_ =	swait.ge [sflag:s16], $0x4000  }
0x9e: {  	[sflag:s16] =	ssyncset.done $0x0  }
0x9f: {  	[sflag:s16] =	ssyncadd.s32 $0xFFFFC000  }
0xa0: {  	[spmem:s2] =	stream.indirect.scatter.add.f32 [tilespmem:s14], [sflag:$0x3], $0x80, s19, s13, $0xb8;
	[tilespmem:$0x1E800] =	vst v63  }
0xa1: {  	_ =	swait.ge [sflag:s11], $0x4000  }
0xa2: {  	[sflag:s11] =	ssyncset.done $0x0  }
0xa3: {  	[sflag:s11] =	ssyncadd.s32 $0xFFFFC000  }
0xa4: {  	_ =	swait.ge [sflag:s17], $0x4000  }
0xa5: {  	[sflag:s17] =	ssyncset.done $0x0  }
0xa6: {  	[sflag:s17] =	ssyncadd.s32 $0xFFFFC000  }
0xa7: {  	[spmem:s2] =	stream.indirect.scatter.add.f32 [tilespmem:s15], [sflag:$0x3], $0x80, s20, s13, $0xb8;
	[tilespmem:$0x1E800] =	vst v63  }
0xa8: {  	_ =	swait.ge [sflag:s11], $0x4000  }
0xa9: {  	[sflag:s11] =	ssyncset.done $0x0  }
0xaa: {  	s24 =	sadd.s32 $0x1, s24;
	[sflag:s11] =	ssyncadd.s32 $0xFFFFC000  }
0xab: {  	p0 =	sne.s32 s24, s9;
	[bflag:$0x0] =	sbarrier.arrive $0xFFFF  }
0xac: {  	[hbm:s23], [sflag:s6] =	dma.local [spmem:s10], $0x2800  }
.Ltmp2:
0xad: {  	_ =	swait.ge [sflag:s11], $0x2800;
	(pc) =	sbr.rel @p0 .LBB2_1-.Ltmp2, $3  }
0xae: {  	[sflag:s11] =	ssyncset.done $0x0  }
0xaf: {  	[sflag:s11] =	ssyncadd.s32 $0xFFFFD800  }
0xb0: {  	[bflag:$0x0] =	sbarrier.arrive $0xFFFF;
	_ =	sdelay $0x1  }
0xb1: {  	_ =	sfence.sel $0x180000  }
0xb2: {  	[bflag:$0x0] =	sbarrier.arrive $0xFFFF  }
0xb3: {  	p0 =	sne.s32 s1, $0x0;
	_ =	strace $0x9000004D  }
0xb4: {  	s0 =	sadd.s32 @!p0 $0x100000, s0;
	[bflag:$0x2] =	sbarrier.arrive $0xFFFF  }
0xb5: {  	[sflag:s0] =	ssyncadd.tile.s32 @!p0 $0x1;
	_ =	shalt  }
.Lfunc_end2:
_tile_overlayer_lowered:
.L_overlay_start_2:
0xb6: {  	(tag) =	ssettag $0x2  }
0xb7: {  	s0 =	rddreg [dreg:$0x0];
	s2 =	stileid.u32  }
0xb8: {  	s1 =	rddreg [dreg:$0x1];
	p0 =	sne.s32 s2, $0x0  }
0xb9: {  	s3 =	rddreg [dreg:$0x2];
	[bflag:$0x3] =	sbarrier.arrive $0xFFFF;
	s2 =	simm.s32 @!p0 $0x1C03  }
0xba: {  	[timem:s3], [sflag:s2] =	dma.local @!p0 [hbm:s0], s1  }
0xbb: {  	s0 =	simm.s32 @!p0 $0x3  }
0xbc: {  	_ =	swait.ge @!p0 [sflag:s0], s1  }
0xbd: {  	s1 =	ssub.s32 @!p0 $0x0, s1;
	[sflag:s0] =	ssyncset.done @!p0 $0x0  }
0xbe: {  	[sflag:s0] =	ssyncadd.s32 @!p0 s1  }
0xbf: {  	[bflag:$0x3] =	sbarrier.arrive $0xFFFF  }
0xc0: {  	_ =	shalt  }

// kernel: kernel.9.cloned.1.call-start
scs
__scs_entry_jumppad:
0x0: {  	(pc) =	sbr.rel $0x88, $3  }
0x1: {  	(tag) =	ssettag $0x0;
	lr =	simm.s32 $0x1  }
0x2: {  	[smem:$0x3F9B] =	sst lr;
	_ =	strace $0xD0000000  }
0x3: {  	_ = 	snop  }
0x4: {  	_ = 	snop  }
0x5: {  	_ = 	snop  }
0x6: {  	_ = 	snop  }
0x7: {  	_ = 	snop  }
__scs_overlays_trampoline_lowered:
0x8: {  	[smem:$0x3FAA] =	sst s0  }
0x9: {  	[smem:$0x3FAB] =	sst s1  }
0xa: {  	[smem:$0x3FAC] =	sst s2  }
0xb: {  	[smem:$0x3FAD] =	sst s3  }
0xc: {  	[smem:$0x3FAE] =	sst s4  }
0xd: {  	[smem:$0x3FAF] =	sst s5  }
0xe: {  	[smem:$0x3FB0] =	sst s6  }
0xf: {  	[smem:$0x3FB1] =	sst s7  }
0x10: {  	[smem:$0x3FB2] =	sst s8  }
0x11: {  	[smem:$0x3FB3] =	sst s9;
	s0 =	simm.s32 @!p0 $0x0  }
0x12: {  	s1 =	sld [smem:$0x3F99];
	s0 =	simm.s32 @p0 $0x1  }
0x13: {  	[smem:$0x3FB4] =	sst s0;
	s0 =	simm.s32 @!p1 $0x0  }
0x14: {  	s2 =	sld [smem:$0x3F98];
	s0 =	simm.s32 @p1 $0x1  }
0x15: {  	[smem:$0x3FB5] =	sst s0;
	s0 =	simm.s32 @!p2 $0x0  }
0x16: {  	s3 =	sld [smem:$0x3FDB];
	s0 =	simm.s32 @p2 $0x1  }
0x17: {  	s4 =	simm.s32 $0x1BF5;
	[smem:$0x3FB7] =	sst s0  }
0x18: {  	s0 =	sld [smem:$0x3F9A];
	_ =	swait.ge [sflag:s4], $0x0  }
0x19: {  	s7 =	sld [smem:$0x3F9B]  }
0x1a: {  	s8 =	sadd.s32 $0xFFFFE003, lr  }
0x1b: {  	s9 =	sadd.s32 $0xFFFFFEF7, lr;
	s5 =	simm.s32 $0xFFFFFFFF;
	p2 =	slt.u32 s8, $0xFFFFF086  }
0x1c: {  	p1 =	slt.u32 s9, $0xF7A;
	s5 =	simm.s32 @!p2 $0x0  }
0x1d: {  	s5 =	simm.s32 @p1 $0x1;
	p0 =	seq.s32 s7, s2  }
0x1e: {  	s7 =	smul.u32 @!p0 $0xF7A, s2;
	p2 =	seq.s32 @!p0 s5, $0x0  }
0x1f: {  	s9 =	smul.u32 $0xF7A, s1;
	s8 =	simm.s32 @!p0 $0x1BF5;
	p2 =	por !p2, p0  }
0x20: {  	[sflag:s8] =	ssyncset.s32 @!p0 $0xFFFFF086;
	s6 =	sadd.s32 @!p0 s3, s7;
	s7 =	simm.s32 @!p0 $0x108  }
0x21: {  	s3 =	sadd.s32 s3, s9;
	s6 =	sadd.s32 @!p0 $0x88, s6;
	s7 =	simm.s32 @p2 $0x1082  }
0x22: {  	[simem:s7], [sflag:s8] =	dma.local @!p0 [hbm:s6], $0xF7A  }
0x23: {  	s9 =	sor.u32 $0xD0000000, s2;
	s6 =	simm.s32 $0x108;
	_ =	swait.ge @!p0 [sflag:s8], $0x0  }
0x24: {  	s3 =	sadd.s32 $0x88, s3;
	s6 =	simm.s32 @!p1 $0x1082;
	[sflag:s4] =	ssyncset.s32 $0xFFFFF086  }
0x25: {  	[simem:s6], [sflag:s4] =	dma.local [hbm:s3], $0xF7A  }
0x26: {  	[smem:$0x3F9B] =	sst s1;
	(tag) =	ssettag s2;
	_ =	strace s9  }
0x27: {  	s1 =	sld [smem:$0x3FAB]  }
0x28: {  	s2 =	sld [smem:$0x3FAC]  }
0x29: {  	s4 =	sld [smem:$0x3FAE]  }
0x2a: {  	p0 =	seq.s32 s5, $0x0;
	s5 =	sld [smem:$0x3FAF]  }
0x2b: {  	s6 =	sld [smem:$0x3FB0]  }
0x2c: {  	s7 =	sld [smem:$0x3FB1]  }
0x2d: {  	s3 =	simm.s32 $0x108;
	s8 =	sld [smem:$0x3FB2]  }
0x2e: {  	s3 =	simm.s32 @!p0 $0x1082;
	s9 =	sld [smem:$0x3FB3]  }
0x2f: {  	lr =	sadd.s32 s0, s3;
	s0 =	sld [smem:$0x3FAA]  }
0x30: {  	s3 =	sld [smem:$0x3FAD]  }
0x31: {  	[smem:$0x3FB6] =	sst s10  }
0x32: {  	s10 =	sld [smem:$0x3FB4];
	_ =	sdelay $0x3  }
0x33: {  	p0 =	seq.s32 s10, $0x1;
	s10 =	sld [smem:$0x3FB6];
	_ =	sdelay $0x3  }
0x34: {  	[smem:$0x3FB6] =	sst s10  }
0x35: {  	s10 =	sld [smem:$0x3FB5];
	_ =	sdelay $0x3  }
0x36: {  	p1 =	seq.s32 s10, $0x1;
	s10 =	sld [smem:$0x3FB6];
	_ =	sdelay $0x3  }
0x37: {  	[smem:$0x3FB6] =	sst s10  }
0x38: {  	s10 =	sld [smem:$0x3FB7]  }
0x39: {  	_ = 	snop;
	(pc) =	sbr.ind lr, $3  }
0x3a: {  	_ = 	snop  }
0x3b: {  	_ = 	snop  }
0x3c: {  	p2 =	seq.s32 s10, $0x1;
	s10 =	sld [smem:$0x3FB6]  }
0x3d: {  	_ =	shalt  }
0x3e: {  	_ =	shalt  }
0x3f: {  	_ =	shalt  }
0x40: {  	_ =	shalt  }
0x41: {  	_ =	shalt  }
0x42: {  	_ =	shalt  }
0x43: {  	_ =	shalt  }
0x44: {  	_ =	shalt  }
0x45: {  	_ =	shalt  }
0x46: {  	_ =	shalt  }
0x47: {  	_ =	shalt  }
0x48: {  	_ =	shalt  }
0x49: {  	_ =	shalt  }
0x4a: {  	_ =	shalt  }
0x4b: {  	_ =	shalt  }
0x4c: {  	_ =	shalt  }
0x4d: {  	_ =	shalt  }
0x4e: {  	_ =	shalt  }
0x4f: {  	_ =	shalt  }
0x50: {  	_ =	shalt  }
0x51: {  	_ =	shalt  }
0x52: {  	_ =	shalt  }
0x53: {  	_ =	shalt  }
0x54: {  	_ =	shalt  }
0x55: {  	_ =	shalt  }
0x56: {  	_ =	shalt  }
0x57: {  	_ =	shalt  }
0x58: {  	_ =	shalt  }
0x59: {  	_ =	shalt  }
0x5a: {  	_ =	shalt  }
0x5b: {  	_ =	shalt  }
0x5c: {  	_ =	shalt  }
0x5d: {  	_ =	shalt  }
0x5e: {  	_ =	shalt  }
0x5f: {  	_ =	shalt  }
0x60: {  	_ =	shalt  }
0x61: {  	_ =	shalt  }
0x62: {  	_ =	shalt  }
0x63: {  	_ =	shalt  }
0x64: {  	_ =	shalt  }
0x65: {  	_ =	shalt  }
0x66: {  	_ =	shalt  }
0x67: {  	_ =	shalt  }
0x68: {  	_ =	shalt  }
0x69: {  	_ =	shalt  }
0x6a: {  	_ =	shalt  }
0x6b: {  	_ =	shalt  }
0x6c: {  	_ =	shalt  }
0x6d: {  	_ =	shalt  }
0x6e: {  	_ =	shalt  }
0x6f: {  	_ =	shalt  }
0x70: {  	_ =	shalt  }
0x71: {  	_ =	shalt  }
0x72: {  	_ =	shalt  }
0x73: {  	_ =	shalt  }
0x74: {  	_ =	shalt  }
0x75: {  	_ =	shalt  }
0x76: {  	_ =	shalt  }
0x77: {  	_ =	shalt  }
0x78: {  	_ =	shalt  }
0x79: {  	_ =	shalt  }
0x7a: {  	_ =	shalt  }
0x7b: {  	_ =	shalt  }
0x7c: {  	_ =	shalt  }
0x7d: {  	_ =	shalt  }
0x7e: {  	_ =	shalt  }
0x7f: {  	_ =	shalt  }
0x80: {  	_ =	shalt  }
0x81: {  	_ =	shalt  }
0x82: {  	_ =	shalt  }
0x83: {  	_ =	shalt  }
0x84: {  	_ =	shalt  }
0x85: {  	_ =	shalt  }
0x86: {  	_ =	shalt  }
0x87: {  	_ =	shalt  }
.Lfunc_end0:
.L_simem_size_0:
called_computation_lowered:
.L_overlay_start_0:
0x88: {  	s2 =	sld [smem:$0x3FD9]  }
0x89: {  	s3 =	sld [smem:$0x3FFE];
	_ =	sdelay $0x1  }
0x8a: {  	s1 =	srdreg.scid  }
0x8b: {  	s0 =	sand.u32 $0x1, s1  }
0x8c: {  	s17 =	sshll.u32 s0, $0xA;
	s2 =	sadd.s32 s3, s2  }
0x8d: {  	s2 =	sadd.s32 s2, s17  }
0x8e: {  	[smem:$0x3FC2] =	sst s2  }
0x8f: {  	_ = 	snop  }
0x90: {  	s2 =	sld [smem:$0x3FD0];
	(tm) =	ssettm $0x1  }
0x91: {  	s18 =	sld [smem:$0x3FFB];
	_ =	sdelay $0x3  }
0x92: {  	_ =	strace s18  }
0x93: {  	s3 =	sld [smem:$0x3FFC];
	_ =	sdelay $0x3  }
0x94: {  	_ =	strace s3  }
0x95: {  	s3 =	sld [smem:$0x3FFD];
	_ =	sdelay $0x3  }
0x96: {  	_ =	strace s3  }
0x97: {  	_ =	strace $0x8FFFFFFF  }
0x98: {  	s19 =	sld [smem:$0x3FDB];
	_ =	sdelay $0x1  }
0x99: {  	s4 =	simm.s32 $_scs_section_size  }
0x9a: {  	s5 =	simm.s32 $_size__tile_overlayer_lowered;
	s6 =	simm.s32 $_tile_overlayer_lowered  }
0x9b: {  	s22 =	simm.s32 $0x1BFF;
	s21 =	sshll.u32 s6, $0x1;
	s3 =	sadd.s32 s4, s19  }
0x9c: {  	s7 =	simm.s32 $0x0;
	s20 =	sshll.u32 s5, $0x1;
	s5 =	sadd.s32 s21, s3  }
0x9d: {  	[timem:s7], [sflag:s22] =	dma.local [hbm:s5], s20  }
0x9e: {  	_ =	swait.ge [sflag:s22], s20  }
0x9f: {  	s4 =	ssub.s32 $0x0, s20;
	[sflag:s22] =	ssyncset.done $0x0  }
0xa0: {  	[sflag:s22] =	ssyncadd.s32 s4;
	_ =	sdelay $0x1  }
0xa1: {  	s23 =	simm.s32 $0x1B8B  }
0xa2: {  	_ =	swait.ge [sflag:s23], $0x1  }
0xa3: {  	[sflag:s23] =	ssyncset.done $0x0  }
0xa4: {  	s25 =	simm.s32 $0x1B8E;
	s24 =	sld [smem:$0x3FFE];
	[sflag:s23] =	ssyncadd.s32 $0xFFFFFFFF  }
0xa5: {  	s26 =	simm.s32 $execute0_lowered;
	[smem:$0x3FD2] =	sst s25  }
0xa6: {  	s5 =	sshll.u32 s26, $0x1;
	_ =	strace $0x80000046;
	[dreg:$0x1] =	wrdreg $0xFFFFFFFF  }
0xa7: {  	s28 =	simm.s32 $_size_execute0_lowered;
	s3 =	sadd.s32 s3, s5;
	[dreg:$0x0] =	wrdreg $0x0  }
0xa8: {  	s5 =	sshll.u32 s28, $0x1;
	[dreg:$0x2] =	wrdreg s3  }
0xa9: {  	[dreg:$0x3] =	wrdreg s5  }
0xaa: {  	[dreg:$0x4] =	wrdreg $0xC0  }
0xab: {  	_ =	task [dreg:s7], $0x5FFFF  }
0xac: {  	[dreg:$0x1] =	wrdreg $0xFFFFFFFF  }
0xad: {  	[dreg:$0x0] =	wrdreg $0x60  }
0xae: {  	[dreg:$0x2] =	wrdreg s2  }
0xaf: {  	[dreg:$0x3] =	wrdreg s24  }
0xb0: {  	[dreg:$0x4] =	wrdreg $0x54000  }
0xb1: {  	[dreg:$0x5] =	wrdreg $0x9  }
0xb2: {  	_ =	task.clear_ibuf [dreg:s7], $0x6FFFF;
	_ =	strace $0x90000046  }
0xb3: {  	s29 =	simm.s32 $0x9;
	_ =	strace $0x80000048  }
0xb4: {  	_ =	swait.ge [sflag:s29], $0x1  }
0xb5: {  	[sflag:s29] =	ssyncadd.s32 $0xFFFFFFFF  }
0xb6: {  	_ =	strace $0x90000048  }
0xb7: {  	_ =	sfence  }
0xb8: {  	s30 =	sld [smem:$0x0];
	_ =	sdelay $0x2  }
0xb9: {  	s31 =	sshll.u32 s1, $0xD;
	s1 =	sshrl.u32 s1, $0x2  }
0xba: {  	s3 =	sand.u32 $0x4000, s31;
	s1 =	sadd.s32 s1, s30  }
0xbb: {  	s0 =	sor.u32 s3, s0;
	s1 =	sshll.u32 s1, $0x11  }
0xbc: {  	s0 =	sor.u32 s1, s0  }
0xbd: {  	s0 =	sadd.s32 $0x8F2B, s0  }
0xbe: {  	[sflag:s0] =	ssyncadd.remote.s32 $0x1  }
0xbf: {  	_ =	sfence.sel $0xFFFF  }
0xc0: {  	[dreg:$0x0] =	wrdreg $0xFFFFFFFF;
	(pc) =	sbr.abs _section_cstart, $3  }
0xc1: {  	[dreg:$0x1] =	wrdreg $0xFFFFFFFF  }
0xc2: {  	_ =	task.clear_ibuf [dreg:s7], $0x2FFFF;
	_ =	strace $0x9FFFFFFF  }
0xc3: {  	(tm) =	ssettm $0x7FFFFFFF  }
tec
execute0_lowered:
.L_overlay_start_1:
0x0: {  	(tag) =	ssettag $0x1  }
0x1: {  	s6 =	rddreg [dreg:$0x0]  }
0x2: {  	s7 =	rddreg [dreg:$0x1]  }
0x3: {  	s1 =	rddreg [dreg:$0x2];
	s2 =	srdreg.scid  }
0x4: {  	s0 =	rddreg [dreg:$0x3];
	s3 =	simm.s32 $0x0;
	s8 =	sand.u32 $0x1, s2  }
0x5: {  	[smem:$0x7FF] =	sst s3;
	s9 =	smul.u32 $0x28000, s8  }
0x6: {  	s2 =	stileid.u32;
	s10 =	smul.u32 $0x2800, s8  }
0x7: {  	s4 =	sadd.s32 $0x6E00, s7;
	s5 =	sadd.s32 $0x7600, s7;
	s11 =	smul.u32 $0x280, s2  }
0x8: {  	_ =	strace $0x80000047;
	s8 =	ssub.s32 $0x2, s8;
	s12 =	smul.u32 $0x50000, s2  }
0x9: {  	s14 =	smul.u32 $0x2800, s2;
	s31 =	sshll.u32 s2, $0x6;
	s28 =	sshrl.u32 s8, $0x1  }
0xa: {  	s7 =	sadd.s32 s9, s7;
	s6 =	sadd.s32 s6, s10;
	s8 =	ssub.s32 s8, s28  }
0xb: {  	s29 =	sshrl.u32 s12, $0x2;
	s9 =	simm.s32 $0x1400;
	s10 =	sor.u32 $0x1C01, s31  }
0xc: {  	s12 =	simm.s32 $0x80;
	s6 =	sadd.s32 s11, s6;
	s30 =	sadd.s32 s29, s1  }
0xd: {  	s13 =	sadd.s32 $0x9E00, s7;
	s7 =	smax.u32 s8, $0x1;
	s8 =	simm.s32 $0x1  }
0xe: {  	s11 =	sshrl.u32 s30, $0x3;
	s13 =	sadd.s32 s14, s13;
	s14 =	simm.s32 $0x0  }
.LBB2_1:
0xf: {  	[tilespmem:s3], [sflag:$0x1] =	stream.linear.gather [hbm4b:s6+s3], $0x1400, $0x38;
	[tilespmem:$0x19400] =	vst v63  }
0x10: {  	_ =	swait.ge [sflag:s8], $0x1400  }
0x11: {  	[sflag:s8] =	ssyncset.done $0x0  }
0x12: {  	[sflag:s8] =	ssyncadd.s32 $0xFFFFEC00  }
0x13: {  	[tilespmem:s9], [sflag:$0x1] =	stream.linear.gather [hbm4b:s4+s3], $0x4000, $0x38;
	[tilespmem:$0x19400] =	vst v63  }
0x14: {  	_ =	swait.ge [sflag:s8], $0x4000  }
0x15: {  	[sflag:s8] =	ssyncset.done $0x0  }
0x16: {  	[sflag:s8] =	ssyncadd.s32 $0xFFFFC000  }
0x17: {  	[spmem:s11], [sflag:s10] =	dma.local [hbm:s5], $0x2800  }
0x18: {  	_ =	swait.ge [sflag:s8], $0x2800  }
0x19: {  	[sflag:s8] =	ssyncset.done $0x0  }
0x1a: {  	[sflag:s8] =	ssyncadd.s32 $0xFFFFD800  }
0x1b: {  	s15 =	simm.s32 $0x0;
	[bflag:$0x0] =	sbarrier.arrive $0xFFFF  }
0x1c: {  	[spmem:s1] =	stream.indirect.scatter.add.f32 [tilespmem:s9], [sflag:$0x1], $0x80, s15, s12, $0xb8;
	[tilespmem:$0x19400] =	vst v63  }
0x1d: {  	_ =	swait.ge [sflag:s8], $0x4000  }
0x1e: {  	s15 =	simm.s32 $0x200;
	[sflag:s8] =	ssyncset.done $0x0  }
.LBB2_2:
0x1f: {  	s16 =	sshra.s32 s15, $0x2;
	[sflag:s8] =	ssyncadd.s32 $0xFFFFC000;
	p0 =	sne.s32 s15, $0x4E00  }
0x20: {  	[spmem:s1] =	stream.indirect.scatter.add.f32 [tilespmem:s9], [sflag:$0x1], $0x80, s16, s12, $0xb8;
	[tilespmem:$0x19400] =	vst v63  }
.Ltmp0:
0x21: {  	_ = 	snop;
	(pc) =	sbr.rel @p0 .LBB2_2-.Ltmp0, $4  }
0x22: {  	_ = 	snop  }
0x23: {  	s15 =	sadd.s32 $0x200, s15  }
0x24: {  	_ =	swait.ge [sflag:s8], $0x4000  }
0x25: {  	[sflag:s8] =	ssyncset.done $0x0  }
0x26: {  	s14 =	sadd.s32 $0x1, s14  }
0x27: {  	[sflag:s8] =	ssyncadd.s32 $0xFFFFC000;
	p0 =	sne.s32 s14, s7  }
.Ltmp1:
0x28: {  	[bflag:$0x0] =	sbarrier.arrive $0xFFFF;
	(pc) =	sbr.rel @p0 .LBB2_1-.Ltmp1, $4  }
0x29: {  	[hbm:s13], [sflag:s10] =	dma.local [spmem:s11], $0x2800  }
0x2a: {  	_ =	swait.ge [sflag:s8], $0x2800  }
0x2b: {  	[sflag:s8] =	ssyncset.done $0x0  }
0x2c: {  	[sflag:s8] =	ssyncadd.s32 $0xFFFFD800  }
0x2d: {  	_ =	sfence.sel $0x180000  }
0x2e: {  	[bflag:$0x0] =	sbarrier.arrive $0xFFFF  }
0x2f: {  	p0 =	sne.s32 s2, $0x0;
	_ =	strace $0x90000047  }
0x30: {  	s0 =	sadd.s32 @!p0 $0x100000, s0;
	[bflag:$0x2] =	sbarrier.arrive $0xFFFF  }
0x31: {  	[sflag:s0] =	ssyncadd.tile.s32 @!p0 $0x1;
	_ =	shalt  }
.Lfunc_end2:
_tile_overlayer_lowered:
.L_overlay_start_2:
0x32: {  	(tag) =	ssettag $0x2  }
0x33: {  	s0 =	rddreg [dreg:$0x0];
	s2 =	stileid.u32  }
0x34: {  	s1 =	rddreg [dreg:$0x1];
	p0 =	sne.s32 s2, $0x0  }
0x35: {  	s3 =	rddreg [dreg:$0x2];
	[bflag:$0x3] =	sbarrier.arrive $0xFFFF;
	s2 =	simm.s32 @!p0 $0x1C01  }
0x36: {  	[timem:s3], [sflag:s2] =	dma.local @!p0 [hbm:s0], s1  }
0x37: {  	s0 =	simm.s32 @!p0 $0x1  }
0x38: {  	_ =	swait.ge @!p0 [sflag:s0], s1  }
0x39: {  	s1 =	ssub.s32 @!p0 $0x0, s1;
	[sflag:s0] =	ssyncset.done @!p0 $0x0  }
0x3a: {  	[sflag:s0] =	ssyncadd.s32 @!p0 s1  }
0x3b: {  	[bflag:$0x3] =	sbarrier.arrive $0xFFFF  }
0x3c: {  	_ =	shalt  }

</sc_bundles>
